<compile_context>
chip_gen: v7x
topology: tpu7x:2x2x1
jax: 0.10.2.dev20260603
libtpu: 0.0.44.dev20260713+nightly
codegen_flags: <defaults>
</compile_context>

<pallas_src>
import functools

import jax
import jax.numpy as jnp
from jax import lax
from jax.experimental import pallas as pl
from jax.experimental.pallas import tpu as pltpu
from jax.experimental.pallas import tpu_sc as plsc

_NC = 2
_NS = 16
_NW = _NC * _NS
_B = 125
_CH = 16


def _row_split(n, s):
  rb = (n // _NS) // 8 * 8
  last = n - (_NS - 1) * rb
  base = s * rb
  nch = jnp.where(s == _NS - 1, last // _CH, rb // _CH)
  return base, nch

_mesh = functools.partial(
    plsc.VectorSubcoreMesh, core_axis_name="c", subcore_axis_name="s")


def _sc_degree(dst3, n):
  nb = dst3.shape[1]

  @functools.partial(
      pl.kernel,
      out_type=jax.ShapeDtypeStruct((_NC, n, 16), jnp.float32),
      mesh=_mesh(),
      scratch_types=[
          pltpu.VMEM((nb, _B), jnp.int32),
          pltpu.VMEM((_B, 16), jnp.float32),
          pltpu.VMEM((_CH, 16), jnp.float32),
          pltpu.VMEM_SHARED((n, 16), jnp.float32),
          pltpu.SemaphoreType.DMA,
      ],
  )
  def deg_kernel(dst_hbm, out_hbm, didx, ones_v, zbuf, accum, sem):
    c = lax.axis_index("c")
    s = lax.axis_index("s")
    wid = s * _NC + c
    pltpu.sync_copy(dst_hbm.at[wid], didx)

    def fill(r, carry):
      zbuf[r] = jnp.zeros((16,), jnp.float32)
      return carry

    lax.fori_loop(0, _CH, fill, 0)

    def fill1(r, carry):
      ones_v[r] = jnp.ones((16,), jnp.float32)
      return carry

    lax.fori_loop(0, _B, fill1, 0)

    base, nch = _row_split(n, s)

    def zero(k, carry):
      pltpu.sync_copy(zbuf, accum.at[pl.ds(base + k * _CH, _CH)])
      return carry

    lax.fori_loop(0, nch, zero, 0)
    plsc.subcore_barrier()

    grp = 10

    def body(g, carry):
      for j in range(grp):
        pltpu.async_copy(ones_v, accum.at[didx.at[g * grp + j]], sem, add=True)
      for j in range(grp):
        pltpu.make_async_copy(ones_v, accum.at[didx.at[g * grp + j]], sem).wait()
      return carry

    lax.fori_loop(0, nb // grp, body, 0)
    plsc.subcore_barrier()

    def wout(k, carry):
      pltpu.sync_copy(accum.at[pl.ds(base + k * _CH, _CH)],
                      out_hbm.at[c, pl.ds(base + k * _CH, _CH)])
      return carry

    lax.fori_loop(0, nch, wout, 0)

  return deg_kernel(dst3)


def _sc_edge_agg(table, idx4, n, d, dtype=jnp.float32):
  nb = idx4.shape[1]
  assert nb % 2 == 0 and nb >= 4
  assert table.dtype == dtype

  @functools.partial(
      pl.kernel,
      out_type=jax.ShapeDtypeStruct((_NC, n, d), dtype),
      mesh=_mesh(),
      scratch_types=[
          pltpu.VMEM((4, 2, _B), jnp.int32),
          pltpu.VMEM((2, _B, d), dtype),
          pltpu.VMEM((_CH, d), dtype),
          pltpu.VMEM_SHARED((n, d), dtype),
          pltpu.SemaphoreType.DMA,
          pltpu.SemaphoreType.DMA,
          pltpu.SemaphoreType.DMA,
          pltpu.SemaphoreType.DMA,
      ],
  )
  def agg_kernel(tbl_hbm, idx_hbm, out_hbm,
                 ring, rows, zbuf, accum, sem0, sem1, semi0, semi1):
    c = lax.axis_index("c")
    s = lax.axis_index("s")
    wid = s * _NC + c
    for i in range(4):
      pltpu.sync_copy(idx_hbm.at[wid, i], ring.at[i])

    def fill(r, carry):
      for j in range(d // 16):
        zbuf[r, pl.ds(j * 16, 16)] = jnp.zeros((16,), dtype)
      return carry

    lax.fori_loop(0, _CH, fill, 0)

    base, nch = _row_split(n, s)

    def zero(k, carry):
      pltpu.sync_copy(zbuf, accum.at[pl.ds(base + k * _CH, _CH)])
      return carry

    lax.fori_loop(0, nch, zero, 0)
    plsc.subcore_barrier()

    sems = (sem0, sem1)
    isems = (semi0, semi1)
    pltpu.async_copy(tbl_hbm.at[ring.at[0, 0]], rows.at[0], sem0)
    pltpu.async_copy(tbl_hbm.at[ring.at[1, 0]], rows.at[1], sem1)

    def body(k, carry):
      for b in range(2):
        i = 2 * k + b
        pltpu.make_async_copy(tbl_hbm.at[ring.at[i % 4, 0]], rows.at[b],
                              sems[b]).wait()
        pltpu.sync_copy(rows.at[b], accum.at[ring.at[i % 4, 1]], add=True)

        @pl.when(i + 4 < nb)
        def _():
          pltpu.async_copy(idx_hbm.at[wid, i + 4], ring.at[i % 4], isems[b])

        @pl.when(i + 2 < nb)
        def _():
          @pl.when(i >= 2)
          def _():
            pltpu.make_async_copy(idx_hbm.at[wid, i + 2],
                                  ring.at[(i + 2) % 4], isems[b]).wait()
          pltpu.async_copy(tbl_hbm.at[ring.at[(i + 2) % 4, 0]], rows.at[b],
                           sems[b])
      return carry

    lax.fori_loop(0, nb // 2, body, 0)
    plsc.subcore_barrier()

    def wout(k, carry):
      pltpu.sync_copy(accum.at[pl.ds(base + k * _CH, _CH)],
                      out_hbm.at[c, pl.ds(base + k * _CH, _CH)])
      return carry

    lax.fori_loop(0, nch, wout, 0)

  return agg_kernel(table, idx4)


_RB = 2000


def _prescale_body(d0, d1, x, xs, dinv16):
  cnt = d0[...][:, 0:1] + d1[...][:, 0:1]
  dinv = lax.rsqrt(cnt + 1.0)
  xs[...] = x[...] * dinv
  dinv16[...] = jnp.broadcast_to(dinv, dinv16.shape)


def _tc_prescale(degp, x):
  n, din = x.shape
  grid = (n // _RB,)
  row = lambda i: (i, 0)
  return pl.pallas_call(
      _prescale_body,
      grid=grid,
      in_specs=[
          pl.BlockSpec((_RB, 16), row),
          pl.BlockSpec((_RB, 16), row),
          pl.BlockSpec((_RB, din), row),
      ],
      out_specs=[
          pl.BlockSpec((_RB, din), row),
          pl.BlockSpec((_RB, 16), row),
      ],
      out_shape=[
          jax.ShapeDtypeStruct((n, din), jnp.float32),
          jax.ShapeDtypeStruct((n, 16), jnp.float32),
      ],
  )(degp[0], degp[1], x)


def _dense_body(g0, g1, x, dinv16, w1, b1, w2p, z_ref, zs_ref):
  dv = dinv16[...][:, 0:1]
  agg = dv * (g0[...] + g1[...]) + (dv * dv) * x[...]
  h = jnp.maximum(
      jnp.dot(agg, w1[...], preferred_element_type=jnp.float32) + b1[...], 0.0)
  z = jnp.dot(h, w2p[...], preferred_element_type=jnp.float32)
  z_ref[...] = z
  zs_ref[...] = jnp.pad(z * dv, ((0, 0), (0, 112)))


def _tc_dense(gp, x, dinv16, w1, b1, w2p):
  n, din = x.shape
  dhid = w1.shape[1]
  grid = (n // _RB,)
  row = lambda i: (i, 0)
  full = lambda i: (0, 0)
  return pl.pallas_call(
      _dense_body,
      grid=grid,
      in_specs=[
          pl.BlockSpec((_RB, din), row),
          pl.BlockSpec((_RB, din), row),
          pl.BlockSpec((_RB, din), row),
          pl.BlockSpec((_RB, 16), row),
          pl.BlockSpec((din, dhid), full),
          pl.BlockSpec((1, dhid), full),
          pl.BlockSpec((dhid, 16), full),
      ],
      out_specs=[
          pl.BlockSpec((_RB, 16), row),
          pl.BlockSpec((_RB, 128), row),
      ],
      out_shape=[
          jax.ShapeDtypeStruct((n, 16), jnp.float32),
          jax.ShapeDtypeStruct((n, 128), jnp.float32),
      ],
  )(gp[0], gp[1], x, dinv16, w1, b1, w2p)


def _out_body(ncls, g0, g1, z, dinv16, b2p, o_ref):
  dv = dinv16[...][:, 0:1]
  logits = dv * (g0[...][:, :16] + g1[...][:, :16]) + (dv * dv) * z[...] + b2p[...]
  mask = lax.broadcasted_iota(jnp.int32, logits.shape, 1) < ncls
  lm = jnp.where(mask, logits, -1e30)
  m = jnp.max(lm, axis=1, keepdims=True)
  ls = lm - m
  e = jnp.where(mask, jnp.exp(ls), 0.0)
  o_ref[...] = ls - jnp.log(jnp.sum(e, axis=1, keepdims=True))


def _tc_out(g2p, z, dinv16, b2p, ncls):
  n = z.shape[0]
  grid = (n // _RB,)
  row = lambda i: (i, 0)
  full = lambda i: (0, 0)
  return pl.pallas_call(
      functools.partial(_out_body, ncls),
      grid=grid,
      in_specs=[
          pl.BlockSpec((_RB, 128), row),
          pl.BlockSpec((_RB, 128), row),
          pl.BlockSpec((_RB, 16), row),
          pl.BlockSpec((_RB, 16), row),
          pl.BlockSpec((1, 16), full),
      ],
      out_specs=pl.BlockSpec((_RB, 16), row),
      out_shape=jax.ShapeDtypeStruct((n, 16), jnp.float32),
  )(g2p[0], g2p[1], z, dinv16, b2p)


def kernel(x, edge_index, W1, b1, W2, b2):
  n, din = x.shape
  dhid = W1.shape[1]
  ncls = W2.shape[1]
  e = edge_index.shape[1]
  assert e % (_NW * _B) == 0 and n % _CH == 0 and din % 16 == 0

  src3 = edge_index[0].reshape(_NW, -1, _B)
  dst3 = edge_index[1].reshape(_NW, -1, _B)
  idx4 = jnp.stack([src3, dst3], axis=2)

  degp = _sc_degree(dst3, n)
  xs, dinv16 = _tc_prescale(degp, x)
  gp = _sc_edge_agg(xs, idx4, n, din)

  w2p = jnp.pad(W2, ((0, 0), (0, 16 - ncls)))
  b2p = jnp.pad(b2, (0, 16 - ncls)).reshape(1, 16)
  z, zs = _tc_dense(gp, x, dinv16, W1, b1.reshape(1, dhid), w2p)

  g2p = _sc_edge_agg(zs, idx4, n, 128)
  out16 = _tc_out(g2p, z, dinv16, b2p, ncls)
  return out16[:, :ncls]

# --- scband reference (transcript-rebuilt; emitter-appended) ---
"""Pipeline reference for scband-graph-classifier-17549236372088 (READ-ONLY COPY).

The authoritative reference and input builder live on the scoring server;
editing this copy changes nothing except your own understanding.
"""

import jax, jax.numpy as jnp
import numpy as np

N = 10000
E = 320000
D_IN = 128
D_HID = 256
N_CLASSES = 10


def setup_inputs(seed: int = 0) -> dict:
    key = jax.random.key(seed)
    k1, k2, k3, k4 = jax.random.split(key, 4)
    x = jax.random.normal(k1, (N, D_IN), dtype=jnp.float32)
    edge_index = jax.random.randint(k2, (2, E), 0, N, dtype=jnp.int32)
    W1 = jax.random.normal(k3, (D_IN, D_HID), dtype=jnp.float32) * (1.0 / np.sqrt(D_IN))
    b1 = jnp.zeros((D_HID,), dtype=jnp.float32)
    W2 = jax.random.normal(k4, (D_HID, N_CLASSES), dtype=jnp.float32) * (1.0 / np.sqrt(D_HID))
    b2 = jnp.zeros((N_CLASSES,), dtype=jnp.float32)
    return {"x": x, "edge_index": edge_index, "W1": W1, "b1": b1, "W2": W2, "b2": b2}


def _gcn_conv(x, edge_index, W, b):
    # GCNConv: symmetric normalization with self-loops (PyG semantics)
    n = x.shape[0]
    h = x @ W
    loop = jnp.arange(n, dtype=edge_index.dtype)
    src = jnp.concatenate([edge_index[0], loop])
    dst = jnp.concatenate([edge_index[1], loop])
    deg = jnp.zeros((n,), dtype=h.dtype).at[dst].add(1.0)
    dinv = jax.lax.rsqrt(deg)  # deg >= 1 thanks to self loops
    norm = dinv[src] * dinv[dst]
    msg = h[src] * norm[:, None]
    out = jnp.zeros_like(h).at[dst].add(msg)
    return out + b


def reference(x, edge_index, W1, b1, W2, b2):
    h = _gcn_conv(x, edge_index, W1, b1)
    h = jax.nn.relu(h)
    # F.dropout(training=self.training): identity in eval mode
    h = _gcn_conv(h, edge_index, W2, b2)
    return jax.nn.log_softmax(h, axis=1)

if __name__ == "__main__":
    import jax
    _d = setup_inputs()
    print(jax.jit(kernel)(*tuple(_d.values())))

</pallas_src>

<mosaic_0001>
#map = affine_map<(d0, d1) -> (0, 0)>
#map1 = affine_map<(d0, d1) -> (0, 0, 0, 0)>
#map2 = affine_map<(d0, d1) -> (0, 0, 0)>
module attributes {stable_mosaic.version = 14 : i64} {
  func.func @agg_kernel(%arg0: i32, %arg1: i32, %arg2: memref<10000x128xf32, #tpu.memory_space<hbm>>, %arg3: memref<32x80x2x125xi32, #tpu.memory_space<hbm>>, %arg4: memref<2x10000x128xf32, #tpu.memory_space<hbm>>, %arg5: memref<4x2x125xi32, #tpu.memory_space<vmem>>, %arg6: memref<2x125x128xf32, #tpu.memory_space<vmem>>, %arg7: memref<16x128xf32, #tpu.memory_space<vmem>>, %arg8: memref<10000x128xf32, #tpu.memory_space<vmem_shared>>, %arg9: memref<!tpu.dma_semaphore, #tpu.memory_space<semaphore_mem>>, %arg10: memref<!tpu.dma_semaphore, #tpu.memory_space<semaphore_mem>>, %arg11: memref<!tpu.dma_semaphore, #tpu.memory_space<semaphore_mem>>, %arg12: memref<!tpu.dma_semaphore, #tpu.memory_space<semaphore_mem>>) attributes {dimension_semantics = [#tpu.dimension_semantics<core_parallel>, #tpu.dimension_semantics<subcore_parallel>], iteration_bounds = array<i64: 2, 16>, scalar_prefetch = 0 : i64, scratch_operands = 8 : i64, tpu.core_type = #tpu.core_type<sc_vector_subcore>, window_params = [{transform_indices = #map}, {transform_indices = #map1}, {transform_indices = #map2}]} {
    %mul3A = arith.constant 2 : i32
    %mul3A_0 = arith.muli %arg1, %mul3A : i32
    %add3A = arith.addi %mul3A_0, %arg0 : i32
    %run_scoped3A = arith.constant 0 : i32
    %run_scoped3A_1 = arith.constant 0 : i32
    "tpu.region"() ({
      %run_scoped3A_68 = tpu.sem_alloc : memref<!tpu.dma_semaphore, #tpu.memory_space<semaphore_mem>>
      %dma_start3A_69 = arith.constant 0 : i32
      %dma_start3A_70 = arith.constant 0 : i32
      %dma_start3A_71 = tpu.memref_slice %arg5[%run_scoped3A_1, %dma_start3A_69, %dma_start3A_70] : memref<4x2x125xi32, #tpu.memory_space<vmem>> -> memref<1x2x125xi32, #tpu.memory_space<vmem>>
      %dma_start3A_72 = tpu.memref_squeeze %dma_start3A_71 : memref<1x2x125xi32, #tpu.memory_space<vmem>> -> memref<2x125xi32, #tpu.memory_space<vmem>>
      %dma_start3A_73 = arith.constant 0 : i32
      %dma_start3A_74 = arith.constant 0 : i32
      %dma_start3A_75 = tpu.memref_slice %arg3[%add3A, %run_scoped3A, %dma_start3A_73, %dma_start3A_74] : memref<32x80x2x125xi32, #tpu.memory_space<hbm>> -> memref<1x1x2x125xi32, #tpu.memory_space<hbm>>
      %dma_start3A_76 = tpu.memref_squeeze %dma_start3A_75 : memref<1x1x2x125xi32, #tpu.memory_space<hbm>> -> memref<2x125xi32, #tpu.memory_space<hbm>>
      %dma_start3A_77 = arith.constant 0 : i32
      %dma_start3A_78 = arith.constant 0 : i32
      %dma_start3A_79 = tpu.memref_slice %arg5[%run_scoped3A_1, %dma_start3A_77, %dma_start3A_78] : memref<4x2x125xi32, #tpu.memory_space<vmem>> -> memref<1x2x125xi32, #tpu.memory_space<vmem>>
      %dma_start3A_80 = tpu.memref_squeeze %dma_start3A_79 : memref<1x2x125xi32, #tpu.memory_space<vmem>> -> memref<2x125xi32, #tpu.memory_space<vmem>>
      %dma_start3A_81 = arith.constant 0 : i32
      %dma_start3A_82 = arith.constant 0 : i32
      %dma_start3A_83 = tpu.memref_slice %arg3[%add3A, %run_scoped3A, %dma_start3A_81, %dma_start3A_82] : memref<32x80x2x125xi32, #tpu.memory_space<hbm>> -> memref<1x1x2x125xi32, #tpu.memory_space<hbm>>
      %dma_start3A_84 = tpu.memref_squeeze %dma_start3A_83 : memref<1x1x2x125xi32, #tpu.memory_space<hbm>> -> memref<2x125xi32, #tpu.memory_space<hbm>>
      tpu.enqueue_dma source(%dma_start3A_84 : memref<2x125xi32, #tpu.memory_space<hbm>>) target(%dma_start3A_80 : memref<2x125xi32, #tpu.memory_space<vmem>>) target_semaphore(%run_scoped3A_68 : memref<!tpu.dma_semaphore, #tpu.memory_space<semaphore_mem>>)
      %dma_wait3A = arith.constant 0 : i32
      %dma_wait3A_85 = arith.constant 0 : i32
      %dma_wait3A_86 = tpu.memref_slice %arg5[%run_scoped3A_1, %dma_wait3A, %dma_wait3A_85] : memref<4x2x125xi32, #tpu.memory_space<vmem>> -> memref<1x2x125xi32, #tpu.memory_space<vmem>>
      %dma_wait3A_87 = tpu.memref_squeeze %dma_wait3A_86 : memref<1x2x125xi32, #tpu.memory_space<vmem>> -> memref<2x125xi32, #tpu.memory_space<vmem>>
      %dma_wait3A_88 = arith.constant 0 : i32
      %dma_wait3A_89 = arith.constant 0 : i32
      %dma_wait3A_90 = tpu.memref_slice %arg3[%add3A, %run_scoped3A, %dma_wait3A_88, %dma_wait3A_89] : memref<32x80x2x125xi32, #tpu.memory_space<hbm>> -> memref<1x1x2x125xi32, #tpu.memory_space<hbm>>
      %dma_wait3A_91 = tpu.memref_squeeze %dma_wait3A_90 : memref<1x1x2x125xi32, #tpu.memory_space<hbm>> -> memref<2x125xi32, #tpu.memory_space<hbm>>
      %dma_wait3A_92 = arith.constant 0 : i32
      %dma_wait3A_93 = arith.constant 0 : i32
      %dma_wait3A_94 = tpu.memref_slice %arg5[%run_scoped3A_1, %dma_wait3A_92, %dma_wait3A_93] : memref<4x2x125xi32, #tpu.memory_space<vmem>> -> memref<1x2x125xi32, #tpu.memory_space<vmem>>
      %dma_wait3A_95 = tpu.memref_squeeze %dma_wait3A_94 : memref<1x2x125xi32, #tpu.memory_space<vmem>> -> memref<2x125xi32, #tpu.memory_space<vmem>>
      %dma_wait3A_96 = arith.constant 0 : i32
      %dma_wait3A_97 = arith.constant 0 : i32
      %dma_wait3A_98 = tpu.memref_slice %arg3[%add3A, %run_scoped3A, %dma_wait3A_96, %dma_wait3A_97] : memref<32x80x2x125xi32, #tpu.memory_space<hbm>> -> memref<1x1x2x125xi32, #tpu.memory_space<hbm>>
      %dma_wait3A_99 = tpu.memref_squeeze %dma_wait3A_98 : memref<1x1x2x125xi32, #tpu.memory_space<hbm>> -> memref<2x125xi32, #tpu.memory_space<hbm>>
      tpu.wait_dma2 semaphore(%run_scoped3A_68 : memref<!tpu.dma_semaphore, #tpu.memory_space<semaphore_mem>>) src(%dma_wait3A_99 : memref<2x125xi32, #tpu.memory_space<hbm>>) dst(%dma_wait3A_95 : memref<2x125xi32, #tpu.memory_space<vmem>>)
      tpu.yield
    }) : () -> ()
    %run_scoped3A_2 = arith.constant 1 : i32
    %run_scoped3A_3 = arith.constant 1 : i32
    "tpu.region"() ({
      %run_scoped3A_68 = tpu.sem_alloc : memref<!tpu.dma_semaphore, #tpu.memory_space<semaphore_mem>>
      %dma_start3A_69 = arith.constant 0 : i32
      %dma_start3A_70 = arith.constant 0 : i32
      %dma_start3A_71 = tpu.memref_slice %arg5[%run_scoped3A_3, %dma_start3A_69, %dma_start3A_70] : memref<4x2x125xi32, #tpu.memory_space<vmem>> -> memref<1x2x125xi32, #tpu.memory_space<vmem>>
      %dma_start3A_72 = tpu.memref_squeeze %dma_start3A_71 : memref<1x2x125xi32, #tpu.memory_space<vmem>> -> memref<2x125xi32, #tpu.memory_space<vmem>>
      %dma_start3A_73 = arith.constant 0 : i32
      %dma_start3A_74 = arith.constant 0 : i32
      %dma_start3A_75 = tpu.memref_slice %arg3[%add3A, %run_scoped3A_2, %dma_start3A_73, %dma_start3A_74] : memref<32x80x2x125xi32, #tpu.memory_space<hbm>> -> memref<1x1x2x125xi32, #tpu.memory_space<hbm>>
      %dma_start3A_76 = tpu.memref_squeeze %dma_start3A_75 : memref<1x1x2x125xi32, #tpu.memory_space<hbm>> -> memref<2x125xi32, #tpu.memory_space<hbm>>
      %dma_start3A_77 = arith.constant 0 : i32
      %dma_start3A_78 = arith.constant 0 : i32
      %dma_start3A_79 = tpu.memref_slice %arg5[%run_scoped3A_3, %dma_start3A_77, %dma_start3A_78] : memref<4x2x125xi32, #tpu.memory_space<vmem>> -> memref<1x2x125xi32, #tpu.memory_space<vmem>>
      %dma_start3A_80 = tpu.memref_squeeze %dma_start3A_79 : memref<1x2x125xi32, #tpu.memory_space<vmem>> -> memref<2x125xi32, #tpu.memory_space<vmem>>
      %dma_start3A_81 = arith.constant 0 : i32
      %dma_start3A_82 = arith.constant 0 : i32
      %dma_start3A_83 = tpu.memref_slice %arg3[%add3A, %run_scoped3A_2, %dma_start3A_81, %dma_start3A_82] : memref<32x80x2x125xi32, #tpu.memory_space<hbm>> -> memref<1x1x2x125xi32, #tpu.memory_space<hbm>>
      %dma_start3A_84 = tpu.memref_squeeze %dma_start3A_83 : memref<1x1x2x125xi32, #tpu.memory_space<hbm>> -> memref<2x125xi32, #tpu.memory_space<hbm>>
      tpu.enqueue_dma source(%dma_start3A_84 : memref<2x125xi32, #tpu.memory_space<hbm>>) target(%dma_start3A_80 : memref<2x125xi32, #tpu.memory_space<vmem>>) target_semaphore(%run_scoped3A_68 : memref<!tpu.dma_semaphore, #tpu.memory_space<semaphore_mem>>)
      %dma_wait3A = arith.constant 0 : i32
      %dma_wait3A_85 = arith.constant 0 : i32
      %dma_wait3A_86 = tpu.memref_slice %arg5[%run_scoped3A_3, %dma_wait3A, %dma_wait3A_85] : memref<4x2x125xi32, #tpu.memory_space<vmem>> -> memref<1x2x125xi32, #tpu.memory_space<vmem>>
      %dma_wait3A_87 = tpu.memref_squeeze %dma_wait3A_86 : memref<1x2x125xi32, #tpu.memory_space<vmem>> -> memref<2x125xi32, #tpu.memory_space<vmem>>
      %dma_wait3A_88 = arith.constant 0 : i32
      %dma_wait3A_89 = arith.constant 0 : i32
      %dma_wait3A_90 = tpu.memref_slice %arg3[%add3A, %run_scoped3A_2, %dma_wait3A_88, %dma_wait3A_89] : memref<32x80x2x125xi32, #tpu.memory_space<hbm>> -> memref<1x1x2x125xi32, #tpu.memory_space<hbm>>
      %dma_wait3A_91 = tpu.memref_squeeze %dma_wait3A_90 : memref<1x1x2x125xi32, #tpu.memory_space<hbm>> -> memref<2x125xi32, #tpu.memory_space<hbm>>
      %dma_wait3A_92 = arith.constant 0 : i32
      %dma_wait3A_93 = arith.constant 0 : i32
      %dma_wait3A_94 = tpu.memref_slice %arg5[%run_scoped3A_3, %dma_wait3A_92, %dma_wait3A_93] : memref<4x2x125xi32, #tpu.memory_space<vmem>> -> memref<1x2x125xi32, #tpu.memory_space<vmem>>
      %dma_wait3A_95 = tpu.memref_squeeze %dma_wait3A_94 : memref<1x2x125xi32, #tpu.memory_space<vmem>> -> memref<2x125xi32, #tpu.memory_space<vmem>>
      %dma_wait3A_96 = arith.constant 0 : i32
      %dma_wait3A_97 = arith.constant 0 : i32
      %dma_wait3A_98 = tpu.memref_slice %arg3[%add3A, %run_scoped3A_2, %dma_wait3A_96, %dma_wait3A_97] : memref<32x80x2x125xi32, #tpu.memory_space<hbm>> -> memref<1x1x2x125xi32, #tpu.memory_space<hbm>>
      %dma_wait3A_99 = tpu.memref_squeeze %dma_wait3A_98 : memref<1x1x2x125xi32, #tpu.memory_space<hbm>> -> memref<2x125xi32, #tpu.memory_space<hbm>>
      tpu.wait_dma2 semaphore(%run_scoped3A_68 : memref<!tpu.dma_semaphore, #tpu.memory_space<semaphore_mem>>) src(%dma_wait3A_99 : memref<2x125xi32, #tpu.memory_space<hbm>>) dst(%dma_wait3A_95 : memref<2x125xi32, #tpu.memory_space<vmem>>)
      tpu.yield
    }) : () -> ()
    %run_scoped3A_4 = arith.constant 2 : i32
    %run_scoped3A_5 = arith.constant 2 : i32
    "tpu.region"() ({
      %run_scoped3A_68 = tpu.sem_alloc : memref<!tpu.dma_semaphore, #tpu.memory_space<semaphore_mem>>
      %dma_start3A_69 = arith.constant 0 : i32
      %dma_start3A_70 = arith.constant 0 : i32
      %dma_start3A_71 = tpu.memref_slice %arg5[%run_scoped3A_5, %dma_start3A_69, %dma_start3A_70] : memref<4x2x125xi32, #tpu.memory_space<vmem>> -> memref<1x2x125xi32, #tpu.memory_space<vmem>>
      %dma_start3A_72 = tpu.memref_squeeze %dma_start3A_71 : memref<1x2x125xi32, #tpu.memory_space<vmem>> -> memref<2x125xi32, #tpu.memory_space<vmem>>
      %dma_start3A_73 = arith.constant 0 : i32
      %dma_start3A_74 = arith.constant 0 : i32
      %dma_start3A_75 = tpu.memref_slice %arg3[%add3A, %run_scoped3A_4, %dma_start3A_73, %dma_start3A_74] : memref<32x80x2x125xi32, #tpu.memory_space<hbm>> -> memref<1x1x2x125xi32, #tpu.memory_space<hbm>>
      %dma_start3A_76 = tpu.memref_squeeze %dma_start3A_75 : memref<1x1x2x125xi32, #tpu.memory_space<hbm>> -> memref<2x125xi32, #tpu.memory_space<hbm>>
      %dma_start3A_77 = arith.constant 0 : i32
      %dma_start3A_78 = arith.constant 0 : i32
      %dma_start3A_79 = tpu.memref_slice %arg5[%run_scoped3A_5, %dma_start3A_77, %dma_start3A_78] : memref<4x2x125xi32, #tpu.memory_space<vmem>> -> memref<1x2x125xi32, #tpu.memory_space<vmem>>
      %dma_start3A_80 = tpu.memref_squeeze %dma_start3A_79 : memref<1x2x125xi32, #tpu.memory_space<vmem>> -> memref<2x125xi32, #tpu.memory_space<vmem>>
      %dma_start3A_81 = arith.constant 0 : i32
      %dma_start3A_82 = arith.constant 0 : i32
      %dma_start3A_83 = tpu.memref_slice %arg3[%add3A, %run_scoped3A_4, %dma_start3A_81, %dma_start3A_82] : memref<32x80x2x125xi32, #tpu.memory_space<hbm>> -> memref<1x1x2x125xi32, #tpu.memory_space<hbm>>
      %dma_start3A_84 = tpu.memref_squeeze %dma_start3A_83 : memref<1x1x2x125xi32, #tpu.memory_space<hbm>> -> memref<2x125xi32, #tpu.memory_space<hbm>>
      tpu.enqueue_dma source(%dma_start3A_84 : memref<2x125xi32, #tpu.memory_space<hbm>>) target(%dma_start3A_80 : memref<2x125xi32, #tpu.memory_space<vmem>>) target_semaphore(%run_scoped3A_68 : memref<!tpu.dma_semaphore, #tpu.memory_space<semaphore_mem>>)
      %dma_wait3A = arith.constant 0 : i32
      %dma_wait3A_85 = arith.constant 0 : i32
      %dma_wait3A_86 = tpu.memref_slice %arg5[%run_scoped3A_5, %dma_wait3A, %dma_wait3A_85] : memref<4x2x125xi32, #tpu.memory_space<vmem>> -> memref<1x2x125xi32, #tpu.memory_space<vmem>>
      %dma_wait3A_87 = tpu.memref_squeeze %dma_wait3A_86 : memref<1x2x125xi32, #tpu.memory_space<vmem>> -> memref<2x125xi32, #tpu.memory_space<vmem>>
      %dma_wait3A_88 = arith.constant 0 : i32
      %dma_wait3A_89 = arith.constant 0 : i32
      %dma_wait3A_90 = tpu.memref_slice %arg3[%add3A, %run_scoped3A_4, %dma_wait3A_88, %dma_wait3A_89] : memref<32x80x2x125xi32, #tpu.memory_space<hbm>> -> memref<1x1x2x125xi32, #tpu.memory_space<hbm>>
      %dma_wait3A_91 = tpu.memref_squeeze %dma_wait3A_90 : memref<1x1x2x125xi32, #tpu.memory_space<hbm>> -> memref<2x125xi32, #tpu.memory_space<hbm>>
      %dma_wait3A_92 = arith.constant 0 : i32
      %dma_wait3A_93 = arith.constant 0 : i32
      %dma_wait3A_94 = tpu.memref_slice %arg5[%run_scoped3A_5, %dma_wait3A_92, %dma_wait3A_93] : memref<4x2x125xi32, #tpu.memory_space<vmem>> -> memref<1x2x125xi32, #tpu.memory_space<vmem>>
      %dma_wait3A_95 = tpu.memref_squeeze %dma_wait3A_94 : memref<1x2x125xi32, #tpu.memory_space<vmem>> -> memref<2x125xi32, #tpu.memory_space<vmem>>
      %dma_wait3A_96 = arith.constant 0 : i32
      %dma_wait3A_97 = arith.constant 0 : i32
      %dma_wait3A_98 = tpu.memref_slice %arg3[%add3A, %run_scoped3A_4, %dma_wait3A_96, %dma_wait3A_97] : memref<32x80x2x125xi32, #tpu.memory_space<hbm>> -> memref<1x1x2x125xi32, #tpu.memory_space<hbm>>
      %dma_wait3A_99 = tpu.memref_squeeze %dma_wait3A_98 : memref<1x1x2x125xi32, #tpu.memory_space<hbm>> -> memref<2x125xi32, #tpu.memory_space<hbm>>
      tpu.wait_dma2 semaphore(%run_scoped3A_68 : memref<!tpu.dma_semaphore, #tpu.memory_space<semaphore_mem>>) src(%dma_wait3A_99 : memref<2x125xi32, #tpu.memory_space<hbm>>) dst(%dma_wait3A_95 : memref<2x125xi32, #tpu.memory_space<vmem>>)
      tpu.yield
    }) : () -> ()
    %run_scoped3A_6 = arith.constant 3 : i32
    %run_scoped3A_7 = arith.constant 3 : i32
    "tpu.region"() ({
      %run_scoped3A_68 = tpu.sem_alloc : memref<!tpu.dma_semaphore, #tpu.memory_space<semaphore_mem>>
      %dma_start3A_69 = arith.constant 0 : i32
      %dma_start3A_70 = arith.constant 0 : i32
      %dma_start3A_71 = tpu.memref_slice %arg5[%run_scoped3A_7, %dma_start3A_69, %dma_start3A_70] : memref<4x2x125xi32, #tpu.memory_space<vmem>> -> memref<1x2x125xi32, #tpu.memory_space<vmem>>
      %dma_start3A_72 = tpu.memref_squeeze %dma_start3A_71 : memref<1x2x125xi32, #tpu.memory_space<vmem>> -> memref<2x125xi32, #tpu.memory_space<vmem>>
      %dma_start3A_73 = arith.constant 0 : i32
      %dma_start3A_74 = arith.constant 0 : i32
      %dma_start3A_75 = tpu.memref_slice %arg3[%add3A, %run_scoped3A_6, %dma_start3A_73, %dma_start3A_74] : memref<32x80x2x125xi32, #tpu.memory_space<hbm>> -> memref<1x1x2x125xi32, #tpu.memory_space<hbm>>
      %dma_start3A_76 = tpu.memref_squeeze %dma_start3A_75 : memref<1x1x2x125xi32, #tpu.memory_space<hbm>> -> memref<2x125xi32, #tpu.memory_space<hbm>>
      %dma_start3A_77 = arith.constant 0 : i32
      %dma_start3A_78 = arith.constant 0 : i32
      %dma_start3A_79 = tpu.memref_slice %arg5[%run_scoped3A_7, %dma_start3A_77, %dma_start3A_78] : memref<4x2x125xi32, #tpu.memory_space<vmem>> -> memref<1x2x125xi32, #tpu.memory_space<vmem>>
      %dma_start3A_80 = tpu.memref_squeeze %dma_start3A_79 : memref<1x2x125xi32, #tpu.memory_space<vmem>> -> memref<2x125xi32, #tpu.memory_space<vmem>>
      %dma_start3A_81 = arith.constant 0 : i32
      %dma_start3A_82 = arith.constant 0 : i32
      %dma_start3A_83 = tpu.memref_slice %arg3[%add3A, %run_scoped3A_6, %dma_start3A_81, %dma_start3A_82] : memref<32x80x2x125xi32, #tpu.memory_space<hbm>> -> memref<1x1x2x125xi32, #tpu.memory_space<hbm>>
      %dma_start3A_84 = tpu.memref_squeeze %dma_start3A_83 : memref<1x1x2x125xi32, #tpu.memory_space<hbm>> -> memref<2x125xi32, #tpu.memory_space<hbm>>
      tpu.enqueue_dma source(%dma_start3A_84 : memref<2x125xi32, #tpu.memory_space<hbm>>) target(%dma_start3A_80 : memref<2x125xi32, #tpu.memory_space<vmem>>) target_semaphore(%run_scoped3A_68 : memref<!tpu.dma_semaphore, #tpu.memory_space<semaphore_mem>>)
      %dma_wait3A = arith.constant 0 : i32
      %dma_wait3A_85 = arith.constant 0 : i32
      %dma_wait3A_86 = tpu.memref_slice %arg5[%run_scoped3A_7, %dma_wait3A, %dma_wait3A_85] : memref<4x2x125xi32, #tpu.memory_space<vmem>> -> memref<1x2x125xi32, #tpu.memory_space<vmem>>
      %dma_wait3A_87 = tpu.memref_squeeze %dma_wait3A_86 : memref<1x2x125xi32, #tpu.memory_space<vmem>> -> memref<2x125xi32, #tpu.memory_space<vmem>>
      %dma_wait3A_88 = arith.constant 0 : i32
      %dma_wait3A_89 = arith.constant 0 : i32
      %dma_wait3A_90 = tpu.memref_slice %arg3[%add3A, %run_scoped3A_6, %dma_wait3A_88, %dma_wait3A_89] : memref<32x80x2x125xi32, #tpu.memory_space<hbm>> -> memref<1x1x2x125xi32, #tpu.memory_space<hbm>>
      %dma_wait3A_91 = tpu.memref_squeeze %dma_wait3A_90 : memref<1x1x2x125xi32, #tpu.memory_space<hbm>> -> memref<2x125xi32, #tpu.memory_space<hbm>>
      %dma_wait3A_92 = arith.constant 0 : i32
      %dma_wait3A_93 = arith.constant 0 : i32
      %dma_wait3A_94 = tpu.memref_slice %arg5[%run_scoped3A_7, %dma_wait3A_92, %dma_wait3A_93] : memref<4x2x125xi32, #tpu.memory_space<vmem>> -> memref<1x2x125xi32, #tpu.memory_space<vmem>>
      %dma_wait3A_95 = tpu.memref_squeeze %dma_wait3A_94 : memref<1x2x125xi32, #tpu.memory_space<vmem>> -> memref<2x125xi32, #tpu.memory_space<vmem>>
      %dma_wait3A_96 = arith.constant 0 : i32
      %dma_wait3A_97 = arith.constant 0 : i32
      %dma_wait3A_98 = tpu.memref_slice %arg3[%add3A, %run_scoped3A_6, %dma_wait3A_96, %dma_wait3A_97] : memref<32x80x2x125xi32, #tpu.memory_space<hbm>> -> memref<1x1x2x125xi32, #tpu.memory_space<hbm>>
      %dma_wait3A_99 = tpu.memref_squeeze %dma_wait3A_98 : memref<1x1x2x125xi32, #tpu.memory_space<hbm>> -> memref<2x125xi32, #tpu.memory_space<hbm>>
      tpu.wait_dma2 semaphore(%run_scoped3A_68 : memref<!tpu.dma_semaphore, #tpu.memory_space<semaphore_mem>>) src(%dma_wait3A_99 : memref<2x125xi32, #tpu.memory_space<hbm>>) dst(%dma_wait3A_95 : memref<2x125xi32, #tpu.memory_space<vmem>>)
      tpu.yield
    }) : () -> ()
    %scan3A = arith.constant 0 : i32
    %scan3A_8 = arith.constant 0 : i32
    %scan3A_9 = arith.constant 16 : i32
    %scan3A_10 = arith.addi %scan3A_8, %scan3A_9 : i32
    %scan3A_11 = arith.constant 1 : i32
    scf.for %scan3A_68 = %scan3A_8 to %scan3A_10 step %scan3A_11  : i32 {
      %broadcast_in_dim3A = arith.constant 0.000000e+00 : f32
      %broadcast_in_dim3A_69 = vector.broadcast %broadcast_in_dim3A : f32 to vector<16xf32>
      %swap3A = arith.index_cast %scan3A_68 : i32 to index
      %swap3A_70 = arith.constant 0 : index
      %swap3A_71 = tpu.vector_load %arg7[%swap3A, %swap3A_70] {strides = array<i32>} : memref<16x128xf32, #tpu.memory_space<vmem>>, vector<1x16xf32>,
      %swap3A_72 = vector.shape_cast %swap3A_71 : vector<1x16xf32> to vector<16xf32>
      %swap3A_73 = vector.shape_cast %broadcast_in_dim3A_69 : vector<16xf32> to vector<1x16xf32>
      tpu.vector_store %arg7[%swap3A, %swap3A_70], %swap3A_73 {strides = array<i32>} : memref<16x128xf32, #tpu.memory_space<vmem>>, vector<1x16xf32>,
      %broadcast_in_dim3A_74 = arith.constant 0.000000e+00 : f32
      %broadcast_in_dim3A_75 = vector.broadcast %broadcast_in_dim3A_74 : f32 to vector<16xf32>
      %swap3A_76 = arith.index_cast %scan3A_68 : i32 to index
      %swap3A_77 = arith.constant 16 : index
      %swap3A_78 = tpu.vector_load %arg7[%swap3A_76, %swap3A_77] {strides = array<i32>} : memref<16x128xf32, #tpu.memory_space<vmem>>, vector<1x16xf32>,
      %swap3A_79 = vector.shape_cast %swap3A_78 : vector<1x16xf32> to vector<16xf32>
      %swap3A_80 = vector.shape_cast %broadcast_in_dim3A_75 : vector<16xf32> to vector<1x16xf32>
      tpu.vector_store %arg7[%swap3A_76, %swap3A_77], %swap3A_80 {strides = array<i32>} : memref<16x128xf32, #tpu.memory_space<vmem>>, vector<1x16xf32>,
      %broadcast_in_dim3A_81 = arith.constant 0.000000e+00 : f32
      %broadcast_in_dim3A_82 = vector.broadcast %broadcast_in_dim3A_81 : f32 to vector<16xf32>
      %swap3A_83 = arith.index_cast %scan3A_68 : i32 to index
      %swap3A_84 = arith.constant 32 : index
      %swap3A_85 = tpu.vector_load %arg7[%swap3A_83, %swap3A_84] {strides = array<i32>} : memref<16x128xf32, #tpu.memory_space<vmem>>, vector<1x16xf32>,
      %swap3A_86 = vector.shape_cast %swap3A_85 : vector<1x16xf32> to vector<16xf32>
      %swap3A_87 = vector.shape_cast %broadcast_in_dim3A_82 : vector<16xf32> to vector<1x16xf32>
      tpu.vector_store %arg7[%swap3A_83, %swap3A_84], %swap3A_87 {strides = array<i32>} : memref<16x128xf32, #tpu.memory_space<vmem>>, vector<1x16xf32>,
      %broadcast_in_dim3A_88 = arith.constant 0.000000e+00 : f32
      %broadcast_in_dim3A_89 = vector.broadcast %broadcast_in_dim3A_88 : f32 to vector<16xf32>
      %swap3A_90 = arith.index_cast %scan3A_68 : i32 to index
      %swap3A_91 = arith.constant 48 : index
      %swap3A_92 = tpu.vector_load %arg7[%swap3A_90, %swap3A_91] {strides = array<i32>} : memref<16x128xf32, #tpu.memory_space<vmem>>, vector<1x16xf32>,
      %swap3A_93 = vector.shape_cast %swap3A_92 : vector<1x16xf32> to vector<16xf32>
      %swap3A_94 = vector.shape_cast %broadcast_in_dim3A_89 : vector<16xf32> to vector<1x16xf32>
      tpu.vector_store %arg7[%swap3A_90, %swap3A_91], %swap3A_94 {strides = array<i32>} : memref<16x128xf32, #tpu.memory_space<vmem>>, vector<1x16xf32>,
      %broadcast_in_dim3A_95 = arith.constant 0.000000e+00 : f32
      %broadcast_in_dim3A_96 = vector.broadcast %broadcast_in_dim3A_95 : f32 to vector<16xf32>
      %swap3A_97 = arith.index_cast %scan3A_68 : i32 to index
      %swap3A_98 = arith.constant 64 : index
      %swap3A_99 = tpu.vector_load %arg7[%swap3A_97, %swap3A_98] {strides = array<i32>} : memref<16x128xf32, #tpu.memory_space<vmem>>, vector<1x16xf32>,
      %swap3A_100 = vector.shape_cast %swap3A_99 : vector<1x16xf32> to vector<16xf32>
      %swap3A_101 = vector.shape_cast %broadcast_in_dim3A_96 : vector<16xf32> to vector<1x16xf32>
      tpu.vector_store %arg7[%swap3A_97, %swap3A_98], %swap3A_101 {strides = array<i32>} : memref<16x128xf32, #tpu.memory_space<vmem>>, vector<1x16xf32>,
      %broadcast_in_dim3A_102 = arith.constant 0.000000e+00 : f32
      %broadcast_in_dim3A_103 = vector.broadcast %broadcast_in_dim3A_102 : f32 to vector<16xf32>
      %swap3A_104 = arith.index_cast %scan3A_68 : i32 to index
      %swap3A_105 = arith.constant 80 : index
      %swap3A_106 = tpu.vector_load %arg7[%swap3A_104, %swap3A_105] {strides = array<i32>} : memref<16x128xf32, #tpu.memory_space<vmem>>, vector<1x16xf32>,
      %swap3A_107 = vector.shape_cast %swap3A_106 : vector<1x16xf32> to vector<16xf32>
      %swap3A_108 = vector.shape_cast %broadcast_in_dim3A_103 : vector<16xf32> to vector<1x16xf32>
      tpu.vector_store %arg7[%swap3A_104, %swap3A_105], %swap3A_108 {strides = array<i32>} : memref<16x128xf32, #tpu.memory_space<vmem>>, vector<1x16xf32>,
      %broadcast_in_dim3A_109 = arith.constant 0.000000e+00 : f32
      %broadcast_in_dim3A_110 = vector.broadcast %broadcast_in_dim3A_109 : f32 to vector<16xf32>
      %swap3A_111 = arith.index_cast %scan3A_68 : i32 to index
      %swap3A_112 = arith.constant 96 : index
      %swap3A_113 = tpu.vector_load %arg7[%swap3A_111, %swap3A_112] {strides = array<i32>} : memref<16x128xf32, #tpu.memory_space<vmem>>, vector<1x16xf32>,
      %swap3A_114 = vector.shape_cast %swap3A_113 : vector<1x16xf32> to vector<16xf32>
      %swap3A_115 = vector.shape_cast %broadcast_in_dim3A_110 : vector<16xf32> to vector<1x16xf32>
      tpu.vector_store %arg7[%swap3A_111, %swap3A_112], %swap3A_115 {strides = array<i32>} : memref<16x128xf32, #tpu.memory_space<vmem>>, vector<1x16xf32>,
      %broadcast_in_dim3A_116 = arith.constant 0.000000e+00 : f32
      %broadcast_in_dim3A_117 = vector.broadcast %broadcast_in_dim3A_116 : f32 to vector<16xf32>
      %swap3A_118 = arith.index_cast %scan3A_68 : i32 to index
      %swap3A_119 = arith.constant 112 : index
      %swap3A_120 = tpu.vector_load %arg7[%swap3A_118, %swap3A_119] {strides = array<i32>} : memref<16x128xf32, #tpu.memory_space<vmem>>, vector<1x16xf32>,
      %swap3A_121 = vector.shape_cast %swap3A_120 : vector<1x16xf32> to vector<16xf32>
      %swap3A_122 = vector.shape_cast %broadcast_in_dim3A_117 : vector<16xf32> to vector<1x16xf32>
      tpu.vector_store %arg7[%swap3A_118, %swap3A_119], %swap3A_122 {strides = array<i32>} : memref<16x128xf32, #tpu.memory_space<vmem>>, vector<1x16xf32>,
    }
    %scan3A_12 = arith.constant 16 : i32
    %mul3A_13 = arith.constant 624 : i32
    %mul3A_14 = arith.muli %arg1, %mul3A_13 : i32
    %eq3A = arith.constant 15 : i32
    %eq3A_15 = arith.cmpi eq, %arg1, %eq3A : i32
    %jit3A = arith.constant 40 : i32
    %jit3A_16 = arith.constant 39 : i32
    %select_n3A = arith.select %eq3A_15, %jit3A, %jit3A_16 : i32
    %while3A = arith.constant 0 : i32
    %while3A_17 = arith.constant 0 : i32
    %while3A_18 = arith.subi %select_n3A, %while3A_17 : i32
    %while3A_19 = arith.addi %while3A_17, %while3A_18 : i32
    %while3A_20 = arith.constant 1 : i32
    %while3A_21 = arith.divsi %while3A_18, %while3A_20 : i32
    %while3A_22 = arith.muli %while3A_21, %while3A_20 : i32
    %while3A_23 = arith.addi %while3A_17, %while3A_22 : i32
    %while3A_24 = arith.constant 1 : i32
    scf.for %while3A_68 = %while3A_17 to %while3A_23 step %while3A_24  : i32 {
      %mul3A_69 = arith.constant 16 : i32
      %mul3A_70 = arith.muli %while3A_68, %mul3A_69 : i32
      %add3A_71 = arith.addi %mul3A_14, %mul3A_70 : i32
      "tpu.region"() ({
        %run_scoped3A_72 = tpu.sem_alloc : memref<!tpu.dma_semaphore, #tpu.memory_space<semaphore_mem>>
        %dma_start3A_73 = arith.constant 0 : i32
        %dma_start3A_74 = tpu.memref_slice %arg8[%add3A_71, %dma_start3A_73] : memref<10000x128xf32, #tpu.memory_space<vmem_shared>> -> memref<16x128xf32, #tpu.memory_space<vmem_shared>>
        %dma_start3A_75 = arith.constant 0 : i32
        %dma_start3A_76 = tpu.memref_slice %arg8[%add3A_71, %dma_start3A_75] : memref<10000x128xf32, #tpu.memory_space<vmem_shared>> -> memref<16x128xf32, #tpu.memory_space<vmem_shared>>
        tpu.enqueue_dma source(%arg7 : memref<16x128xf32, #tpu.memory_space<vmem>>) target(%dma_start3A_76 : memref<16x128xf32, #tpu.memory_space<vmem_shared>>) target_semaphore(%run_scoped3A_72 : memref<!tpu.dma_semaphore, #tpu.memory_space<semaphore_mem>>)
        %dma_wait3A = arith.constant 0 : i32
        %dma_wait3A_77 = tpu.memref_slice %arg8[%add3A_71, %dma_wait3A] : memref<10000x128xf32, #tpu.memory_space<vmem_shared>> -> memref<16x128xf32, #tpu.memory_space<vmem_shared>>
        %dma_wait3A_78 = arith.constant 0 : i32
        %dma_wait3A_79 = tpu.memref_slice %arg8[%add3A_71, %dma_wait3A_78] : memref<10000x128xf32, #tpu.memory_space<vmem_shared>> -> memref<16x128xf32, #tpu.memory_space<vmem_shared>>
        tpu.wait_dma2 semaphore(%run_scoped3A_72 : memref<!tpu.dma_semaphore, #tpu.memory_space<semaphore_mem>>) src(%arg7 : memref<16x128xf32, #tpu.memory_space<vmem>>) dst(%dma_wait3A_79 : memref<16x128xf32, #tpu.memory_space<vmem_shared>>)
        tpu.yield
      }) : () -> ()
    }
    %while3A_25 = arith.constant 1 : i32
    scf.for %while3A_68 = %while3A_23 to %while3A_19 step %while3A_25  : i32 {
      %mul3A_69 = arith.constant 16 : i32
      %mul3A_70 = arith.muli %while3A_68, %mul3A_69 : i32
      %add3A_71 = arith.addi %mul3A_14, %mul3A_70 : i32
      "tpu.region"() ({
        %run_scoped3A_72 = tpu.sem_alloc : memref<!tpu.dma_semaphore, #tpu.memory_space<semaphore_mem>>
        %dma_start3A_73 = arith.constant 0 : i32
        %dma_start3A_74 = tpu.memref_slice %arg8[%add3A_71, %dma_start3A_73] : memref<10000x128xf32, #tpu.memory_space<vmem_shared>> -> memref<16x128xf32, #tpu.memory_space<vmem_shared>>
        %dma_start3A_75 = arith.constant 0 : i32
        %dma_start3A_76 = tpu.memref_slice %arg8[%add3A_71, %dma_start3A_75] : memref<10000x128xf32, #tpu.memory_space<vmem_shared>> -> memref<16x128xf32, #tpu.memory_space<vmem_shared>>
        tpu.enqueue_dma source(%arg7 : memref<16x128xf32, #tpu.memory_space<vmem>>) target(%dma_start3A_76 : memref<16x128xf32, #tpu.memory_space<vmem_shared>>) target_semaphore(%run_scoped3A_72 : memref<!tpu.dma_semaphore, #tpu.memory_space<semaphore_mem>>)
        %dma_wait3A = arith.constant 0 : i32
        %dma_wait3A_77 = tpu.memref_slice %arg8[%add3A_71, %dma_wait3A] : memref<10000x128xf32, #tpu.memory_space<vmem_shared>> -> memref<16x128xf32, #tpu.memory_space<vmem_shared>>
        %dma_wait3A_78 = arith.constant 0 : i32
        %dma_wait3A_79 = tpu.memref_slice %arg8[%add3A_71, %dma_wait3A_78] : memref<10000x128xf32, #tpu.memory_space<vmem_shared>> -> memref<16x128xf32, #tpu.memory_space<vmem_shared>>
        tpu.wait_dma2 semaphore(%run_scoped3A_72 : memref<!tpu.dma_semaphore, #tpu.memory_space<semaphore_mem>>) src(%arg7 : memref<16x128xf32, #tpu.memory_space<vmem>>) dst(%dma_wait3A_79 : memref<16x128xf32, #tpu.memory_space<vmem_shared>>)
        tpu.yield
      }) : () -> ()
    }
    %barrier3A = arith.constant 0 : index
    tpu.barrier barrier_id(%barrier3A)
    %dma_start3A = arith.constant 0 : i32
    %dma_start3A_26 = arith.constant 0 : i32
    %dma_start3A_27 = arith.constant 0 : i32
    %dma_start3A_28 = arith.constant 0 : i32
    %dma_start3A_29 = arith.constant 0 : i32
    %dma_start3A_30 = tpu.memref_slice %arg6[%dma_start3A_27, %dma_start3A_28, %dma_start3A_29] : memref<2x125x128xf32, #tpu.memory_space<vmem>> -> memref<1x125x128xf32, #tpu.memory_space<vmem>>
    %dma_start3A_31 = tpu.memref_squeeze %dma_start3A_30 : memref<1x125x128xf32, #tpu.memory_space<vmem>> -> memref<125x128xf32, #tpu.memory_space<vmem>>
    %dma_start3A_32 = arith.constant 0 : i32
    %dma_start3A_33 = tpu.memref_slice %arg5[%dma_start3A, %dma_start3A_26, %dma_start3A_32] : memref<4x2x125xi32, #tpu.memory_space<vmem>> -> memref<1x1x125xi32, #tpu.memory_space<vmem>>
    %dma_start3A_34 = tpu.memref_squeeze %dma_start3A_33 : memref<1x1x125xi32, #tpu.memory_space<vmem>> -> memref<125xi32, #tpu.memory_space<vmem>>
    %dma_start3A_35 = arith.constant 0 : i32
    %dma_start3A_36 = arith.constant 0 : i32
    %dma_start3A_37 = tpu.memref_slice %arg2[%dma_start3A_35, %dma_start3A_36] : memref<10000x128xf32, #tpu.memory_space<hbm>> -> memref<10000x128xf32, #tpu.memory_space<hbm>>
    tpu.enqueue_indirect_dma source(%dma_start3A_37 : memref<10000x128xf32, #tpu.memory_space<hbm>>) target(%dma_start3A_31 : memref<125x128xf32, #tpu.memory_space<vmem>>) offsets(%dma_start3A_34 : memref<125xi32, #tpu.memory_space<vmem>>) semaphore(%arg9 : memref<!tpu.dma_semaphore, #tpu.memory_space<semaphore_mem>>)
    %dma_start3A_38 = arith.constant 1 : i32
    %dma_start3A_39 = arith.constant 0 : i32
    %dma_start3A_40 = arith.constant 1 : i32
    %dma_start3A_41 = arith.constant 0 : i32
    %dma_start3A_42 = arith.constant 0 : i32
    %dma_start3A_43 = tpu.memref_slice %arg6[%dma_start3A_40, %dma_start3A_41, %dma_start3A_42] : memref<2x125x128xf32, #tpu.memory_space<vmem>> -> memref<1x125x128xf32, #tpu.memory_space<vmem>>
    %dma_start3A_44 = tpu.memref_squeeze %dma_start3A_43 : memref<1x125x128xf32, #tpu.memory_space<vmem>> -> memref<125x128xf32, #tpu.memory_space<vmem>>
    %dma_start3A_45 = arith.constant 0 : i32
    %dma_start3A_46 = tpu.memref_slice %arg5[%dma_start3A_38, %dma_start3A_39, %dma_start3A_45] : memref<4x2x125xi32, #tpu.memory_space<vmem>> -> memref<1x1x125xi32, #tpu.memory_space<vmem>>
    %dma_start3A_47 = tpu.memref_squeeze %dma_start3A_46 : memref<1x1x125xi32, #tpu.memory_space<vmem>> -> memref<125xi32, #tpu.memory_space<vmem>>
    %dma_start3A_48 = arith.constant 0 : i32
    %dma_start3A_49 = arith.constant 0 : i32
    %dma_start3A_50 = tpu.memref_slice %arg2[%dma_start3A_48, %dma_start3A_49] : memref<10000x128xf32, #tpu.memory_space<hbm>> -> memref<10000x128xf32, #tpu.memory_space<hbm>>
    tpu.enqueue_indirect_dma source(%dma_start3A_50 : memref<10000x128xf32, #tpu.memory_space<hbm>>) target(%dma_start3A_44 : memref<125x128xf32, #tpu.memory_space<vmem>>) offsets(%dma_start3A_47 : memref<125xi32, #tpu.memory_space<vmem>>) semaphore(%arg10 : memref<!tpu.dma_semaphore, #tpu.memory_space<semaphore_mem>>)
    %scan3A_51 = arith.constant 0 : i32
    %scan3A_52 = arith.constant 0 : i32
    %scan3A_53 = arith.constant 40 : i32
    %scan3A_54 = arith.addi %scan3A_52, %scan3A_53 : i32
    %scan3A_55 = arith.constant 1 : i32
    scf.for %scan3A_68 = %scan3A_52 to %scan3A_54 step %scan3A_55  : i32 {
      %mul3A_69 = arith.constant 2 : i32
      %mul3A_70 = arith.muli %mul3A_69, %scan3A_68 : i32
      %add3A_71 = arith.constant 0 : i32
      %add3A_72 = arith.addi %mul3A_70, %add3A_71 : i32
      %jit3A_73 = arith.constant 4 : i32
      %eq3A_74 = arith.constant 0 : i32
      %eq3A_75 = arith.cmpi eq, %jit3A_73, %eq3A_74 : i32
      %jit3A_76 = arith.constant 1 : i32
      %select_n3A_77 = arith.select %eq3A_75, %jit3A_76, %jit3A_73 : i32
      %rem3A = arith.remsi %add3A_72, %select_n3A_77 : i32
      %ne3A = arith.constant 0 : i32
      %ne3A_78 = arith.cmpi ne, %rem3A, %ne3A : i32
      %lt3A = arith.constant 0 : i32
      %lt3A_79 = arith.cmpi slt, %rem3A, %lt3A : i32
      %lt3A_80 = arith.constant 0 : i32
      %lt3A_81 = arith.cmpi slt, %select_n3A_77, %lt3A_80 : i32
      %ne3A_82 = arith.xori %lt3A_79, %lt3A_81 : i1
      %and3A = arith.andi %ne3A_82, %ne3A_78 : i1
      %add3A_83 = arith.addi %rem3A, %select_n3A_77 : i32
      %select_n3A_84 = arith.select %and3A, %add3A_83, %rem3A : i32
      %dma_wait3A = arith.constant 0 : i32
      %dma_wait3A_85 = arith.constant 0 : i32
      %dma_wait3A_86 = arith.constant 0 : i32
      %dma_wait3A_87 = arith.constant 0 : i32
      %dma_wait3A_88 = tpu.memref_slice %arg6[%dma_wait3A_85, %dma_wait3A_86, %dma_wait3A_87] : memref<2x125x128xf32, #tpu.memory_space<vmem>> -> memref<1x125x128xf32, #tpu.memory_space<vmem>>
      %dma_wait3A_89 = tpu.memref_squeeze %dma_wait3A_88 : memref<1x125x128xf32, #tpu.memory_space<vmem>> -> memref<125x128xf32, #tpu.memory_space<vmem>>
      %dma_wait3A_90 = arith.constant 0 : i32
      %dma_wait3A_91 = tpu.memref_slice %arg5[%select_n3A_84, %dma_wait3A, %dma_wait3A_90] : memref<4x2x125xi32, #tpu.memory_space<vmem>> -> memref<1x1x125xi32, #tpu.memory_space<vmem>>
      %dma_wait3A_92 = tpu.memref_squeeze %dma_wait3A_91 : memref<1x1x125xi32, #tpu.memory_space<vmem>> -> memref<125xi32, #tpu.memory_space<vmem>>
      %dma_wait3A_93 = arith.constant 0 : i32
      %dma_wait3A_94 = arith.constant 0 : i32
      %dma_wait3A_95 = tpu.memref_slice %arg2[%dma_wait3A_93, %dma_wait3A_94] : memref<10000x128xf32, #tpu.memory_space<hbm>> -> memref<10000x128xf32, #tpu.memory_space<hbm>>
      tpu.wait_indirect_dma semaphore(%arg9 : memref<!tpu.dma_semaphore, #tpu.memory_space<semaphore_mem>>) src(%dma_wait3A_95 : memref<10000x128xf32, #tpu.memory_space<hbm>>) dst(%dma_wait3A_89 : memref<125x128xf32, #tpu.memory_space<vmem>>)
      %jit3A_96 = arith.constant 4 : i32
      %eq3A_97 = arith.constant 0 : i32
      %eq3A_98 = arith.cmpi eq, %jit3A_96, %eq3A_97 : i32
      %jit3A_99 = arith.constant 1 : i32
      %select_n3A_100 = arith.select %eq3A_98, %jit3A_99, %jit3A_96 : i32
      %rem3A_101 = arith.remsi %add3A_72, %select_n3A_100 : i32
      %ne3A_102 = arith.constant 0 : i32
      %ne3A_103 = arith.cmpi ne, %rem3A_101, %ne3A_102 : i32
      %lt3A_104 = arith.constant 0 : i32
      %lt3A_105 = arith.cmpi slt, %rem3A_101, %lt3A_104 : i32
      %lt3A_106 = arith.constant 0 : i32
      %lt3A_107 = arith.cmpi slt, %select_n3A_100, %lt3A_106 : i32
      %ne3A_108 = arith.xori %lt3A_105, %lt3A_107 : i1
      %and3A_109 = arith.andi %ne3A_108, %ne3A_103 : i1
      %add3A_110 = arith.addi %rem3A_101, %select_n3A_100 : i32
      %select_n3A_111 = arith.select %and3A_109, %add3A_110, %rem3A_101 : i32
      %run_scoped3A_112 = arith.constant 0 : i32
      %run_scoped3A_113 = arith.constant 1 : i32
      "tpu.region"() ({
        %run_scoped3A_190 = tpu.sem_alloc : memref<!tpu.dma_semaphore, #tpu.memory_space<semaphore_mem>>
        %dma_start3A_191 = arith.constant 0 : i32
        %dma_start3A_192 = arith.constant 0 : i32
        %dma_start3A_193 = tpu.memref_slice %arg6[%run_scoped3A_112, %dma_start3A_191, %dma_start3A_192] : memref<2x125x128xf32, #tpu.memory_space<vmem>> -> memref<1x125x128xf32, #tpu.memory_space<vmem>>
        %dma_start3A_194 = tpu.memref_squeeze %dma_start3A_193 : memref<1x125x128xf32, #tpu.memory_space<vmem>> -> memref<125x128xf32, #tpu.memory_space<vmem>>
        %dma_start3A_195 = arith.constant 0 : i32
        %dma_start3A_196 = tpu.memref_slice %arg5[%select_n3A_111, %run_scoped3A_113, %dma_start3A_195] : memref<4x2x125xi32, #tpu.memory_space<vmem>> -> memref<1x1x125xi32, #tpu.memory_space<vmem>>
        %dma_start3A_197 = tpu.memref_squeeze %dma_start3A_196 : memref<1x1x125xi32, #tpu.memory_space<vmem>> -> memref<125xi32, #tpu.memory_space<vmem>>
        %dma_start3A_198 = arith.constant 0 : i32
        %dma_start3A_199 = arith.constant 0 : i32
        %dma_start3A_200 = tpu.memref_slice %arg8[%dma_start3A_198, %dma_start3A_199] : memref<10000x128xf32, #tpu.memory_space<vmem_shared>> -> memref<10000x128xf32, #tpu.memory_space<vmem_shared>>
        tpu.enqueue_indirect_dma source(%dma_start3A_194 : memref<125x128xf32, #tpu.memory_space<vmem>>) target(%dma_start3A_200 : memref<10000x128xf32, #tpu.memory_space<vmem_shared>>) offsets(%dma_start3A_197 : memref<125xi32, #tpu.memory_space<vmem>>) semaphore(%run_scoped3A_190 : memref<!tpu.dma_semaphore, #tpu.memory_space<semaphore_mem>>) {add = true}
        %dma_wait3A_201 = arith.constant 0 : i32
        %dma_wait3A_202 = arith.constant 0 : i32
        %dma_wait3A_203 = tpu.memref_slice %arg6[%run_scoped3A_112, %dma_wait3A_201, %dma_wait3A_202] : memref<2x125x128xf32, #tpu.memory_space<vmem>> -> memref<1x125x128xf32, #tpu.memory_space<vmem>>
        %dma_wait3A_204 = tpu.memref_squeeze %dma_wait3A_203 : memref<1x125x128xf32, #tpu.memory_space<vmem>> -> memref<125x128xf32, #tpu.memory_space<vmem>>
        %dma_wait3A_205 = arith.constant 0 : i32
        %dma_wait3A_206 = tpu.memref_slice %arg5[%select_n3A_111, %run_scoped3A_113, %dma_wait3A_205] : memref<4x2x125xi32, #tpu.memory_space<vmem>> -> memref<1x1x125xi32, #tpu.memory_space<vmem>>
        %dma_wait3A_207 = tpu.memref_squeeze %dma_wait3A_206 : memref<1x1x125xi32, #tpu.memory_space<vmem>> -> memref<125xi32, #tpu.memory_space<vmem>>
        %dma_wait3A_208 = arith.constant 0 : i32
        %dma_wait3A_209 = arith.constant 0 : i32
        %dma_wait3A_210 = tpu.memref_slice %arg8[%dma_wait3A_208, %dma_wait3A_209] : memref<10000x128xf32, #tpu.memory_space<vmem_shared>> -> memref<10000x128xf32, #tpu.memory_space<vmem_shared>>
        tpu.wait_indirect_dma semaphore(%run_scoped3A_190 : memref<!tpu.dma_semaphore, #tpu.memory_space<semaphore_mem>>) src(%dma_wait3A_204 : memref<125x128xf32, #tpu.memory_space<vmem>>) dst(%dma_wait3A_210 : memref<10000x128xf32, #tpu.memory_space<vmem_shared>>)
        tpu.yield
      }) : () -> ()
      %add3A_114 = arith.constant 4 : i32
      %add3A_115 = arith.addi %add3A_72, %add3A_114 : i32
      %lt3A_116 = arith.constant 80 : i32
      %lt3A_117 = arith.cmpi slt, %add3A_115, %lt3A_116 : i32
      %convert_element_type3A = arith.extui %lt3A_117 : i1 to i32
      %cond3A = arith.constant 0 : i32
      %cond3A_118 = arith.cmpi ne, %convert_element_type3A, %cond3A : i32
      scf.if %cond3A_118 {
        %add3A_190 = arith.constant 4 : i32
        %add3A_191 = arith.addi %add3A_72, %add3A_190 : i32
        %jit3A_192 = arith.constant 4 : i32
        %eq3A_193 = arith.constant 0 : i32
        %eq3A_194 = arith.cmpi eq, %jit3A_192, %eq3A_193 : i32
        %jit3A_195 = arith.constant 1 : i32
        %select_n3A_196 = arith.select %eq3A_194, %jit3A_195, %jit3A_192 : i32
        %rem3A_197 = arith.remsi %add3A_72, %select_n3A_196 : i32
        %ne3A_198 = arith.constant 0 : i32
        %ne3A_199 = arith.cmpi ne, %rem3A_197, %ne3A_198 : i32
        %lt3A_200 = arith.constant 0 : i32
        %lt3A_201 = arith.cmpi slt, %rem3A_197, %lt3A_200 : i32
        %lt3A_202 = arith.constant 0 : i32
        %lt3A_203 = arith.cmpi slt, %select_n3A_196, %lt3A_202 : i32
        %ne3A_204 = arith.xori %lt3A_201, %lt3A_203 : i1
        %and3A_205 = arith.andi %ne3A_204, %ne3A_199 : i1
        %add3A_206 = arith.addi %rem3A_197, %select_n3A_196 : i32
        %select_n3A_207 = arith.select %and3A_205, %add3A_206, %rem3A_197 : i32
        %dma_start3A_208 = arith.constant 0 : i32
        %dma_start3A_209 = arith.constant 0 : i32
        %dma_start3A_210 = tpu.memref_slice %arg5[%select_n3A_207, %dma_start3A_208, %dma_start3A_209] : memref<4x2x125xi32, #tpu.memory_space<vmem>> -> memref<1x2x125xi32, #tpu.memory_space<vmem>>
        %dma_start3A_211 = tpu.memref_squeeze %dma_start3A_210 : memref<1x2x125xi32, #tpu.memory_space<vmem>> -> memref<2x125xi32, #tpu.memory_space<vmem>>
        %dma_start3A_212 = arith.constant 0 : i32
        %dma_start3A_213 = arith.constant 0 : i32
        %dma_start3A_214 = tpu.memref_slice %arg3[%add3A, %add3A_191, %dma_start3A_212, %dma_start3A_213] : memref<32x80x2x125xi32, #tpu.memory_space<hbm>> -> memref<1x1x2x125xi32, #tpu.memory_space<hbm>>
        %dma_start3A_215 = tpu.memref_squeeze %dma_start3A_214 : memref<1x1x2x125xi32, #tpu.memory_space<hbm>> -> memref<2x125xi32, #tpu.memory_space<hbm>>
        %dma_start3A_216 = arith.constant 0 : i32
        %dma_start3A_217 = arith.constant 0 : i32
        %dma_start3A_218 = tpu.memref_slice %arg5[%select_n3A_207, %dma_start3A_216, %dma_start3A_217] : memref<4x2x125xi32, #tpu.memory_space<vmem>> -> memref<1x2x125xi32, #tpu.memory_space<vmem>>
        %dma_start3A_219 = tpu.memref_squeeze %dma_start3A_218 : memref<1x2x125xi32, #tpu.memory_space<vmem>> -> memref<2x125xi32, #tpu.memory_space<vmem>>
        %dma_start3A_220 = arith.constant 0 : i32
        %dma_start3A_221 = arith.constant 0 : i32
        %dma_start3A_222 = tpu.memref_slice %arg3[%add3A, %add3A_191, %dma_start3A_220, %dma_start3A_221] : memref<32x80x2x125xi32, #tpu.memory_space<hbm>> -> memref<1x1x2x125xi32, #tpu.memory_space<hbm>>
        %dma_start3A_223 = tpu.memref_squeeze %dma_start3A_222 : memref<1x1x2x125xi32, #tpu.memory_space<hbm>> -> memref<2x125xi32, #tpu.memory_space<hbm>>
        tpu.enqueue_dma source(%dma_start3A_223 : memref<2x125xi32, #tpu.memory_space<hbm>>) target(%dma_start3A_219 : memref<2x125xi32, #tpu.memory_space<vmem>>) target_semaphore(%arg11 : memref<!tpu.dma_semaphore, #tpu.memory_space<semaphore_mem>>)
      } else {
      }
      %add3A_119 = arith.constant 2 : i32
      %add3A_120 = arith.addi %add3A_72, %add3A_119 : i32
      %lt3A_121 = arith.constant 80 : i32
      %lt3A_122 = arith.cmpi slt, %add3A_120, %lt3A_121 : i32
      %convert_element_type3A_123 = arith.extui %lt3A_122 : i1 to i32
      %cond3A_124 = arith.constant 0 : i32
      %cond3A_125 = arith.cmpi ne, %convert_element_type3A_123, %cond3A_124 : i32
      scf.if %cond3A_125 {
        %ge3A = arith.constant 2 : i32
        %ge3A_190 = arith.cmpi sge, %add3A_72, %ge3A : i32
        %convert_element_type3A_191 = arith.extui %ge3A_190 : i1 to i32
        %cond3A_192 = arith.constant 0 : i32
        %cond3A_193 = arith.cmpi ne, %convert_element_type3A_191, %cond3A_192 : i32
        scf.if %cond3A_193 {
          %add3A_224 = arith.constant 2 : i32
          %add3A_225 = arith.addi %add3A_72, %add3A_224 : i32
          %add3A_226 = arith.constant 2 : i32
          %add3A_227 = arith.addi %add3A_72, %add3A_226 : i32
          %jit3A_228 = arith.constant 4 : i32
          %eq3A_229 = arith.constant 0 : i32
          %eq3A_230 = arith.cmpi eq, %jit3A_228, %eq3A_229 : i32
          %jit3A_231 = arith.constant 1 : i32
          %select_n3A_232 = arith.select %eq3A_230, %jit3A_231, %jit3A_228 : i32
          %rem3A_233 = arith.remsi %add3A_227, %select_n3A_232 : i32
          %ne3A_234 = arith.constant 0 : i32
          %ne3A_235 = arith.cmpi ne, %rem3A_233, %ne3A_234 : i32
          %lt3A_236 = arith.constant 0 : i32
          %lt3A_237 = arith.cmpi slt, %rem3A_233, %lt3A_236 : i32
          %lt3A_238 = arith.constant 0 : i32
          %lt3A_239 = arith.cmpi slt, %select_n3A_232, %lt3A_238 : i32
          %ne3A_240 = arith.xori %lt3A_237, %lt3A_239 : i1
          %and3A_241 = arith.andi %ne3A_240, %ne3A_235 : i1
          %add3A_242 = arith.addi %rem3A_233, %select_n3A_232 : i32
          %select_n3A_243 = arith.select %and3A_241, %add3A_242, %rem3A_233 : i32
          %dma_wait3A_244 = arith.constant 0 : i32
          %dma_wait3A_245 = arith.constant 0 : i32
          %dma_wait3A_246 = tpu.memref_slice %arg5[%select_n3A_243, %dma_wait3A_244, %dma_wait3A_245] : memref<4x2x125xi32, #tpu.memory_space<vmem>> -> memref<1x2x125xi32, #tpu.memory_space<vmem>>
          %dma_wait3A_247 = tpu.memref_squeeze %dma_wait3A_246 : memref<1x2x125xi32, #tpu.memory_space<vmem>> -> memref<2x125xi32, #tpu.memory_space<vmem>>
          %dma_wait3A_248 = arith.constant 0 : i32
          %dma_wait3A_249 = arith.constant 0 : i32
          %dma_wait3A_250 = tpu.memref_slice %arg3[%add3A, %add3A_225, %dma_wait3A_248, %dma_wait3A_249] : memref<32x80x2x125xi32, #tpu.memory_space<hbm>> -> memref<1x1x2x125xi32, #tpu.memory_space<hbm>>
          %dma_wait3A_251 = tpu.memref_squeeze %dma_wait3A_250 : memref<1x1x2x125xi32, #tpu.memory_space<hbm>> -> memref<2x125xi32, #tpu.memory_space<hbm>>
          %dma_wait3A_252 = arith.constant 0 : i32
          %dma_wait3A_253 = arith.constant 0 : i32
          %dma_wait3A_254 = tpu.memref_slice %arg5[%select_n3A_243, %dma_wait3A_252, %dma_wait3A_253] : memref<4x2x125xi32, #tpu.memory_space<vmem>> -> memref<1x2x125xi32, #tpu.memory_space<vmem>>
          %dma_wait3A_255 = tpu.memref_squeeze %dma_wait3A_254 : memref<1x2x125xi32, #tpu.memory_space<vmem>> -> memref<2x125xi32, #tpu.memory_space<vmem>>
          %dma_wait3A_256 = arith.constant 0 : i32
          %dma_wait3A_257 = arith.constant 0 : i32
          %dma_wait3A_258 = tpu.memref_slice %arg3[%add3A, %add3A_225, %dma_wait3A_256, %dma_wait3A_257] : memref<32x80x2x125xi32, #tpu.memory_space<hbm>> -> memref<1x1x2x125xi32, #tpu.memory_space<hbm>>
          %dma_wait3A_259 = tpu.memref_squeeze %dma_wait3A_258 : memref<1x1x2x125xi32, #tpu.memory_space<hbm>> -> memref<2x125xi32, #tpu.memory_space<hbm>>
          tpu.wait_dma2 semaphore(%arg11 : memref<!tpu.dma_semaphore, #tpu.memory_space<semaphore_mem>>) src(%dma_wait3A_259 : memref<2x125xi32, #tpu.memory_space<hbm>>) dst(%dma_wait3A_255 : memref<2x125xi32, #tpu.memory_space<vmem>>)
        } else {
        }
        %add3A_194 = arith.constant 2 : i32
        %add3A_195 = arith.addi %add3A_72, %add3A_194 : i32
        %jit3A_196 = arith.constant 4 : i32
        %eq3A_197 = arith.constant 0 : i32
        %eq3A_198 = arith.cmpi eq, %jit3A_196, %eq3A_197 : i32
        %jit3A_199 = arith.constant 1 : i32
        %select_n3A_200 = arith.select %eq3A_198, %jit3A_199, %jit3A_196 : i32
        %rem3A_201 = arith.remsi %add3A_195, %select_n3A_200 : i32
        %ne3A_202 = arith.constant 0 : i32
        %ne3A_203 = arith.cmpi ne, %rem3A_201, %ne3A_202 : i32
        %lt3A_204 = arith.constant 0 : i32
        %lt3A_205 = arith.cmpi slt, %rem3A_201, %lt3A_204 : i32
        %lt3A_206 = arith.constant 0 : i32
        %lt3A_207 = arith.cmpi slt, %select_n3A_200, %lt3A_206 : i32
        %ne3A_208 = arith.xori %lt3A_205, %lt3A_207 : i1
        %and3A_209 = arith.andi %ne3A_208, %ne3A_203 : i1
        %add3A_210 = arith.addi %rem3A_201, %select_n3A_200 : i32
        %select_n3A_211 = arith.select %and3A_209, %add3A_210, %rem3A_201 : i32
        %dma_start3A_212 = arith.constant 0 : i32
        %dma_start3A_213 = arith.constant 0 : i32
        %dma_start3A_214 = arith.constant 0 : i32
        %dma_start3A_215 = arith.constant 0 : i32
        %dma_start3A_216 = tpu.memref_slice %arg6[%dma_start3A_213, %dma_start3A_214, %dma_start3A_215] : memref<2x125x128xf32, #tpu.memory_space<vmem>> -> memref<1x125x128xf32, #tpu.memory_space<vmem>>
        %dma_start3A_217 = tpu.memref_squeeze %dma_start3A_216 : memref<1x125x128xf32, #tpu.memory_space<vmem>> -> memref<125x128xf32, #tpu.memory_space<vmem>>
        %dma_start3A_218 = arith.constant 0 : i32
        %dma_start3A_219 = tpu.memref_slice %arg5[%select_n3A_211, %dma_start3A_212, %dma_start3A_218] : memref<4x2x125xi32, #tpu.memory_space<vmem>> -> memref<1x1x125xi32, #tpu.memory_space<vmem>>
        %dma_start3A_220 = tpu.memref_squeeze %dma_start3A_219 : memref<1x1x125xi32, #tpu.memory_space<vmem>> -> memref<125xi32, #tpu.memory_space<vmem>>
        %dma_start3A_221 = arith.constant 0 : i32
        %dma_start3A_222 = arith.constant 0 : i32
        %dma_start3A_223 = tpu.memref_slice %arg2[%dma_start3A_221, %dma_start3A_222] : memref<10000x128xf32, #tpu.memory_space<hbm>> -> memref<10000x128xf32, #tpu.memory_space<hbm>>
        tpu.enqueue_indirect_dma source(%dma_start3A_223 : memref<10000x128xf32, #tpu.memory_space<hbm>>) target(%dma_start3A_217 : memref<125x128xf32, #tpu.memory_space<vmem>>) offsets(%dma_start3A_220 : memref<125xi32, #tpu.memory_space<vmem>>) semaphore(%arg9 : memref<!tpu.dma_semaphore, #tpu.memory_space<semaphore_mem>>)
      } else {
      }
      %mul3A_126 = arith.constant 2 : i32
      %mul3A_127 = arith.muli %mul3A_126, %scan3A_68 : i32
      %add3A_128 = arith.constant 1 : i32
      %add3A_129 = arith.addi %mul3A_127, %add3A_128 : i32
      %jit3A_130 = arith.constant 4 : i32
      %eq3A_131 = arith.constant 0 : i32
      %eq3A_132 = arith.cmpi eq, %jit3A_130, %eq3A_131 : i32
      %jit3A_133 = arith.constant 1 : i32
      %select_n3A_134 = arith.select %eq3A_132, %jit3A_133, %jit3A_130 : i32
      %rem3A_135 = arith.remsi %add3A_129, %select_n3A_134 : i32
      %ne3A_136 = arith.constant 0 : i32
      %ne3A_137 = arith.cmpi ne, %rem3A_135, %ne3A_136 : i32
      %lt3A_138 = arith.constant 0 : i32
      %lt3A_139 = arith.cmpi slt, %rem3A_135, %lt3A_138 : i32
      %lt3A_140 = arith.constant 0 : i32
      %lt3A_141 = arith.cmpi slt, %select_n3A_134, %lt3A_140 : i32
      %ne3A_142 = arith.xori %lt3A_139, %lt3A_141 : i1
      %and3A_143 = arith.andi %ne3A_142, %ne3A_137 : i1
      %add3A_144 = arith.addi %rem3A_135, %select_n3A_134 : i32
      %select_n3A_145 = arith.select %and3A_143, %add3A_144, %rem3A_135 : i32
      %dma_wait3A_146 = arith.constant 0 : i32
      %dma_wait3A_147 = arith.constant 1 : i32
      %dma_wait3A_148 = arith.constant 0 : i32
      %dma_wait3A_149 = arith.constant 0 : i32
      %dma_wait3A_150 = tpu.memref_slice %arg6[%dma_wait3A_147, %dma_wait3A_148, %dma_wait3A_149] : memref<2x125x128xf32, #tpu.memory_space<vmem>> -> memref<1x125x128xf32, #tpu.memory_space<vmem>>
      %dma_wait3A_151 = tpu.memref_squeeze %dma_wait3A_150 : memref<1x125x128xf32, #tpu.memory_space<vmem>> -> memref<125x128xf32, #tpu.memory_space<vmem>>
      %dma_wait3A_152 = arith.constant 0 : i32
      %dma_wait3A_153 = tpu.memref_slice %arg5[%select_n3A_145, %dma_wait3A_146, %dma_wait3A_152] : memref<4x2x125xi32, #tpu.memory_space<vmem>> -> memref<1x1x125xi32, #tpu.memory_space<vmem>>
      %dma_wait3A_154 = tpu.memref_squeeze %dma_wait3A_153 : memref<1x1x125xi32, #tpu.memory_space<vmem>> -> memref<125xi32, #tpu.memory_space<vmem>>
      %dma_wait3A_155 = arith.constant 0 : i32
      %dma_wait3A_156 = arith.constant 0 : i32
      %dma_wait3A_157 = tpu.memref_slice %arg2[%dma_wait3A_155, %dma_wait3A_156] : memref<10000x128xf32, #tpu.memory_space<hbm>> -> memref<10000x128xf32, #tpu.memory_space<hbm>>
      tpu.wait_indirect_dma semaphore(%arg10 : memref<!tpu.dma_semaphore, #tpu.memory_space<semaphore_mem>>) src(%dma_wait3A_157 : memref<10000x128xf32, #tpu.memory_space<hbm>>) dst(%dma_wait3A_151 : memref<125x128xf32, #tpu.memory_space<vmem>>)
      %jit3A_158 = arith.constant 4 : i32
      %eq3A_159 = arith.constant 0 : i32
      %eq3A_160 = arith.cmpi eq, %jit3A_158, %eq3A_159 : i32
      %jit3A_161 = arith.constant 1 : i32
      %select_n3A_162 = arith.select %eq3A_160, %jit3A_161, %jit3A_158 : i32
      %rem3A_163 = arith.remsi %add3A_129, %select_n3A_162 : i32
      %ne3A_164 = arith.constant 0 : i32
      %ne3A_165 = arith.cmpi ne, %rem3A_163, %ne3A_164 : i32
      %lt3A_166 = arith.constant 0 : i32
      %lt3A_167 = arith.cmpi slt, %rem3A_163, %lt3A_166 : i32
      %lt3A_168 = arith.constant 0 : i32
      %lt3A_169 = arith.cmpi slt, %select_n3A_162, %lt3A_168 : i32
      %ne3A_170 = arith.xori %lt3A_167, %lt3A_169 : i1
      %and3A_171 = arith.andi %ne3A_170, %ne3A_165 : i1
      %add3A_172 = arith.addi %rem3A_163, %select_n3A_162 : i32
      %select_n3A_173 = arith.select %and3A_171, %add3A_172, %rem3A_163 : i32
      %run_scoped3A_174 = arith.constant 1 : i32
      %run_scoped3A_175 = arith.constant 1 : i32
      "tpu.region"() ({
        %run_scoped3A_190 = tpu.sem_alloc : memref<!tpu.dma_semaphore, #tpu.memory_space<semaphore_mem>>
        %dma_start3A_191 = arith.constant 0 : i32
        %dma_start3A_192 = arith.constant 0 : i32
        %dma_start3A_193 = tpu.memref_slice %arg6[%run_scoped3A_174, %dma_start3A_191, %dma_start3A_192] : memref<2x125x128xf32, #tpu.memory_space<vmem>> -> memref<1x125x128xf32, #tpu.memory_space<vmem>>
        %dma_start3A_194 = tpu.memref_squeeze %dma_start3A_193 : memref<1x125x128xf32, #tpu.memory_space<vmem>> -> memref<125x128xf32, #tpu.memory_space<vmem>>
        %dma_start3A_195 = arith.constant 0 : i32
        %dma_start3A_196 = tpu.memref_slice %arg5[%select_n3A_173, %run_scoped3A_175, %dma_start3A_195] : memref<4x2x125xi32, #tpu.memory_space<vmem>> -> memref<1x1x125xi32, #tpu.memory_space<vmem>>
        %dma_start3A_197 = tpu.memref_squeeze %dma_start3A_196 : memref<1x1x125xi32, #tpu.memory_space<vmem>> -> memref<125xi32, #tpu.memory_space<vmem>>
        %dma_start3A_198 = arith.constant 0 : i32
        %dma_start3A_199 = arith.constant 0 : i32
        %dma_start3A_200 = tpu.memref_slice %arg8[%dma_start3A_198, %dma_start3A_199] : memref<10000x128xf32, #tpu.memory_space<vmem_shared>> -> memref<10000x128xf32, #tpu.memory_space<vmem_shared>>
        tpu.enqueue_indirect_dma source(%dma_start3A_194 : memref<125x128xf32, #tpu.memory_space<vmem>>) target(%dma_start3A_200 : memref<10000x128xf32, #tpu.memory_space<vmem_shared>>) offsets(%dma_start3A_197 : memref<125xi32, #tpu.memory_space<vmem>>) semaphore(%run_scoped3A_190 : memref<!tpu.dma_semaphore, #tpu.memory_space<semaphore_mem>>) {add = true}
        %dma_wait3A_201 = arith.constant 0 : i32
        %dma_wait3A_202 = arith.constant 0 : i32
        %dma_wait3A_203 = tpu.memref_slice %arg6[%run_scoped3A_174, %dma_wait3A_201, %dma_wait3A_202] : memref<2x125x128xf32, #tpu.memory_space<vmem>> -> memref<1x125x128xf32, #tpu.memory_space<vmem>>
        %dma_wait3A_204 = tpu.memref_squeeze %dma_wait3A_203 : memref<1x125x128xf32, #tpu.memory_space<vmem>> -> memref<125x128xf32, #tpu.memory_space<vmem>>
        %dma_wait3A_205 = arith.constant 0 : i32
        %dma_wait3A_206 = tpu.memref_slice %arg5[%select_n3A_173, %run_scoped3A_175, %dma_wait3A_205] : memref<4x2x125xi32, #tpu.memory_space<vmem>> -> memref<1x1x125xi32, #tpu.memory_space<vmem>>
        %dma_wait3A_207 = tpu.memref_squeeze %dma_wait3A_206 : memref<1x1x125xi32, #tpu.memory_space<vmem>> -> memref<125xi32, #tpu.memory_space<vmem>>
        %dma_wait3A_208 = arith.constant 0 : i32
        %dma_wait3A_209 = arith.constant 0 : i32
        %dma_wait3A_210 = tpu.memref_slice %arg8[%dma_wait3A_208, %dma_wait3A_209] : memref<10000x128xf32, #tpu.memory_space<vmem_shared>> -> memref<10000x128xf32, #tpu.memory_space<vmem_shared>>
        tpu.wait_indirect_dma semaphore(%run_scoped3A_190 : memref<!tpu.dma_semaphore, #tpu.memory_space<semaphore_mem>>) src(%dma_wait3A_204 : memref<125x128xf32, #tpu.memory_space<vmem>>) dst(%dma_wait3A_210 : memref<10000x128xf32, #tpu.memory_space<vmem_shared>>)
        tpu.yield
      }) : () -> ()
      %add3A_176 = arith.constant 4 : i32
      %add3A_177 = arith.addi %add3A_129, %add3A_176 : i32
      %lt3A_178 = arith.constant 80 : i32
      %lt3A_179 = arith.cmpi slt, %add3A_177, %lt3A_178 : i32
      %convert_element_type3A_180 = arith.extui %lt3A_179 : i1 to i32
      %cond3A_181 = arith.constant 0 : i32
      %cond3A_182 = arith.cmpi ne, %convert_element_type3A_180, %cond3A_181 : i32
      scf.if %cond3A_182 {
        %add3A_190 = arith.constant 4 : i32
        %add3A_191 = arith.addi %add3A_129, %add3A_190 : i32
        %jit3A_192 = arith.constant 4 : i32
        %eq3A_193 = arith.constant 0 : i32
        %eq3A_194 = arith.cmpi eq, %jit3A_192, %eq3A_193 : i32
        %jit3A_195 = arith.constant 1 : i32
        %select_n3A_196 = arith.select %eq3A_194, %jit3A_195, %jit3A_192 : i32
        %rem3A_197 = arith.remsi %add3A_129, %select_n3A_196 : i32
        %ne3A_198 = arith.constant 0 : i32
        %ne3A_199 = arith.cmpi ne, %rem3A_197, %ne3A_198 : i32
        %lt3A_200 = arith.constant 0 : i32
        %lt3A_201 = arith.cmpi slt, %rem3A_197, %lt3A_200 : i32
        %lt3A_202 = arith.constant 0 : i32
        %lt3A_203 = arith.cmpi slt, %select_n3A_196, %lt3A_202 : i32
        %ne3A_204 = arith.xori %lt3A_201, %lt3A_203 : i1
        %and3A_205 = arith.andi %ne3A_204, %ne3A_199 : i1
        %add3A_206 = arith.addi %rem3A_197, %select_n3A_196 : i32
        %select_n3A_207 = arith.select %and3A_205, %add3A_206, %rem3A_197 : i32
        %dma_start3A_208 = arith.constant 0 : i32
        %dma_start3A_209 = arith.constant 0 : i32
        %dma_start3A_210 = tpu.memref_slice %arg5[%select_n3A_207, %dma_start3A_208, %dma_start3A_209] : memref<4x2x125xi32, #tpu.memory_space<vmem>> -> memref<1x2x125xi32, #tpu.memory_space<vmem>>
        %dma_start3A_211 = tpu.memref_squeeze %dma_start3A_210 : memref<1x2x125xi32, #tpu.memory_space<vmem>> -> memref<2x125xi32, #tpu.memory_space<vmem>>
        %dma_start3A_212 = arith.constant 0 : i32
        %dma_start3A_213 = arith.constant 0 : i32
        %dma_start3A_214 = tpu.memref_slice %arg3[%add3A, %add3A_191, %dma_start3A_212, %dma_start3A_213] : memref<32x80x2x125xi32, #tpu.memory_space<hbm>> -> memref<1x1x2x125xi32, #tpu.memory_space<hbm>>
        %dma_start3A_215 = tpu.memref_squeeze %dma_start3A_214 : memref<1x1x2x125xi32, #tpu.memory_space<hbm>> -> memref<2x125xi32, #tpu.memory_space<hbm>>
        %dma_start3A_216 = arith.constant 0 : i32
        %dma_start3A_217 = arith.constant 0 : i32
        %dma_start3A_218 = tpu.memref_slice %arg5[%select_n3A_207, %dma_start3A_216, %dma_start3A_217] : memref<4x2x125xi32, #tpu.memory_space<vmem>> -> memref<1x2x125xi32, #tpu.memory_space<vmem>>
        %dma_start3A_219 = tpu.memref_squeeze %dma_start3A_218 : memref<1x2x125xi32, #tpu.memory_space<vmem>> -> memref<2x125xi32, #tpu.memory_space<vmem>>
        %dma_start3A_220 = arith.constant 0 : i32
        %dma_start3A_221 = arith.constant 0 : i32
        %dma_start3A_222 = tpu.memref_slice %arg3[%add3A, %add3A_191, %dma_start3A_220, %dma_start3A_221] : memref<32x80x2x125xi32, #tpu.memory_space<hbm>> -> memref<1x1x2x125xi32, #tpu.memory_space<hbm>>
        %dma_start3A_223 = tpu.memref_squeeze %dma_start3A_222 : memref<1x1x2x125xi32, #tpu.memory_space<hbm>> -> memref<2x125xi32, #tpu.memory_space<hbm>>
        tpu.enqueue_dma source(%dma_start3A_223 : memref<2x125xi32, #tpu.memory_space<hbm>>) target(%dma_start3A_219 : memref<2x125xi32, #tpu.memory_space<vmem>>) target_semaphore(%arg12 : memref<!tpu.dma_semaphore, #tpu.memory_space<semaphore_mem>>)
      } else {
      }
      %add3A_183 = arith.constant 2 : i32
      %add3A_184 = arith.addi %add3A_129, %add3A_183 : i32
      %lt3A_185 = arith.constant 80 : i32
      %lt3A_186 = arith.cmpi slt, %add3A_184, %lt3A_185 : i32
      %convert_element_type3A_187 = arith.extui %lt3A_186 : i1 to i32
      %cond3A_188 = arith.constant 0 : i32
      %cond3A_189 = arith.cmpi ne, %convert_element_type3A_187, %cond3A_188 : i32
      scf.if %cond3A_189 {
        %ge3A = arith.constant 2 : i32
        %ge3A_190 = arith.cmpi sge, %add3A_129, %ge3A : i32
        %convert_element_type3A_191 = arith.extui %ge3A_190 : i1 to i32
        %cond3A_192 = arith.constant 0 : i32
        %cond3A_193 = arith.cmpi ne, %convert_element_type3A_191, %cond3A_192 : i32
        scf.if %cond3A_193 {
          %add3A_224 = arith.constant 2 : i32
          %add3A_225 = arith.addi %add3A_129, %add3A_224 : i32
          %add3A_226 = arith.constant 2 : i32
          %add3A_227 = arith.addi %add3A_129, %add3A_226 : i32
          %jit3A_228 = arith.constant 4 : i32
          %eq3A_229 = arith.constant 0 : i32
          %eq3A_230 = arith.cmpi eq, %jit3A_228, %eq3A_229 : i32
          %jit3A_231 = arith.constant 1 : i32
          %select_n3A_232 = arith.select %eq3A_230, %jit3A_231, %jit3A_228 : i32
          %rem3A_233 = arith.remsi %add3A_227, %select_n3A_232 : i32
          %ne3A_234 = arith.constant 0 : i32
          %ne3A_235 = arith.cmpi ne, %rem3A_233, %ne3A_234 : i32
          %lt3A_236 = arith.constant 0 : i32
          %lt3A_237 = arith.cmpi slt, %rem3A_233, %lt3A_236 : i32
          %lt3A_238 = arith.constant 0 : i32
          %lt3A_239 = arith.cmpi slt, %select_n3A_232, %lt3A_238 : i32
          %ne3A_240 = arith.xori %lt3A_237, %lt3A_239 : i1
          %and3A_241 = arith.andi %ne3A_240, %ne3A_235 : i1
          %add3A_242 = arith.addi %rem3A_233, %select_n3A_232 : i32
          %select_n3A_243 = arith.select %and3A_241, %add3A_242, %rem3A_233 : i32
          %dma_wait3A_244 = arith.constant 0 : i32
          %dma_wait3A_245 = arith.constant 0 : i32
          %dma_wait3A_246 = tpu.memref_slice %arg5[%select_n3A_243, %dma_wait3A_244, %dma_wait3A_245] : memref<4x2x125xi32, #tpu.memory_space<vmem>> -> memref<1x2x125xi32, #tpu.memory_space<vmem>>
          %dma_wait3A_247 = tpu.memref_squeeze %dma_wait3A_246 : memref<1x2x125xi32, #tpu.memory_space<vmem>> -> memref<2x125xi32, #tpu.memory_space<vmem>>
          %dma_wait3A_248 = arith.constant 0 : i32
          %dma_wait3A_249 = arith.constant 0 : i32
          %dma_wait3A_250 = tpu.memref_slice %arg3[%add3A, %add3A_225, %dma_wait3A_248, %dma_wait3A_249] : memref<32x80x2x125xi32, #tpu.memory_space<hbm>> -> memref<1x1x2x125xi32, #tpu.memory_space<hbm>>
          %dma_wait3A_251 = tpu.memref_squeeze %dma_wait3A_250 : memref<1x1x2x125xi32, #tpu.memory_space<hbm>> -> memref<2x125xi32, #tpu.memory_space<hbm>>
          %dma_wait3A_252 = arith.constant 0 : i32
          %dma_wait3A_253 = arith.constant 0 : i32
          %dma_wait3A_254 = tpu.memref_slice %arg5[%select_n3A_243, %dma_wait3A_252, %dma_wait3A_253] : memref<4x2x125xi32, #tpu.memory_space<vmem>> -> memref<1x2x125xi32, #tpu.memory_space<vmem>>
          %dma_wait3A_255 = tpu.memref_squeeze %dma_wait3A_254 : memref<1x2x125xi32, #tpu.memory_space<vmem>> -> memref<2x125xi32, #tpu.memory_space<vmem>>
          %dma_wait3A_256 = arith.constant 0 : i32
          %dma_wait3A_257 = arith.constant 0 : i32
          %dma_wait3A_258 = tpu.memref_slice %arg3[%add3A, %add3A_225, %dma_wait3A_256, %dma_wait3A_257] : memref<32x80x2x125xi32, #tpu.memory_space<hbm>> -> memref<1x1x2x125xi32, #tpu.memory_space<hbm>>
          %dma_wait3A_259 = tpu.memref_squeeze %dma_wait3A_258 : memref<1x1x2x125xi32, #tpu.memory_space<hbm>> -> memref<2x125xi32, #tpu.memory_space<hbm>>
          tpu.wait_dma2 semaphore(%arg12 : memref<!tpu.dma_semaphore, #tpu.memory_space<semaphore_mem>>) src(%dma_wait3A_259 : memref<2x125xi32, #tpu.memory_space<hbm>>) dst(%dma_wait3A_255 : memref<2x125xi32, #tpu.memory_space<vmem>>)
        } else {
        }
        %add3A_194 = arith.constant 2 : i32
        %add3A_195 = arith.addi %add3A_129, %add3A_194 : i32
        %jit3A_196 = arith.constant 4 : i32
        %eq3A_197 = arith.constant 0 : i32
        %eq3A_198 = arith.cmpi eq, %jit3A_196, %eq3A_197 : i32
        %jit3A_199 = arith.constant 1 : i32
        %select_n3A_200 = arith.select %eq3A_198, %jit3A_199, %jit3A_196 : i32
        %rem3A_201 = arith.remsi %add3A_195, %select_n3A_200 : i32
        %ne3A_202 = arith.constant 0 : i32
        %ne3A_203 = arith.cmpi ne, %rem3A_201, %ne3A_202 : i32
        %lt3A_204 = arith.constant 0 : i32
        %lt3A_205 = arith.cmpi slt, %rem3A_201, %lt3A_204 : i32
        %lt3A_206 = arith.constant 0 : i32
        %lt3A_207 = arith.cmpi slt, %select_n3A_200, %lt3A_206 : i32
        %ne3A_208 = arith.xori %lt3A_205, %lt3A_207 : i1
        %and3A_209 = arith.andi %ne3A_208, %ne3A_203 : i1
        %add3A_210 = arith.addi %rem3A_201, %select_n3A_200 : i32
        %select_n3A_211 = arith.select %and3A_209, %add3A_210, %rem3A_201 : i32
        %dma_start3A_212 = arith.constant 0 : i32
        %dma_start3A_213 = arith.constant 1 : i32
        %dma_start3A_214 = arith.constant 0 : i32
        %dma_start3A_215 = arith.constant 0 : i32
        %dma_start3A_216 = tpu.memref_slice %arg6[%dma_start3A_213, %dma_start3A_214, %dma_start3A_215] : memref<2x125x128xf32, #tpu.memory_space<vmem>> -> memref<1x125x128xf32, #tpu.memory_space<vmem>>
        %dma_start3A_217 = tpu.memref_squeeze %dma_start3A_216 : memref<1x125x128xf32, #tpu.memory_space<vmem>> -> memref<125x128xf32, #tpu.memory_space<vmem>>
        %dma_start3A_218 = arith.constant 0 : i32
        %dma_start3A_219 = tpu.memref_slice %arg5[%select_n3A_211, %dma_start3A_212, %dma_start3A_218] : memref<4x2x125xi32, #tpu.memory_space<vmem>> -> memref<1x1x125xi32, #tpu.memory_space<vmem>>
        %dma_start3A_220 = tpu.memref_squeeze %dma_start3A_219 : memref<1x1x125xi32, #tpu.memory_space<vmem>> -> memref<125xi32, #tpu.memory_space<vmem>>
        %dma_start3A_221 = arith.constant 0 : i32
        %dma_start3A_222 = arith.constant 0 : i32
        %dma_start3A_223 = tpu.memref_slice %arg2[%dma_start3A_221, %dma_start3A_222] : memref<10000x128xf32, #tpu.memory_space<hbm>> -> memref<10000x128xf32, #tpu.memory_space<hbm>>
        tpu.enqueue_indirect_dma source(%dma_start3A_223 : memref<10000x128xf32, #tpu.memory_space<hbm>>) target(%dma_start3A_217 : memref<125x128xf32, #tpu.memory_space<vmem>>) offsets(%dma_start3A_220 : memref<125xi32, #tpu.memory_space<vmem>>) semaphore(%arg10 : memref<!tpu.dma_semaphore, #tpu.memory_space<semaphore_mem>>)
      } else {
      }
    }
    %scan3A_56 = arith.constant 40 : i32
    %barrier3A_57 = arith.constant 0 : index
    tpu.barrier barrier_id(%barrier3A_57)
    %while3A_58 = arith.constant 0 : i32
    %while3A_59 = arith.constant 0 : i32
    %while3A_60 = arith.subi %select_n3A, %while3A_59 : i32
    %while3A_61 = arith.addi %while3A_59, %while3A_60 : i32
    %while3A_62 = arith.constant 1 : i32
    %while3A_63 = arith.divsi %while3A_60, %while3A_62 : i32
    %while3A_64 = arith.muli %while3A_63, %while3A_62 : i32
    %while3A_65 = arith.addi %while3A_59, %while3A_64 : i32
    %while3A_66 = arith.constant 1 : i32
    scf.for %while3A_68 = %while3A_59 to %while3A_65 step %while3A_66  : i32 {
      %mul3A_69 = arith.constant 16 : i32
      %mul3A_70 = arith.muli %while3A_68, %mul3A_69 : i32
      %add3A_71 = arith.addi %mul3A_14, %mul3A_70 : i32
      %mul3A_72 = arith.constant 16 : i32
      %mul3A_73 = arith.muli %while3A_68, %mul3A_72 : i32
      %add3A_74 = arith.addi %mul3A_14, %mul3A_73 : i32
      "tpu.region"() ({
        %run_scoped3A_75 = tpu.sem_alloc : memref<!tpu.dma_semaphore, #tpu.memory_space<semaphore_mem>>
        %dma_start3A_76 = arith.constant 0 : i32
        %dma_start3A_77 = tpu.memref_slice %arg4[%arg0, %add3A_74, %dma_start3A_76] : memref<2x10000x128xf32, #tpu.memory_space<hbm>> -> memref<1x16x128xf32, #tpu.memory_space<hbm>>
        %dma_start3A_78 = tpu.memref_squeeze %dma_start3A_77 : memref<1x16x128xf32, #tpu.memory_space<hbm>> -> memref<16x128xf32, #tpu.memory_space<hbm>>
        %dma_start3A_79 = arith.constant 0 : i32
        %dma_start3A_80 = tpu.memref_slice %arg8[%add3A_71, %dma_start3A_79] : memref<10000x128xf32, #tpu.memory_space<vmem_shared>> -> memref<16x128xf32, #tpu.memory_space<vmem_shared>>
        tpu.enqueue_dma source(%dma_start3A_80 : memref<16x128xf32, #tpu.memory_space<vmem_shared>>) target(%dma_start3A_78 : memref<16x128xf32, #tpu.memory_space<hbm>>) target_semaphore(%run_scoped3A_75 : memref<!tpu.dma_semaphore, #tpu.memory_space<semaphore_mem>>)
        %dma_wait3A = arith.constant 0 : i32
        %dma_wait3A_81 = tpu.memref_slice %arg4[%arg0, %add3A_74, %dma_wait3A] : memref<2x10000x128xf32, #tpu.memory_space<hbm>> -> memref<1x16x128xf32, #tpu.memory_space<hbm>>
        %dma_wait3A_82 = tpu.memref_squeeze %dma_wait3A_81 : memref<1x16x128xf32, #tpu.memory_space<hbm>> -> memref<16x128xf32, #tpu.memory_space<hbm>>
        %dma_wait3A_83 = arith.constant 0 : i32
        %dma_wait3A_84 = tpu.memref_slice %arg8[%add3A_71, %dma_wait3A_83] : memref<10000x128xf32, #tpu.memory_space<vmem_shared>> -> memref<16x128xf32, #tpu.memory_space<vmem_shared>>
        tpu.wait_dma2 semaphore(%run_scoped3A_75 : memref<!tpu.dma_semaphore, #tpu.memory_space<semaphore_mem>>) src(%dma_wait3A_84 : memref<16x128xf32, #tpu.memory_space<vmem_shared>>) dst(%dma_wait3A_82 : memref<16x128xf32, #tpu.memory_space<hbm>>)
        tpu.yield
      }) : () -> ()
    }
    %while3A_67 = arith.constant 1 : i32
    scf.for %while3A_68 = %while3A_65 to %while3A_61 step %while3A_67  : i32 {
      %mul3A_69 = arith.constant 16 : i32
      %mul3A_70 = arith.muli %while3A_68, %mul3A_69 : i32
      %add3A_71 = arith.addi %mul3A_14, %mul3A_70 : i32
      %mul3A_72 = arith.constant 16 : i32
      %mul3A_73 = arith.muli %while3A_68, %mul3A_72 : i32
      %add3A_74 = arith.addi %mul3A_14, %mul3A_73 : i32
      "tpu.region"() ({
        %run_scoped3A_75 = tpu.sem_alloc : memref<!tpu.dma_semaphore, #tpu.memory_space<semaphore_mem>>
        %dma_start3A_76 = arith.constant 0 : i32
        %dma_start3A_77 = tpu.memref_slice %arg4[%arg0, %add3A_74, %dma_start3A_76] : memref<2x10000x128xf32, #tpu.memory_space<hbm>> -> memref<1x16x128xf32, #tpu.memory_space<hbm>>
        %dma_start3A_78 = tpu.memref_squeeze %dma_start3A_77 : memref<1x16x128xf32, #tpu.memory_space<hbm>> -> memref<16x128xf32, #tpu.memory_space<hbm>>
        %dma_start3A_79 = arith.constant 0 : i32
        %dma_start3A_80 = tpu.memref_slice %arg8[%add3A_71, %dma_start3A_79] : memref<10000x128xf32, #tpu.memory_space<vmem_shared>> -> memref<16x128xf32, #tpu.memory_space<vmem_shared>>
        tpu.enqueue_dma source(%dma_start3A_80 : memref<16x128xf32, #tpu.memory_space<vmem_shared>>) target(%dma_start3A_78 : memref<16x128xf32, #tpu.memory_space<hbm>>) target_semaphore(%run_scoped3A_75 : memref<!tpu.dma_semaphore, #tpu.memory_space<semaphore_mem>>)
        %dma_wait3A = arith.constant 0 : i32
        %dma_wait3A_81 = tpu.memref_slice %arg4[%arg0, %add3A_74, %dma_wait3A] : memref<2x10000x128xf32, #tpu.memory_space<hbm>> -> memref<1x16x128xf32, #tpu.memory_space<hbm>>
        %dma_wait3A_82 = tpu.memref_squeeze %dma_wait3A_81 : memref<1x16x128xf32, #tpu.memory_space<hbm>> -> memref<16x128xf32, #tpu.memory_space<hbm>>
        %dma_wait3A_83 = arith.constant 0 : i32
        %dma_wait3A_84 = tpu.memref_slice %arg8[%add3A_71, %dma_wait3A_83] : memref<10000x128xf32, #tpu.memory_space<vmem_shared>> -> memref<16x128xf32, #tpu.memory_space<vmem_shared>>
        tpu.wait_dma2 semaphore(%run_scoped3A_75 : memref<!tpu.dma_semaphore, #tpu.memory_space<semaphore_mem>>) src(%dma_wait3A_84 : memref<16x128xf32, #tpu.memory_space<vmem_shared>>) dst(%dma_wait3A_82 : memref<16x128xf32, #tpu.memory_space<hbm>>)
        tpu.yield
      }) : () -> ()
    }
    return
  }
}

#map = affine_map<(d0, d1) -> (0, 0, 0)>
module attributes {stable_mosaic.version = 14 : i64} {
  func.func @deg_kernel(%arg0: i32, %arg1: i32, %arg2: memref<32x80x125xi32, #tpu.memory_space<hbm>>, %arg3: memref<2x10000x16xf32, #tpu.memory_space<hbm>>, %arg4: memref<80x125xi32, #tpu.memory_space<vmem>>, %arg5: memref<125x16xf32, #tpu.memory_space<vmem>>, %arg6: memref<16x16xf32, #tpu.memory_space<vmem>>, %arg7: memref<10000x16xf32, #tpu.memory_space<vmem_shared>>, %arg8: memref<!tpu.dma_semaphore, #tpu.memory_space<semaphore_mem>>) attributes {dimension_semantics = [#tpu.dimension_semantics<core_parallel>, #tpu.dimension_semantics<subcore_parallel>], iteration_bounds = array<i64: 2, 16>, scalar_prefetch = 0 : i64, scratch_operands = 5 : i64, tpu.core_type = #tpu.core_type<sc_vector_subcore>, window_params = [{transform_indices = #map}, {transform_indices = #map}]} {
    %mul3A = arith.constant 2 : i32
    %mul3A_0 = arith.muli %arg1, %mul3A : i32
    %add3A = arith.addi %mul3A_0, %arg0 : i32
    "tpu.region"() ({
      %run_scoped3A = tpu.sem_alloc : memref<!tpu.dma_semaphore, #tpu.memory_space<semaphore_mem>>
      %dma_start3A = arith.constant 0 : i32
      %dma_start3A_42 = arith.constant 0 : i32
      %dma_start3A_43 = tpu.memref_slice %arg2[%add3A, %dma_start3A, %dma_start3A_42] : memref<32x80x125xi32, #tpu.memory_space<hbm>> -> memref<1x80x125xi32, #tpu.memory_space<hbm>>
      %dma_start3A_44 = tpu.memref_squeeze %dma_start3A_43 : memref<1x80x125xi32, #tpu.memory_space<hbm>> -> memref<80x125xi32, #tpu.memory_space<hbm>>
      %dma_start3A_45 = arith.constant 0 : i32
      %dma_start3A_46 = arith.constant 0 : i32
      %dma_start3A_47 = tpu.memref_slice %arg2[%add3A, %dma_start3A_45, %dma_start3A_46] : memref<32x80x125xi32, #tpu.memory_space<hbm>> -> memref<1x80x125xi32, #tpu.memory_space<hbm>>
      %dma_start3A_48 = tpu.memref_squeeze %dma_start3A_47 : memref<1x80x125xi32, #tpu.memory_space<hbm>> -> memref<80x125xi32, #tpu.memory_space<hbm>>
      tpu.enqueue_dma source(%dma_start3A_48 : memref<80x125xi32, #tpu.memory_space<hbm>>) target(%arg4 : memref<80x125xi32, #tpu.memory_space<vmem>>) target_semaphore(%run_scoped3A : memref<!tpu.dma_semaphore, #tpu.memory_space<semaphore_mem>>)
      %dma_wait3A = arith.constant 0 : i32
      %dma_wait3A_49 = arith.constant 0 : i32
      %dma_wait3A_50 = tpu.memref_slice %arg2[%add3A, %dma_wait3A, %dma_wait3A_49] : memref<32x80x125xi32, #tpu.memory_space<hbm>> -> memref<1x80x125xi32, #tpu.memory_space<hbm>>
      %dma_wait3A_51 = tpu.memref_squeeze %dma_wait3A_50 : memref<1x80x125xi32, #tpu.memory_space<hbm>> -> memref<80x125xi32, #tpu.memory_space<hbm>>
      %dma_wait3A_52 = arith.constant 0 : i32
      %dma_wait3A_53 = arith.constant 0 : i32
      %dma_wait3A_54 = tpu.memref_slice %arg2[%add3A, %dma_wait3A_52, %dma_wait3A_53] : memref<32x80x125xi32, #tpu.memory_space<hbm>> -> memref<1x80x125xi32, #tpu.memory_space<hbm>>
      %dma_wait3A_55 = tpu.memref_squeeze %dma_wait3A_54 : memref<1x80x125xi32, #tpu.memory_space<hbm>> -> memref<80x125xi32, #tpu.memory_space<hbm>>
      tpu.wait_dma2 semaphore(%run_scoped3A : memref<!tpu.dma_semaphore, #tpu.memory_space<semaphore_mem>>) src(%dma_wait3A_55 : memref<80x125xi32, #tpu.memory_space<hbm>>) dst(%arg4 : memref<80x125xi32, #tpu.memory_space<vmem>>)
      tpu.yield
    }) : () -> ()
    %scan3A = arith.constant 0 : i32
    %scan3A_1 = arith.constant 0 : i32
    %scan3A_2 = arith.constant 16 : i32
    %scan3A_3 = arith.addi %scan3A_1, %scan3A_2 : i32
    %scan3A_4 = arith.constant 1 : i32
    scf.for %scan3A_42 = %scan3A_1 to %scan3A_3 step %scan3A_4  : i32 {
      %broadcast_in_dim3A = arith.constant 0.000000e+00 : f32
      %broadcast_in_dim3A_43 = vector.broadcast %broadcast_in_dim3A : f32 to vector<16xf32>
      %swap3A = arith.index_cast %scan3A_42 : i32 to index
      %swap3A_44 = arith.constant 0 : index
      %swap3A_45 = tpu.vector_load %arg6[%swap3A, %swap3A_44] {strides = array<i32>} : memref<16x16xf32, #tpu.memory_space<vmem>>, vector<1x16xf32>,
      %swap3A_46 = vector.shape_cast %swap3A_45 : vector<1x16xf32> to vector<16xf32>
      %swap3A_47 = vector.shape_cast %broadcast_in_dim3A_43 : vector<16xf32> to vector<1x16xf32>
      tpu.vector_store %arg6[%swap3A, %swap3A_44], %swap3A_47 {strides = array<i32>} : memref<16x16xf32, #tpu.memory_space<vmem>>, vector<1x16xf32>,
    }
    %scan3A_5 = arith.constant 16 : i32
    %scan3A_6 = arith.constant 0 : i32
    %scan3A_7 = arith.constant 0 : i32
    %scan3A_8 = arith.constant 125 : i32
    %scan3A_9 = arith.addi %scan3A_7, %scan3A_8 : i32
    %scan3A_10 = arith.constant 1 : i32
    scf.for %scan3A_42 = %scan3A_7 to %scan3A_9 step %scan3A_10  : i32 {
      %broadcast_in_dim3A = arith.constant 1.000000e+00 : f32
      %broadcast_in_dim3A_43 = vector.broadcast %broadcast_in_dim3A : f32 to vector<16xf32>
      %swap3A = arith.index_cast %scan3A_42 : i32 to index
      %swap3A_44 = arith.constant 0 : index
      %swap3A_45 = tpu.vector_load %arg5[%swap3A, %swap3A_44] {strides = array<i32>} : memref<125x16xf32, #tpu.memory_space<vmem>>, vector<1x16xf32>,
      %swap3A_46 = vector.shape_cast %swap3A_45 : vector<1x16xf32> to vector<16xf32>
      %swap3A_47 = vector.shape_cast %broadcast_in_dim3A_43 : vector<16xf32> to vector<1x16xf32>
      tpu.vector_store %arg5[%swap3A, %swap3A_44], %swap3A_47 {strides = array<i32>} : memref<125x16xf32, #tpu.memory_space<vmem>>, vector<1x16xf32>,
    }
    %scan3A_11 = arith.constant 125 : i32
    %mul3A_12 = arith.constant 624 : i32
    %mul3A_13 = arith.muli %arg1, %mul3A_12 : i32
    %eq3A = arith.constant 15 : i32
    %eq3A_14 = arith.cmpi eq, %arg1, %eq3A : i32
    %jit3A = arith.constant 40 : i32
    %jit3A_15 = arith.constant 39 : i32
    %select_n3A = arith.select %eq3A_14, %jit3A, %jit3A_15 : i32
    %while3A = arith.constant 0 : i32
    %while3A_16 = arith.constant 0 : i32
    %while3A_17 = arith.subi %select_n3A, %while3A_16 : i32
    %while3A_18 = arith.addi %while3A_16, %while3A_17 : i32
    %while3A_19 = arith.constant 1 : i32
    %while3A_20 = arith.divsi %while3A_17, %while3A_19 : i32
    %while3A_21 = arith.muli %while3A_20, %while3A_19 : i32
    %while3A_22 = arith.addi %while3A_16, %while3A_21 : i32
    %while3A_23 = arith.constant 1 : i32
    scf.for %while3A_42 = %while3A_16 to %while3A_22 step %while3A_23  : i32 {
      %mul3A_43 = arith.constant 16 : i32
      %mul3A_44 = arith.muli %while3A_42, %mul3A_43 : i32
      %add3A_45 = arith.addi %mul3A_13, %mul3A_44 : i32
      "tpu.region"() ({
        %run_scoped3A = tpu.sem_alloc : memref<!tpu.dma_semaphore, #tpu.memory_space<semaphore_mem>>
        %dma_start3A = arith.constant 0 : i32
        %dma_start3A_46 = tpu.memref_slice %arg7[%add3A_45, %dma_start3A] : memref<10000x16xf32, #tpu.memory_space<vmem_shared>> -> memref<16x16xf32, #tpu.memory_space<vmem_shared>>
        %dma_start3A_47 = arith.constant 0 : i32
        %dma_start3A_48 = tpu.memref_slice %arg7[%add3A_45, %dma_start3A_47] : memref<10000x16xf32, #tpu.memory_space<vmem_shared>> -> memref<16x16xf32, #tpu.memory_space<vmem_shared>>
        tpu.enqueue_dma source(%arg6 : memref<16x16xf32, #tpu.memory_space<vmem>>) target(%dma_start3A_48 : memref<16x16xf32, #tpu.memory_space<vmem_shared>>) target_semaphore(%run_scoped3A : memref<!tpu.dma_semaphore, #tpu.memory_space<semaphore_mem>>)
        %dma_wait3A = arith.constant 0 : i32
        %dma_wait3A_49 = tpu.memref_slice %arg7[%add3A_45, %dma_wait3A] : memref<10000x16xf32, #tpu.memory_space<vmem_shared>> -> memref<16x16xf32, #tpu.memory_space<vmem_shared>>
        %dma_wait3A_50 = arith.constant 0 : i32
        %dma_wait3A_51 = tpu.memref_slice %arg7[%add3A_45, %dma_wait3A_50] : memref<10000x16xf32, #tpu.memory_space<vmem_shared>> -> memref<16x16xf32, #tpu.memory_space<vmem_shared>>
        tpu.wait_dma2 semaphore(%run_scoped3A : memref<!tpu.dma_semaphore, #tpu.memory_space<semaphore_mem>>) src(%arg6 : memref<16x16xf32, #tpu.memory_space<vmem>>) dst(%dma_wait3A_51 : memref<16x16xf32, #tpu.memory_space<vmem_shared>>)
        tpu.yield
      }) : () -> ()
    }
    %while3A_24 = arith.constant 1 : i32
    scf.for %while3A_42 = %while3A_22 to %while3A_18 step %while3A_24  : i32 {
      %mul3A_43 = arith.constant 16 : i32
      %mul3A_44 = arith.muli %while3A_42, %mul3A_43 : i32
      %add3A_45 = arith.addi %mul3A_13, %mul3A_44 : i32
      "tpu.region"() ({
        %run_scoped3A = tpu.sem_alloc : memref<!tpu.dma_semaphore, #tpu.memory_space<semaphore_mem>>
        %dma_start3A = arith.constant 0 : i32
        %dma_start3A_46 = tpu.memref_slice %arg7[%add3A_45, %dma_start3A] : memref<10000x16xf32, #tpu.memory_space<vmem_shared>> -> memref<16x16xf32, #tpu.memory_space<vmem_shared>>
        %dma_start3A_47 = arith.constant 0 : i32
        %dma_start3A_48 = tpu.memref_slice %arg7[%add3A_45, %dma_start3A_47] : memref<10000x16xf32, #tpu.memory_space<vmem_shared>> -> memref<16x16xf32, #tpu.memory_space<vmem_shared>>
        tpu.enqueue_dma source(%arg6 : memref<16x16xf32, #tpu.memory_space<vmem>>) target(%dma_start3A_48 : memref<16x16xf32, #tpu.memory_space<vmem_shared>>) target_semaphore(%run_scoped3A : memref<!tpu.dma_semaphore, #tpu.memory_space<semaphore_mem>>)
        %dma_wait3A = arith.constant 0 : i32
        %dma_wait3A_49 = tpu.memref_slice %arg7[%add3A_45, %dma_wait3A] : memref<10000x16xf32, #tpu.memory_space<vmem_shared>> -> memref<16x16xf32, #tpu.memory_space<vmem_shared>>
        %dma_wait3A_50 = arith.constant 0 : i32
        %dma_wait3A_51 = tpu.memref_slice %arg7[%add3A_45, %dma_wait3A_50] : memref<10000x16xf32, #tpu.memory_space<vmem_shared>> -> memref<16x16xf32, #tpu.memory_space<vmem_shared>>
        tpu.wait_dma2 semaphore(%run_scoped3A : memref<!tpu.dma_semaphore, #tpu.memory_space<semaphore_mem>>) src(%arg6 : memref<16x16xf32, #tpu.memory_space<vmem>>) dst(%dma_wait3A_51 : memref<16x16xf32, #tpu.memory_space<vmem_shared>>)
        tpu.yield
      }) : () -> ()
    }
    %barrier3A = arith.constant 0 : index
    tpu.barrier barrier_id(%barrier3A)
    %scan3A_25 = arith.constant 0 : i32
    %scan3A_26 = arith.constant 0 : i32
    %scan3A_27 = arith.constant 8 : i32
    %scan3A_28 = arith.addi %scan3A_26, %scan3A_27 : i32
    %scan3A_29 = arith.constant 1 : i32
    scf.for %scan3A_42 = %scan3A_26 to %scan3A_28 step %scan3A_29  : i32 {
      %mul3A_43 = arith.constant 10 : i32
      %mul3A_44 = arith.muli %scan3A_42, %mul3A_43 : i32
      %add3A_45 = arith.constant 0 : i32
      %add3A_46 = arith.addi %mul3A_44, %add3A_45 : i32
      %dma_start3A = arith.constant 0 : i32
      %dma_start3A_47 = tpu.memref_slice %arg4[%add3A_46, %dma_start3A] : memref<80x125xi32, #tpu.memory_space<vmem>> -> memref<1x125xi32, #tpu.memory_space<vmem>>
      %dma_start3A_48 = tpu.memref_squeeze %dma_start3A_47 : memref<1x125xi32, #tpu.memory_space<vmem>> -> memref<125xi32, #tpu.memory_space<vmem>>
      %dma_start3A_49 = arith.constant 0 : i32
      %dma_start3A_50 = arith.constant 0 : i32
      %dma_start3A_51 = tpu.memref_slice %arg7[%dma_start3A_49, %dma_start3A_50] : memref<10000x16xf32, #tpu.memory_space<vmem_shared>> -> memref<10000x16xf32, #tpu.memory_space<vmem_shared>>
      tpu.enqueue_indirect_dma source(%arg5 : memref<125x16xf32, #tpu.memory_space<vmem>>) target(%dma_start3A_51 : memref<10000x16xf32, #tpu.memory_space<vmem_shared>>) offsets(%dma_start3A_48 : memref<125xi32, #tpu.memory_space<vmem>>) semaphore(%arg8 : memref<!tpu.dma_semaphore, #tpu.memory_space<semaphore_mem>>) {add = true}
      %mul3A_52 = arith.constant 10 : i32
      %mul3A_53 = arith.muli %scan3A_42, %mul3A_52 : i32
      %add3A_54 = arith.constant 1 : i32
      %add3A_55 = arith.addi %mul3A_53, %add3A_54 : i32
      %dma_start3A_56 = arith.constant 0 : i32
      %dma_start3A_57 = tpu.memref_slice %arg4[%add3A_55, %dma_start3A_56] : memref<80x125xi32, #tpu.memory_space<vmem>> -> memref<1x125xi32, #tpu.memory_space<vmem>>
      %dma_start3A_58 = tpu.memref_squeeze %dma_start3A_57 : memref<1x125xi32, #tpu.memory_space<vmem>> -> memref<125xi32, #tpu.memory_space<vmem>>
      %dma_start3A_59 = arith.constant 0 : i32
      %dma_start3A_60 = arith.constant 0 : i32
      %dma_start3A_61 = tpu.memref_slice %arg7[%dma_start3A_59, %dma_start3A_60] : memref<10000x16xf32, #tpu.memory_space<vmem_shared>> -> memref<10000x16xf32, #tpu.memory_space<vmem_shared>>
      tpu.enqueue_indirect_dma source(%arg5 : memref<125x16xf32, #tpu.memory_space<vmem>>) target(%dma_start3A_61 : memref<10000x16xf32, #tpu.memory_space<vmem_shared>>) offsets(%dma_start3A_58 : memref<125xi32, #tpu.memory_space<vmem>>) semaphore(%arg8 : memref<!tpu.dma_semaphore, #tpu.memory_space<semaphore_mem>>) {add = true}
      %mul3A_62 = arith.constant 10 : i32
      %mul3A_63 = arith.muli %scan3A_42, %mul3A_62 : i32
      %add3A_64 = arith.constant 2 : i32
      %add3A_65 = arith.addi %mul3A_63, %add3A_64 : i32
      %dma_start3A_66 = arith.constant 0 : i32
      %dma_start3A_67 = tpu.memref_slice %arg4[%add3A_65, %dma_start3A_66] : memref<80x125xi32, #tpu.memory_space<vmem>> -> memref<1x125xi32, #tpu.memory_space<vmem>>
      %dma_start3A_68 = tpu.memref_squeeze %dma_start3A_67 : memref<1x125xi32, #tpu.memory_space<vmem>> -> memref<125xi32, #tpu.memory_space<vmem>>
      %dma_start3A_69 = arith.constant 0 : i32
      %dma_start3A_70 = arith.constant 0 : i32
      %dma_start3A_71 = tpu.memref_slice %arg7[%dma_start3A_69, %dma_start3A_70] : memref<10000x16xf32, #tpu.memory_space<vmem_shared>> -> memref<10000x16xf32, #tpu.memory_space<vmem_shared>>
      tpu.enqueue_indirect_dma source(%arg5 : memref<125x16xf32, #tpu.memory_space<vmem>>) target(%dma_start3A_71 : memref<10000x16xf32, #tpu.memory_space<vmem_shared>>) offsets(%dma_start3A_68 : memref<125xi32, #tpu.memory_space<vmem>>) semaphore(%arg8 : memref<!tpu.dma_semaphore, #tpu.memory_space<semaphore_mem>>) {add = true}
      %mul3A_72 = arith.constant 10 : i32
      %mul3A_73 = arith.muli %scan3A_42, %mul3A_72 : i32
      %add3A_74 = arith.constant 3 : i32
      %add3A_75 = arith.addi %mul3A_73, %add3A_74 : i32
      %dma_start3A_76 = arith.constant 0 : i32
      %dma_start3A_77 = tpu.memref_slice %arg4[%add3A_75, %dma_start3A_76] : memref<80x125xi32, #tpu.memory_space<vmem>> -> memref<1x125xi32, #tpu.memory_space<vmem>>
      %dma_start3A_78 = tpu.memref_squeeze %dma_start3A_77 : memref<1x125xi32, #tpu.memory_space<vmem>> -> memref<125xi32, #tpu.memory_space<vmem>>
      %dma_start3A_79 = arith.constant 0 : i32
      %dma_start3A_80 = arith.constant 0 : i32
      %dma_start3A_81 = tpu.memref_slice %arg7[%dma_start3A_79, %dma_start3A_80] : memref<10000x16xf32, #tpu.memory_space<vmem_shared>> -> memref<10000x16xf32, #tpu.memory_space<vmem_shared>>
      tpu.enqueue_indirect_dma source(%arg5 : memref<125x16xf32, #tpu.memory_space<vmem>>) target(%dma_start3A_81 : memref<10000x16xf32, #tpu.memory_space<vmem_shared>>) offsets(%dma_start3A_78 : memref<125xi32, #tpu.memory_space<vmem>>) semaphore(%arg8 : memref<!tpu.dma_semaphore, #tpu.memory_space<semaphore_mem>>) {add = true}
      %mul3A_82 = arith.constant 10 : i32
      %mul3A_83 = arith.muli %scan3A_42, %mul3A_82 : i32
      %add3A_84 = arith.constant 4 : i32
      %add3A_85 = arith.addi %mul3A_83, %add3A_84 : i32
      %dma_start3A_86 = arith.constant 0 : i32
      %dma_start3A_87 = tpu.memref_slice %arg4[%add3A_85, %dma_start3A_86] : memref<80x125xi32, #tpu.memory_space<vmem>> -> memref<1x125xi32, #tpu.memory_space<vmem>>
      %dma_start3A_88 = tpu.memref_squeeze %dma_start3A_87 : memref<1x125xi32, #tpu.memory_space<vmem>> -> memref<125xi32, #tpu.memory_space<vmem>>
      %dma_start3A_89 = arith.constant 0 : i32
      %dma_start3A_90 = arith.constant 0 : i32
      %dma_start3A_91 = tpu.memref_slice %arg7[%dma_start3A_89, %dma_start3A_90] : memref<10000x16xf32, #tpu.memory_space<vmem_shared>> -> memref<10000x16xf32, #tpu.memory_space<vmem_shared>>
      tpu.enqueue_indirect_dma source(%arg5 : memref<125x16xf32, #tpu.memory_space<vmem>>) target(%dma_start3A_91 : memref<10000x16xf32, #tpu.memory_space<vmem_shared>>) offsets(%dma_start3A_88 : memref<125xi32, #tpu.memory_space<vmem>>) semaphore(%arg8 : memref<!tpu.dma_semaphore, #tpu.memory_space<semaphore_mem>>) {add = true}
      %mul3A_92 = arith.constant 10 : i32
      %mul3A_93 = arith.muli %scan3A_42, %mul3A_92 : i32
      %add3A_94 = arith.constant 5 : i32
      %add3A_95 = arith.addi %mul3A_93, %add3A_94 : i32
      %dma_start3A_96 = arith.constant 0 : i32
      %dma_start3A_97 = tpu.memref_slice %arg4[%add3A_95, %dma_start3A_96] : memref<80x125xi32, #tpu.memory_space<vmem>> -> memref<1x125xi32, #tpu.memory_space<vmem>>
      %dma_start3A_98 = tpu.memref_squeeze %dma_start3A_97 : memref<1x125xi32, #tpu.memory_space<vmem>> -> memref<125xi32, #tpu.memory_space<vmem>>
      %dma_start3A_99 = arith.constant 0 : i32
      %dma_start3A_100 = arith.constant 0 : i32
      %dma_start3A_101 = tpu.memref_slice %arg7[%dma_start3A_99, %dma_start3A_100] : memref<10000x16xf32, #tpu.memory_space<vmem_shared>> -> memref<10000x16xf32, #tpu.memory_space<vmem_shared>>
      tpu.enqueue_indirect_dma source(%arg5 : memref<125x16xf32, #tpu.memory_space<vmem>>) target(%dma_start3A_101 : memref<10000x16xf32, #tpu.memory_space<vmem_shared>>) offsets(%dma_start3A_98 : memref<125xi32, #tpu.memory_space<vmem>>) semaphore(%arg8 : memref<!tpu.dma_semaphore, #tpu.memory_space<semaphore_mem>>) {add = true}
      %mul3A_102 = arith.constant 10 : i32
      %mul3A_103 = arith.muli %scan3A_42, %mul3A_102 : i32
      %add3A_104 = arith.constant 6 : i32
      %add3A_105 = arith.addi %mul3A_103, %add3A_104 : i32
      %dma_start3A_106 = arith.constant 0 : i32
      %dma_start3A_107 = tpu.memref_slice %arg4[%add3A_105, %dma_start3A_106] : memref<80x125xi32, #tpu.memory_space<vmem>> -> memref<1x125xi32, #tpu.memory_space<vmem>>
      %dma_start3A_108 = tpu.memref_squeeze %dma_start3A_107 : memref<1x125xi32, #tpu.memory_space<vmem>> -> memref<125xi32, #tpu.memory_space<vmem>>
      %dma_start3A_109 = arith.constant 0 : i32
      %dma_start3A_110 = arith.constant 0 : i32
      %dma_start3A_111 = tpu.memref_slice %arg7[%dma_start3A_109, %dma_start3A_110] : memref<10000x16xf32, #tpu.memory_space<vmem_shared>> -> memref<10000x16xf32, #tpu.memory_space<vmem_shared>>
      tpu.enqueue_indirect_dma source(%arg5 : memref<125x16xf32, #tpu.memory_space<vmem>>) target(%dma_start3A_111 : memref<10000x16xf32, #tpu.memory_space<vmem_shared>>) offsets(%dma_start3A_108 : memref<125xi32, #tpu.memory_space<vmem>>) semaphore(%arg8 : memref<!tpu.dma_semaphore, #tpu.memory_space<semaphore_mem>>) {add = true}
      %mul3A_112 = arith.constant 10 : i32
      %mul3A_113 = arith.muli %scan3A_42, %mul3A_112 : i32
      %add3A_114 = arith.constant 7 : i32
      %add3A_115 = arith.addi %mul3A_113, %add3A_114 : i32
      %dma_start3A_116 = arith.constant 0 : i32
      %dma_start3A_117 = tpu.memref_slice %arg4[%add3A_115, %dma_start3A_116] : memref<80x125xi32, #tpu.memory_space<vmem>> -> memref<1x125xi32, #tpu.memory_space<vmem>>
      %dma_start3A_118 = tpu.memref_squeeze %dma_start3A_117 : memref<1x125xi32, #tpu.memory_space<vmem>> -> memref<125xi32, #tpu.memory_space<vmem>>
      %dma_start3A_119 = arith.constant 0 : i32
      %dma_start3A_120 = arith.constant 0 : i32
      %dma_start3A_121 = tpu.memref_slice %arg7[%dma_start3A_119, %dma_start3A_120] : memref<10000x16xf32, #tpu.memory_space<vmem_shared>> -> memref<10000x16xf32, #tpu.memory_space<vmem_shared>>
      tpu.enqueue_indirect_dma source(%arg5 : memref<125x16xf32, #tpu.memory_space<vmem>>) target(%dma_start3A_121 : memref<10000x16xf32, #tpu.memory_space<vmem_shared>>) offsets(%dma_start3A_118 : memref<125xi32, #tpu.memory_space<vmem>>) semaphore(%arg8 : memref<!tpu.dma_semaphore, #tpu.memory_space<semaphore_mem>>) {add = true}
      %mul3A_122 = arith.constant 10 : i32
      %mul3A_123 = arith.muli %scan3A_42, %mul3A_122 : i32
      %add3A_124 = arith.constant 8 : i32
      %add3A_125 = arith.addi %mul3A_123, %add3A_124 : i32
      %dma_start3A_126 = arith.constant 0 : i32
      %dma_start3A_127 = tpu.memref_slice %arg4[%add3A_125, %dma_start3A_126] : memref<80x125xi32, #tpu.memory_space<vmem>> -> memref<1x125xi32, #tpu.memory_space<vmem>>
      %dma_start3A_128 = tpu.memref_squeeze %dma_start3A_127 : memref<1x125xi32, #tpu.memory_space<vmem>> -> memref<125xi32, #tpu.memory_space<vmem>>
      %dma_start3A_129 = arith.constant 0 : i32
      %dma_start3A_130 = arith.constant 0 : i32
      %dma_start3A_131 = tpu.memref_slice %arg7[%dma_start3A_129, %dma_start3A_130] : memref<10000x16xf32, #tpu.memory_space<vmem_shared>> -> memref<10000x16xf32, #tpu.memory_space<vmem_shared>>
      tpu.enqueue_indirect_dma source(%arg5 : memref<125x16xf32, #tpu.memory_space<vmem>>) target(%dma_start3A_131 : memref<10000x16xf32, #tpu.memory_space<vmem_shared>>) offsets(%dma_start3A_128 : memref<125xi32, #tpu.memory_space<vmem>>) semaphore(%arg8 : memref<!tpu.dma_semaphore, #tpu.memory_space<semaphore_mem>>) {add = true}
      %mul3A_132 = arith.constant 10 : i32
      %mul3A_133 = arith.muli %scan3A_42, %mul3A_132 : i32
      %add3A_134 = arith.constant 9 : i32
      %add3A_135 = arith.addi %mul3A_133, %add3A_134 : i32
      %dma_start3A_136 = arith.constant 0 : i32
      %dma_start3A_137 = tpu.memref_slice %arg4[%add3A_135, %dma_start3A_136] : memref<80x125xi32, #tpu.memory_space<vmem>> -> memref<1x125xi32, #tpu.memory_space<vmem>>
      %dma_start3A_138 = tpu.memref_squeeze %dma_start3A_137 : memref<1x125xi32, #tpu.memory_space<vmem>> -> memref<125xi32, #tpu.memory_space<vmem>>
      %dma_start3A_139 = arith.constant 0 : i32
      %dma_start3A_140 = arith.constant 0 : i32
      %dma_start3A_141 = tpu.memref_slice %arg7[%dma_start3A_139, %dma_start3A_140] : memref<10000x16xf32, #tpu.memory_space<vmem_shared>> -> memref<10000x16xf32, #tpu.memory_space<vmem_shared>>
      tpu.enqueue_indirect_dma source(%arg5 : memref<125x16xf32, #tpu.memory_space<vmem>>) target(%dma_start3A_141 : memref<10000x16xf32, #tpu.memory_space<vmem_shared>>) offsets(%dma_start3A_138 : memref<125xi32, #tpu.memory_space<vmem>>) semaphore(%arg8 : memref<!tpu.dma_semaphore, #tpu.memory_space<semaphore_mem>>) {add = true}
      %mul3A_142 = arith.constant 10 : i32
      %mul3A_143 = arith.muli %scan3A_42, %mul3A_142 : i32
      %add3A_144 = arith.constant 0 : i32
      %add3A_145 = arith.addi %mul3A_143, %add3A_144 : i32
      %dma_wait3A = arith.constant 0 : i32
      %dma_wait3A_146 = tpu.memref_slice %arg4[%add3A_145, %dma_wait3A] : memref<80x125xi32, #tpu.memory_space<vmem>> -> memref<1x125xi32, #tpu.memory_space<vmem>>
      %dma_wait3A_147 = tpu.memref_squeeze %dma_wait3A_146 : memref<1x125xi32, #tpu.memory_space<vmem>> -> memref<125xi32, #tpu.memory_space<vmem>>
      %dma_wait3A_148 = arith.constant 0 : i32
      %dma_wait3A_149 = arith.constant 0 : i32
      %dma_wait3A_150 = tpu.memref_slice %arg7[%dma_wait3A_148, %dma_wait3A_149] : memref<10000x16xf32, #tpu.memory_space<vmem_shared>> -> memref<10000x16xf32, #tpu.memory_space<vmem_shared>>
      tpu.wait_indirect_dma semaphore(%arg8 : memref<!tpu.dma_semaphore, #tpu.memory_space<semaphore_mem>>) src(%arg5 : memref<125x16xf32, #tpu.memory_space<vmem>>) dst(%dma_wait3A_150 : memref<10000x16xf32, #tpu.memory_space<vmem_shared>>)
      %mul3A_151 = arith.constant 10 : i32
      %mul3A_152 = arith.muli %scan3A_42, %mul3A_151 : i32
      %add3A_153 = arith.constant 1 : i32
      %add3A_154 = arith.addi %mul3A_152, %add3A_153 : i32
      %dma_wait3A_155 = arith.constant 0 : i32
      %dma_wait3A_156 = tpu.memref_slice %arg4[%add3A_154, %dma_wait3A_155] : memref<80x125xi32, #tpu.memory_space<vmem>> -> memref<1x125xi32, #tpu.memory_space<vmem>>
      %dma_wait3A_157 = tpu.memref_squeeze %dma_wait3A_156 : memref<1x125xi32, #tpu.memory_space<vmem>> -> memref<125xi32, #tpu.memory_space<vmem>>
      %dma_wait3A_158 = arith.constant 0 : i32
      %dma_wait3A_159 = arith.constant 0 : i32
      %dma_wait3A_160 = tpu.memref_slice %arg7[%dma_wait3A_158, %dma_wait3A_159] : memref<10000x16xf32, #tpu.memory_space<vmem_shared>> -> memref<10000x16xf32, #tpu.memory_space<vmem_shared>>
      tpu.wait_indirect_dma semaphore(%arg8 : memref<!tpu.dma_semaphore, #tpu.memory_space<semaphore_mem>>) src(%arg5 : memref<125x16xf32, #tpu.memory_space<vmem>>) dst(%dma_wait3A_160 : memref<10000x16xf32, #tpu.memory_space<vmem_shared>>)
      %mul3A_161 = arith.constant 10 : i32
      %mul3A_162 = arith.muli %scan3A_42, %mul3A_161 : i32
      %add3A_163 = arith.constant 2 : i32
      %add3A_164 = arith.addi %mul3A_162, %add3A_163 : i32
      %dma_wait3A_165 = arith.constant 0 : i32
      %dma_wait3A_166 = tpu.memref_slice %arg4[%add3A_164, %dma_wait3A_165] : memref<80x125xi32, #tpu.memory_space<vmem>> -> memref<1x125xi32, #tpu.memory_space<vmem>>
      %dma_wait3A_167 = tpu.memref_squeeze %dma_wait3A_166 : memref<1x125xi32, #tpu.memory_space<vmem>> -> memref<125xi32, #tpu.memory_space<vmem>>
      %dma_wait3A_168 = arith.constant 0 : i32
      %dma_wait3A_169 = arith.constant 0 : i32
      %dma_wait3A_170 = tpu.memref_slice %arg7[%dma_wait3A_168, %dma_wait3A_169] : memref<10000x16xf32, #tpu.memory_space<vmem_shared>> -> memref<10000x16xf32, #tpu.memory_space<vmem_shared>>
      tpu.wait_indirect_dma semaphore(%arg8 : memref<!tpu.dma_semaphore, #tpu.memory_space<semaphore_mem>>) src(%arg5 : memref<125x16xf32, #tpu.memory_space<vmem>>) dst(%dma_wait3A_170 : memref<10000x16xf32, #tpu.memory_space<vmem_shared>>)
      %mul3A_171 = arith.constant 10 : i32
      %mul3A_172 = arith.muli %scan3A_42, %mul3A_171 : i32
      %add3A_173 = arith.constant 3 : i32
      %add3A_174 = arith.addi %mul3A_172, %add3A_173 : i32
      %dma_wait3A_175 = arith.constant 0 : i32
      %dma_wait3A_176 = tpu.memref_slice %arg4[%add3A_174, %dma_wait3A_175] : memref<80x125xi32, #tpu.memory_space<vmem>> -> memref<1x125xi32, #tpu.memory_space<vmem>>
      %dma_wait3A_177 = tpu.memref_squeeze %dma_wait3A_176 : memref<1x125xi32, #tpu.memory_space<vmem>> -> memref<125xi32, #tpu.memory_space<vmem>>
      %dma_wait3A_178 = arith.constant 0 : i32
      %dma_wait3A_179 = arith.constant 0 : i32
      %dma_wait3A_180 = tpu.memref_slice %arg7[%dma_wait3A_178, %dma_wait3A_179] : memref<10000x16xf32, #tpu.memory_space<vmem_shared>> -> memref<10000x16xf32, #tpu.memory_space<vmem_shared>>
      tpu.wait_indirect_dma semaphore(%arg8 : memref<!tpu.dma_semaphore, #tpu.memory_space<semaphore_mem>>) src(%arg5 : memref<125x16xf32, #tpu.memory_space<vmem>>) dst(%dma_wait3A_180 : memref<10000x16xf32, #tpu.memory_space<vmem_shared>>)
      %mul3A_181 = arith.constant 10 : i32
      %mul3A_182 = arith.muli %scan3A_42, %mul3A_181 : i32
      %add3A_183 = arith.constant 4 : i32
      %add3A_184 = arith.addi %mul3A_182, %add3A_183 : i32
      %dma_wait3A_185 = arith.constant 0 : i32
      %dma_wait3A_186 = tpu.memref_slice %arg4[%add3A_184, %dma_wait3A_185] : memref<80x125xi32, #tpu.memory_space<vmem>> -> memref<1x125xi32, #tpu.memory_space<vmem>>
      %dma_wait3A_187 = tpu.memref_squeeze %dma_wait3A_186 : memref<1x125xi32, #tpu.memory_space<vmem>> -> memref<125xi32, #tpu.memory_space<vmem>>
      %dma_wait3A_188 = arith.constant 0 : i32
      %dma_wait3A_189 = arith.constant 0 : i32
      %dma_wait3A_190 = tpu.memref_slice %arg7[%dma_wait3A_188, %dma_wait3A_189] : memref<10000x16xf32, #tpu.memory_space<vmem_shared>> -> memref<10000x16xf32, #tpu.memory_space<vmem_shared>>
      tpu.wait_indirect_dma semaphore(%arg8 : memref<!tpu.dma_semaphore, #tpu.memory_space<semaphore_mem>>) src(%arg5 : memref<125x16xf32, #tpu.memory_space<vmem>>) dst(%dma_wait3A_190 : memref<10000x16xf32, #tpu.memory_space<vmem_shared>>)
      %mul3A_191 = arith.constant 10 : i32
      %mul3A_192 = arith.muli %scan3A_42, %mul3A_191 : i32
      %add3A_193 = arith.constant 5 : i32
      %add3A_194 = arith.addi %mul3A_192, %add3A_193 : i32
      %dma_wait3A_195 = arith.constant 0 : i32
      %dma_wait3A_196 = tpu.memref_slice %arg4[%add3A_194, %dma_wait3A_195] : memref<80x125xi32, #tpu.memory_space<vmem>> -> memref<1x125xi32, #tpu.memory_space<vmem>>
      %dma_wait3A_197 = tpu.memref_squeeze %dma_wait3A_196 : memref<1x125xi32, #tpu.memory_space<vmem>> -> memref<125xi32, #tpu.memory_space<vmem>>
      %dma_wait3A_198 = arith.constant 0 : i32
      %dma_wait3A_199 = arith.constant 0 : i32
      %dma_wait3A_200 = tpu.memref_slice %arg7[%dma_wait3A_198, %dma_wait3A_199] : memref<10000x16xf32, #tpu.memory_space<vmem_shared>> -> memref<10000x16xf32, #tpu.memory_space<vmem_shared>>
      tpu.wait_indirect_dma semaphore(%arg8 : memref<!tpu.dma_semaphore, #tpu.memory_space<semaphore_mem>>) src(%arg5 : memref<125x16xf32, #tpu.memory_space<vmem>>) dst(%dma_wait3A_200 : memref<10000x16xf32, #tpu.memory_space<vmem_shared>>)
      %mul3A_201 = arith.constant 10 : i32
      %mul3A_202 = arith.muli %scan3A_42, %mul3A_201 : i32
      %add3A_203 = arith.constant 6 : i32
      %add3A_204 = arith.addi %mul3A_202, %add3A_203 : i32
      %dma_wait3A_205 = arith.constant 0 : i32
      %dma_wait3A_206 = tpu.memref_slice %arg4[%add3A_204, %dma_wait3A_205] : memref<80x125xi32, #tpu.memory_space<vmem>> -> memref<1x125xi32, #tpu.memory_space<vmem>>
      %dma_wait3A_207 = tpu.memref_squeeze %dma_wait3A_206 : memref<1x125xi32, #tpu.memory_space<vmem>> -> memref<125xi32, #tpu.memory_space<vmem>>
      %dma_wait3A_208 = arith.constant 0 : i32
      %dma_wait3A_209 = arith.constant 0 : i32
      %dma_wait3A_210 = tpu.memref_slice %arg7[%dma_wait3A_208, %dma_wait3A_209] : memref<10000x16xf32, #tpu.memory_space<vmem_shared>> -> memref<10000x16xf32, #tpu.memory_space<vmem_shared>>
      tpu.wait_indirect_dma semaphore(%arg8 : memref<!tpu.dma_semaphore, #tpu.memory_space<semaphore_mem>>) src(%arg5 : memref<125x16xf32, #tpu.memory_space<vmem>>) dst(%dma_wait3A_210 : memref<10000x16xf32, #tpu.memory_space<vmem_shared>>)
      %mul3A_211 = arith.constant 10 : i32
      %mul3A_212 = arith.muli %scan3A_42, %mul3A_211 : i32
      %add3A_213 = arith.constant 7 : i32
      %add3A_214 = arith.addi %mul3A_212, %add3A_213 : i32
      %dma_wait3A_215 = arith.constant 0 : i32
      %dma_wait3A_216 = tpu.memref_slice %arg4[%add3A_214, %dma_wait3A_215] : memref<80x125xi32, #tpu.memory_space<vmem>> -> memref<1x125xi32, #tpu.memory_space<vmem>>
      %dma_wait3A_217 = tpu.memref_squeeze %dma_wait3A_216 : memref<1x125xi32, #tpu.memory_space<vmem>> -> memref<125xi32, #tpu.memory_space<vmem>>
      %dma_wait3A_218 = arith.constant 0 : i32
      %dma_wait3A_219 = arith.constant 0 : i32
      %dma_wait3A_220 = tpu.memref_slice %arg7[%dma_wait3A_218, %dma_wait3A_219] : memref<10000x16xf32, #tpu.memory_space<vmem_shared>> -> memref<10000x16xf32, #tpu.memory_space<vmem_shared>>
      tpu.wait_indirect_dma semaphore(%arg8 : memref<!tpu.dma_semaphore, #tpu.memory_space<semaphore_mem>>) src(%arg5 : memref<125x16xf32, #tpu.memory_space<vmem>>) dst(%dma_wait3A_220 : memref<10000x16xf32, #tpu.memory_space<vmem_shared>>)
      %mul3A_221 = arith.constant 10 : i32
      %mul3A_222 = arith.muli %scan3A_42, %mul3A_221 : i32
      %add3A_223 = arith.constant 8 : i32
      %add3A_224 = arith.addi %mul3A_222, %add3A_223 : i32
      %dma_wait3A_225 = arith.constant 0 : i32
      %dma_wait3A_226 = tpu.memref_slice %arg4[%add3A_224, %dma_wait3A_225] : memref<80x125xi32, #tpu.memory_space<vmem>> -> memref<1x125xi32, #tpu.memory_space<vmem>>
      %dma_wait3A_227 = tpu.memref_squeeze %dma_wait3A_226 : memref<1x125xi32, #tpu.memory_space<vmem>> -> memref<125xi32, #tpu.memory_space<vmem>>
      %dma_wait3A_228 = arith.constant 0 : i32
      %dma_wait3A_229 = arith.constant 0 : i32
      %dma_wait3A_230 = tpu.memref_slice %arg7[%dma_wait3A_228, %dma_wait3A_229] : memref<10000x16xf32, #tpu.memory_space<vmem_shared>> -> memref<10000x16xf32, #tpu.memory_space<vmem_shared>>
      tpu.wait_indirect_dma semaphore(%arg8 : memref<!tpu.dma_semaphore, #tpu.memory_space<semaphore_mem>>) src(%arg5 : memref<125x16xf32, #tpu.memory_space<vmem>>) dst(%dma_wait3A_230 : memref<10000x16xf32, #tpu.memory_space<vmem_shared>>)
      %mul3A_231 = arith.constant 10 : i32
      %mul3A_232 = arith.muli %scan3A_42, %mul3A_231 : i32
      %add3A_233 = arith.constant 9 : i32
      %add3A_234 = arith.addi %mul3A_232, %add3A_233 : i32
      %dma_wait3A_235 = arith.constant 0 : i32
      %dma_wait3A_236 = tpu.memref_slice %arg4[%add3A_234, %dma_wait3A_235] : memref<80x125xi32, #tpu.memory_space<vmem>> -> memref<1x125xi32, #tpu.memory_space<vmem>>
      %dma_wait3A_237 = tpu.memref_squeeze %dma_wait3A_236 : memref<1x125xi32, #tpu.memory_space<vmem>> -> memref<125xi32, #tpu.memory_space<vmem>>
      %dma_wait3A_238 = arith.constant 0 : i32
      %dma_wait3A_239 = arith.constant 0 : i32
      %dma_wait3A_240 = tpu.memref_slice %arg7[%dma_wait3A_238, %dma_wait3A_239] : memref<10000x16xf32, #tpu.memory_space<vmem_shared>> -> memref<10000x16xf32, #tpu.memory_space<vmem_shared>>
      tpu.wait_indirect_dma semaphore(%arg8 : memref<!tpu.dma_semaphore, #tpu.memory_space<semaphore_mem>>) src(%arg5 : memref<125x16xf32, #tpu.memory_space<vmem>>) dst(%dma_wait3A_240 : memref<10000x16xf32, #tpu.memory_space<vmem_shared>>)
    }
    %scan3A_30 = arith.constant 8 : i32
    %barrier3A_31 = arith.constant 0 : index
    tpu.barrier barrier_id(%barrier3A_31)
    %while3A_32 = arith.constant 0 : i32
    %while3A_33 = arith.constant 0 : i32
    %while3A_34 = arith.subi %select_n3A, %while3A_33 : i32
    %while3A_35 = arith.addi %while3A_33, %while3A_34 : i32
    %while3A_36 = arith.constant 1 : i32
    %while3A_37 = arith.divsi %while3A_34, %while3A_36 : i32
    %while3A_38 = arith.muli %while3A_37, %while3A_36 : i32
    %while3A_39 = arith.addi %while3A_33, %while3A_38 : i32
    %while3A_40 = arith.constant 1 : i32
    scf.for %while3A_42 = %while3A_33 to %while3A_39 step %while3A_40  : i32 {
      %mul3A_43 = arith.constant 16 : i32
      %mul3A_44 = arith.muli %while3A_42, %mul3A_43 : i32
      %add3A_45 = arith.addi %mul3A_13, %mul3A_44 : i32
      %mul3A_46 = arith.constant 16 : i32
      %mul3A_47 = arith.muli %while3A_42, %mul3A_46 : i32
      %add3A_48 = arith.addi %mul3A_13, %mul3A_47 : i32
      "tpu.region"() ({
        %run_scoped3A = tpu.sem_alloc : memref<!tpu.dma_semaphore, #tpu.memory_space<semaphore_mem>>
        %dma_start3A = arith.constant 0 : i32
        %dma_start3A_49 = tpu.memref_slice %arg3[%arg0, %add3A_48, %dma_start3A] : memref<2x10000x16xf32, #tpu.memory_space<hbm>> -> memref<1x16x16xf32, #tpu.memory_space<hbm>>
        %dma_start3A_50 = tpu.memref_squeeze %dma_start3A_49 : memref<1x16x16xf32, #tpu.memory_space<hbm>> -> memref<16x16xf32, #tpu.memory_space<hbm>>
        %dma_start3A_51 = arith.constant 0 : i32
        %dma_start3A_52 = tpu.memref_slice %arg7[%add3A_45, %dma_start3A_51] : memref<10000x16xf32, #tpu.memory_space<vmem_shared>> -> memref<16x16xf32, #tpu.memory_space<vmem_shared>>
        tpu.enqueue_dma source(%dma_start3A_52 : memref<16x16xf32, #tpu.memory_space<vmem_shared>>) target(%dma_start3A_50 : memref<16x16xf32, #tpu.memory_space<hbm>>) target_semaphore(%run_scoped3A : memref<!tpu.dma_semaphore, #tpu.memory_space<semaphore_mem>>)
        %dma_wait3A = arith.constant 0 : i32
        %dma_wait3A_53 = tpu.memref_slice %arg3[%arg0, %add3A_48, %dma_wait3A] : memref<2x10000x16xf32, #tpu.memory_space<hbm>> -> memref<1x16x16xf32, #tpu.memory_space<hbm>>
        %dma_wait3A_54 = tpu.memref_squeeze %dma_wait3A_53 : memref<1x16x16xf32, #tpu.memory_space<hbm>> -> memref<16x16xf32, #tpu.memory_space<hbm>>
        %dma_wait3A_55 = arith.constant 0 : i32
        %dma_wait3A_56 = tpu.memref_slice %arg7[%add3A_45, %dma_wait3A_55] : memref<10000x16xf32, #tpu.memory_space<vmem_shared>> -> memref<16x16xf32, #tpu.memory_space<vmem_shared>>
        tpu.wait_dma2 semaphore(%run_scoped3A : memref<!tpu.dma_semaphore, #tpu.memory_space<semaphore_mem>>) src(%dma_wait3A_56 : memref<16x16xf32, #tpu.memory_space<vmem_shared>>) dst(%dma_wait3A_54 : memref<16x16xf32, #tpu.memory_space<hbm>>)
        tpu.yield
      }) : () -> ()
    }
    %while3A_41 = arith.constant 1 : i32
    scf.for %while3A_42 = %while3A_39 to %while3A_35 step %while3A_41  : i32 {
      %mul3A_43 = arith.constant 16 : i32
      %mul3A_44 = arith.muli %while3A_42, %mul3A_43 : i32
      %add3A_45 = arith.addi %mul3A_13, %mul3A_44 : i32
      %mul3A_46 = arith.constant 16 : i32
      %mul3A_47 = arith.muli %while3A_42, %mul3A_46 : i32
      %add3A_48 = arith.addi %mul3A_13, %mul3A_47 : i32
      "tpu.region"() ({
        %run_scoped3A = tpu.sem_alloc : memref<!tpu.dma_semaphore, #tpu.memory_space<semaphore_mem>>
        %dma_start3A = arith.constant 0 : i32
        %dma_start3A_49 = tpu.memref_slice %arg3[%arg0, %add3A_48, %dma_start3A] : memref<2x10000x16xf32, #tpu.memory_space<hbm>> -> memref<1x16x16xf32, #tpu.memory_space<hbm>>
        %dma_start3A_50 = tpu.memref_squeeze %dma_start3A_49 : memref<1x16x16xf32, #tpu.memory_space<hbm>> -> memref<16x16xf32, #tpu.memory_space<hbm>>
        %dma_start3A_51 = arith.constant 0 : i32
        %dma_start3A_52 = tpu.memref_slice %arg7[%add3A_45, %dma_start3A_51] : memref<10000x16xf32, #tpu.memory_space<vmem_shared>> -> memref<16x16xf32, #tpu.memory_space<vmem_shared>>
        tpu.enqueue_dma source(%dma_start3A_52 : memref<16x16xf32, #tpu.memory_space<vmem_shared>>) target(%dma_start3A_50 : memref<16x16xf32, #tpu.memory_space<hbm>>) target_semaphore(%run_scoped3A : memref<!tpu.dma_semaphore, #tpu.memory_space<semaphore_mem>>)
        %dma_wait3A = arith.constant 0 : i32
        %dma_wait3A_53 = tpu.memref_slice %arg3[%arg0, %add3A_48, %dma_wait3A] : memref<2x10000x16xf32, #tpu.memory_space<hbm>> -> memref<1x16x16xf32, #tpu.memory_space<hbm>>
        %dma_wait3A_54 = tpu.memref_squeeze %dma_wait3A_53 : memref<1x16x16xf32, #tpu.memory_space<hbm>> -> memref<16x16xf32, #tpu.memory_space<hbm>>
        %dma_wait3A_55 = arith.constant 0 : i32
        %dma_wait3A_56 = tpu.memref_slice %arg7[%add3A_45, %dma_wait3A_55] : memref<10000x16xf32, #tpu.memory_space<vmem_shared>> -> memref<16x16xf32, #tpu.memory_space<vmem_shared>>
        tpu.wait_dma2 semaphore(%run_scoped3A : memref<!tpu.dma_semaphore, #tpu.memory_space<semaphore_mem>>) src(%dma_wait3A_56 : memref<16x16xf32, #tpu.memory_space<vmem_shared>>) dst(%dma_wait3A_54 : memref<16x16xf32, #tpu.memory_space<hbm>>)
        tpu.yield
      }) : () -> ()
    }
    return
  }
}

#map = affine_map<(d0, d1) -> (0, 0)>
#map1 = affine_map<(d0, d1) -> (0, 0, 0, 0)>
#map2 = affine_map<(d0, d1) -> (0, 0, 0)>
module attributes {stable_mosaic.version = 14 : i64} {
  func.func @agg_kernel(%arg0: i32, %arg1: i32, %arg2: memref<10000x128xf32, #tpu.memory_space<hbm>>, %arg3: memref<32x80x2x125xi32, #tpu.memory_space<hbm>>, %arg4: memref<2x10000x128xf32, #tpu.memory_space<hbm>>, %arg5: memref<4x2x125xi32, #tpu.memory_space<vmem>>, %arg6: memref<2x125x128xf32, #tpu.memory_space<vmem>>, %arg7: memref<16x128xf32, #tpu.memory_space<vmem>>, %arg8: memref<10000x128xf32, #tpu.memory_space<vmem_shared>>, %arg9: memref<!tpu.dma_semaphore, #tpu.memory_space<semaphore_mem>>, %arg10: memref<!tpu.dma_semaphore, #tpu.memory_space<semaphore_mem>>, %arg11: memref<!tpu.dma_semaphore, #tpu.memory_space<semaphore_mem>>, %arg12: memref<!tpu.dma_semaphore, #tpu.memory_space<semaphore_mem>>) attributes {dimension_semantics = [#tpu.dimension_semantics<core_parallel>, #tpu.dimension_semantics<subcore_parallel>], iteration_bounds = array<i64: 2, 16>, scalar_prefetch = 0 : i64, scratch_operands = 8 : i64, tpu.core_type = #tpu.core_type<sc_vector_subcore>, window_params = [{transform_indices = #map}, {transform_indices = #map1}, {transform_indices = #map2}]} {
    %mul3A = arith.constant 2 : i32
    %mul3A_0 = arith.muli %arg1, %mul3A : i32
    %add3A = arith.addi %mul3A_0, %arg0 : i32
    %run_scoped3A = arith.constant 0 : i32
    %run_scoped3A_1 = arith.constant 0 : i32
    "tpu.region"() ({
      %run_scoped3A_68 = tpu.sem_alloc : memref<!tpu.dma_semaphore, #tpu.memory_space<semaphore_mem>>
      %dma_start3A_69 = arith.constant 0 : i32
      %dma_start3A_70 = arith.constant 0 : i32
      %dma_start3A_71 = tpu.memref_slice %arg5[%run_scoped3A_1, %dma_start3A_69, %dma_start3A_70] : memref<4x2x125xi32, #tpu.memory_space<vmem>> -> memref<1x2x125xi32, #tpu.memory_space<vmem>>
      %dma_start3A_72 = tpu.memref_squeeze %dma_start3A_71 : memref<1x2x125xi32, #tpu.memory_space<vmem>> -> memref<2x125xi32, #tpu.memory_space<vmem>>
      %dma_start3A_73 = arith.constant 0 : i32
      %dma_start3A_74 = arith.constant 0 : i32
      %dma_start3A_75 = tpu.memref_slice %arg3[%add3A, %run_scoped3A, %dma_start3A_73, %dma_start3A_74] : memref<32x80x2x125xi32, #tpu.memory_space<hbm>> -> memref<1x1x2x125xi32, #tpu.memory_space<hbm>>
      %dma_start3A_76 = tpu.memref_squeeze %dma_start3A_75 : memref<1x1x2x125xi32, #tpu.memory_space<hbm>> -> memref<2x125xi32, #tpu.memory_space<hbm>>
      %dma_start3A_77 = arith.constant 0 : i32
      %dma_start3A_78 = arith.constant 0 : i32
      %dma_start3A_79 = tpu.memref_slice %arg5[%run_scoped3A_1, %dma_start3A_77, %dma_start3A_78] : memref<4x2x125xi32, #tpu.memory_space<vmem>> -> memref<1x2x125xi32, #tpu.memory_space<vmem>>
      %dma_start3A_80 = tpu.memref_squeeze %dma_start3A_79 : memref<1x2x125xi32, #tpu.memory_space<vmem>> -> memref<2x125xi32, #tpu.memory_space<vmem>>
      %dma_start3A_81 = arith.constant 0 : i32
      %dma_start3A_82 = arith.constant 0 : i32
      %dma_start3A_83 = tpu.memref_slice %arg3[%add3A, %run_scoped3A, %dma_start3A_81, %dma_start3A_82] : memref<32x80x2x125xi32, #tpu.memory_space<hbm>> -> memref<1x1x2x125xi32, #tpu.memory_space<hbm>>
      %dma_start3A_84 = tpu.memref_squeeze %dma_start3A_83 : memref<1x1x2x125xi32, #tpu.memory_space<hbm>> -> memref<2x125xi32, #tpu.memory_space<hbm>>
      tpu.enqueue_dma source(%dma_start3A_84 : memref<2x125xi32, #tpu.memory_space<hbm>>) target(%dma_start3A_80 : memref<2x125xi32, #tpu.memory_space<vmem>>) target_semaphore(%run_scoped3A_68 : memref<!tpu.dma_semaphore, #tpu.memory_space<semaphore_mem>>)
      %dma_wait3A = arith.constant 0 : i32
      %dma_wait3A_85 = arith.constant 0 : i32
      %dma_wait3A_86 = tpu.memref_slice %arg5[%run_scoped3A_1, %dma_wait3A, %dma_wait3A_85] : memref<4x2x125xi32, #tpu.memory_space<vmem>> -> memref<1x2x125xi32, #tpu.memory_space<vmem>>
      %dma_wait3A_87 = tpu.memref_squeeze %dma_wait3A_86 : memref<1x2x125xi32, #tpu.memory_space<vmem>> -> memref<2x125xi32, #tpu.memory_space<vmem>>
      %dma_wait3A_88 = arith.constant 0 : i32
      %dma_wait3A_89 = arith.constant 0 : i32
      %dma_wait3A_90 = tpu.memref_slice %arg3[%add3A, %run_scoped3A, %dma_wait3A_88, %dma_wait3A_89] : memref<32x80x2x125xi32, #tpu.memory_space<hbm>> -> memref<1x1x2x125xi32, #tpu.memory_space<hbm>>
      %dma_wait3A_91 = tpu.memref_squeeze %dma_wait3A_90 : memref<1x1x2x125xi32, #tpu.memory_space<hbm>> -> memref<2x125xi32, #tpu.memory_space<hbm>>
      %dma_wait3A_92 = arith.constant 0 : i32
      %dma_wait3A_93 = arith.constant 0 : i32
      %dma_wait3A_94 = tpu.memref_slice %arg5[%run_scoped3A_1, %dma_wait3A_92, %dma_wait3A_93] : memref<4x2x125xi32, #tpu.memory_space<vmem>> -> memref<1x2x125xi32, #tpu.memory_space<vmem>>
      %dma_wait3A_95 = tpu.memref_squeeze %dma_wait3A_94 : memref<1x2x125xi32, #tpu.memory_space<vmem>> -> memref<2x125xi32, #tpu.memory_space<vmem>>
      %dma_wait3A_96 = arith.constant 0 : i32
      %dma_wait3A_97 = arith.constant 0 : i32
      %dma_wait3A_98 = tpu.memref_slice %arg3[%add3A, %run_scoped3A, %dma_wait3A_96, %dma_wait3A_97] : memref<32x80x2x125xi32, #tpu.memory_space<hbm>> -> memref<1x1x2x125xi32, #tpu.memory_space<hbm>>
      %dma_wait3A_99 = tpu.memref_squeeze %dma_wait3A_98 : memref<1x1x2x125xi32, #tpu.memory_space<hbm>> -> memref<2x125xi32, #tpu.memory_space<hbm>>
      tpu.wait_dma2 semaphore(%run_scoped3A_68 : memref<!tpu.dma_semaphore, #tpu.memory_space<semaphore_mem>>) src(%dma_wait3A_99 : memref<2x125xi32, #tpu.memory_space<hbm>>) dst(%dma_wait3A_95 : memref<2x125xi32, #tpu.memory_space<vmem>>)
      tpu.yield
    }) : () -> ()
    %run_scoped3A_2 = arith.constant 1 : i32
    %run_scoped3A_3 = arith.constant 1 : i32
    "tpu.region"() ({
      %run_scoped3A_68 = tpu.sem_alloc : memref<!tpu.dma_semaphore, #tpu.memory_space<semaphore_mem>>
      %dma_start3A_69 = arith.constant 0 : i32
      %dma_start3A_70 = arith.constant 0 : i32
      %dma_start3A_71 = tpu.memref_slice %arg5[%run_scoped3A_3, %dma_start3A_69, %dma_start3A_70] : memref<4x2x125xi32, #tpu.memory_space<vmem>> -> memref<1x2x125xi32, #tpu.memory_space<vmem>>
      %dma_start3A_72 = tpu.memref_squeeze %dma_start3A_71 : memref<1x2x125xi32, #tpu.memory_space<vmem>> -> memref<2x125xi32, #tpu.memory_space<vmem>>
      %dma_start3A_73 = arith.constant 0 : i32
      %dma_start3A_74 = arith.constant 0 : i32
      %dma_start3A_75 = tpu.memref_slice %arg3[%add3A, %run_scoped3A_2, %dma_start3A_73, %dma_start3A_74] : memref<32x80x2x125xi32, #tpu.memory_space<hbm>> -> memref<1x1x2x125xi32, #tpu.memory_space<hbm>>
      %dma_start3A_76 = tpu.memref_squeeze %dma_start3A_75 : memref<1x1x2x125xi32, #tpu.memory_space<hbm>> -> memref<2x125xi32, #tpu.memory_space<hbm>>
      %dma_start3A_77 = arith.constant 0 : i32
      %dma_start3A_78 = arith.constant 0 : i32
      %dma_start3A_79 = tpu.memref_slice %arg5[%run_scoped3A_3, %dma_start3A_77, %dma_start3A_78] : memref<4x2x125xi32, #tpu.memory_space<vmem>> -> memref<1x2x125xi32, #tpu.memory_space<vmem>>
      %dma_start3A_80 = tpu.memref_squeeze %dma_start3A_79 : memref<1x2x125xi32, #tpu.memory_space<vmem>> -> memref<2x125xi32, #tpu.memory_space<vmem>>
      %dma_start3A_81 = arith.constant 0 : i32
      %dma_start3A_82 = arith.constant 0 : i32
      %dma_start3A_83 = tpu.memref_slice %arg3[%add3A, %run_scoped3A_2, %dma_start3A_81, %dma_start3A_82] : memref<32x80x2x125xi32, #tpu.memory_space<hbm>> -> memref<1x1x2x125xi32, #tpu.memory_space<hbm>>
      %dma_start3A_84 = tpu.memref_squeeze %dma_start3A_83 : memref<1x1x2x125xi32, #tpu.memory_space<hbm>> -> memref<2x125xi32, #tpu.memory_space<hbm>>
      tpu.enqueue_dma source(%dma_start3A_84 : memref<2x125xi32, #tpu.memory_space<hbm>>) target(%dma_start3A_80 : memref<2x125xi32, #tpu.memory_space<vmem>>) target_semaphore(%run_scoped3A_68 : memref<!tpu.dma_semaphore, #tpu.memory_space<semaphore_mem>>)
      %dma_wait3A = arith.constant 0 : i32
      %dma_wait3A_85 = arith.constant 0 : i32
      %dma_wait3A_86 = tpu.memref_slice %arg5[%run_scoped3A_3, %dma_wait3A, %dma_wait3A_85] : memref<4x2x125xi32, #tpu.memory_space<vmem>> -> memref<1x2x125xi32, #tpu.memory_space<vmem>>
      %dma_wait3A_87 = tpu.memref_squeeze %dma_wait3A_86 : memref<1x2x125xi32, #tpu.memory_space<vmem>> -> memref<2x125xi32, #tpu.memory_space<vmem>>
      %dma_wait3A_88 = arith.constant 0 : i32
      %dma_wait3A_89 = arith.constant 0 : i32
      %dma_wait3A_90 = tpu.memref_slice %arg3[%add3A, %run_scoped3A_2, %dma_wait3A_88, %dma_wait3A_89] : memref<32x80x2x125xi32, #tpu.memory_space<hbm>> -> memref<1x1x2x125xi32, #tpu.memory_space<hbm>>
      %dma_wait3A_91 = tpu.memref_squeeze %dma_wait3A_90 : memref<1x1x2x125xi32, #tpu.memory_space<hbm>> -> memref<2x125xi32, #tpu.memory_space<hbm>>
      %dma_wait3A_92 = arith.constant 0 : i32
      %dma_wait3A_93 = arith.constant 0 : i32
      %dma_wait3A_94 = tpu.memref_slice %arg5[%run_scoped3A_3, %dma_wait3A_92, %dma_wait3A_93] : memref<4x2x125xi32, #tpu.memory_space<vmem>> -> memref<1x2x125xi32, #tpu.memory_space<vmem>>
      %dma_wait3A_95 = tpu.memref_squeeze %dma_wait3A_94 : memref<1x2x125xi32, #tpu.memory_space<vmem>> -> memref<2x125xi32, #tpu.memory_space<vmem>>
      %dma_wait3A_96 = arith.constant 0 : i32
      %dma_wait3A_97 = arith.constant 0 : i32
      %dma_wait3A_98 = tpu.memref_slice %arg3[%add3A, %run_scoped3A_2, %dma_wait3A_96, %dma_wait3A_97] : memref<32x80x2x125xi32, #tpu.memory_space<hbm>> -> memref<1x1x2x125xi32, #tpu.memory_space<hbm>>
      %dma_wait3A_99 = tpu.memref_squeeze %dma_wait3A_98 : memref<1x1x2x125xi32, #tpu.memory_space<hbm>> -> memref<2x125xi32, #tpu.memory_space<hbm>>
      tpu.wait_dma2 semaphore(%run_scoped3A_68 : memref<!tpu.dma_semaphore, #tpu.memory_space<semaphore_mem>>) src(%dma_wait3A_99 : memref<2x125xi32, #tpu.memory_space<hbm>>) dst(%dma_wait3A_95 : memref<2x125xi32, #tpu.memory_space<vmem>>)
      tpu.yield
    }) : () -> ()
    %run_scoped3A_4 = arith.constant 2 : i32
    %run_scoped3A_5 = arith.constant 2 : i32
    "tpu.region"() ({
      %run_scoped3A_68 = tpu.sem_alloc : memref<!tpu.dma_semaphore, #tpu.memory_space<semaphore_mem>>
      %dma_start3A_69 = arith.constant 0 : i32
      %dma_start3A_70 = arith.constant 0 : i32
      %dma_start3A_71 = tpu.memref_slice %arg5[%run_scoped3A_5, %dma_start3A_69, %dma_start3A_70] : memref<4x2x125xi32, #tpu.memory_space<vmem>> -> memref<1x2x125xi32, #tpu.memory_space<vmem>>
      %dma_start3A_72 = tpu.memref_squeeze %dma_start3A_71 : memref<1x2x125xi32, #tpu.memory_space<vmem>> -> memref<2x125xi32, #tpu.memory_space<vmem>>
      %dma_start3A_73 = arith.constant 0 : i32
      %dma_start3A_74 = arith.constant 0 : i32
      %dma_start3A_75 = tpu.memref_slice %arg3[%add3A, %run_scoped3A_4, %dma_start3A_73, %dma_start3A_74] : memref<32x80x2x125xi32, #tpu.memory_space<hbm>> -> memref<1x1x2x125xi32, #tpu.memory_space<hbm>>
      %dma_start3A_76 = tpu.memref_squeeze %dma_start3A_75 : memref<1x1x2x125xi32, #tpu.memory_space<hbm>> -> memref<2x125xi32, #tpu.memory_space<hbm>>
      %dma_start3A_77 = arith.constant 0 : i32
      %dma_start3A_78 = arith.constant 0 : i32
      %dma_start3A_79 = tpu.memref_slice %arg5[%run_scoped3A_5, %dma_start3A_77, %dma_start3A_78] : memref<4x2x125xi32, #tpu.memory_space<vmem>> -> memref<1x2x125xi32, #tpu.memory_space<vmem>>
      %dma_start3A_80 = tpu.memref_squeeze %dma_start3A_79 : memref<1x2x125xi32, #tpu.memory_space<vmem>> -> memref<2x125xi32, #tpu.memory_space<vmem>>
      %dma_start3A_81 = arith.constant 0 : i32
      %dma_start3A_82 = arith.constant 0 : i32
      %dma_start3A_83 = tpu.memref_slice %arg3[%add3A, %run_scoped3A_4, %dma_start3A_81, %dma_start3A_82] : memref<32x80x2x125xi32, #tpu.memory_space<hbm>> -> memref<1x1x2x125xi32, #tpu.memory_space<hbm>>
      %dma_start3A_84 = tpu.memref_squeeze %dma_start3A_83 : memref<1x1x2x125xi32, #tpu.memory_space<hbm>> -> memref<2x125xi32, #tpu.memory_space<hbm>>
      tpu.enqueue_dma source(%dma_start3A_84 : memref<2x125xi32, #tpu.memory_space<hbm>>) target(%dma_start3A_80 : memref<2x125xi32, #tpu.memory_space<vmem>>) target_semaphore(%run_scoped3A_68 : memref<!tpu.dma_semaphore, #tpu.memory_space<semaphore_mem>>)
      %dma_wait3A = arith.constant 0 : i32
      %dma_wait3A_85 = arith.constant 0 : i32
      %dma_wait3A_86 = tpu.memref_slice %arg5[%run_scoped3A_5, %dma_wait3A, %dma_wait3A_85] : memref<4x2x125xi32, #tpu.memory_space<vmem>> -> memref<1x2x125xi32, #tpu.memory_space<vmem>>
      %dma_wait3A_87 = tpu.memref_squeeze %dma_wait3A_86 : memref<1x2x125xi32, #tpu.memory_space<vmem>> -> memref<2x125xi32, #tpu.memory_space<vmem>>
      %dma_wait3A_88 = arith.constant 0 : i32
      %dma_wait3A_89 = arith.constant 0 : i32
      %dma_wait3A_90 = tpu.memref_slice %arg3[%add3A, %run_scoped3A_4, %dma_wait3A_88, %dma_wait3A_89] : memref<32x80x2x125xi32, #tpu.memory_space<hbm>> -> memref<1x1x2x125xi32, #tpu.memory_space<hbm>>
      %dma_wait3A_91 = tpu.memref_squeeze %dma_wait3A_90 : memref<1x1x2x125xi32, #tpu.memory_space<hbm>> -> memref<2x125xi32, #tpu.memory_space<hbm>>
      %dma_wait3A_92 = arith.constant 0 : i32
      %dma_wait3A_93 = arith.constant 0 : i32
      %dma_wait3A_94 = tpu.memref_slice %arg5[%run_scoped3A_5, %dma_wait3A_92, %dma_wait3A_93] : memref<4x2x125xi32, #tpu.memory_space<vmem>> -> memref<1x2x125xi32, #tpu.memory_space<vmem>>
      %dma_wait3A_95 = tpu.memref_squeeze %dma_wait3A_94 : memref<1x2x125xi32, #tpu.memory_space<vmem>> -> memref<2x125xi32, #tpu.memory_space<vmem>>
      %dma_wait3A_96 = arith.constant 0 : i32
      %dma_wait3A_97 = arith.constant 0 : i32
      %dma_wait3A_98 = tpu.memref_slice %arg3[%add3A, %run_scoped3A_4, %dma_wait3A_96, %dma_wait3A_97] : memref<32x80x2x125xi32, #tpu.memory_space<hbm>> -> memref<1x1x2x125xi32, #tpu.memory_space<hbm>>
      %dma_wait3A_99 = tpu.memref_squeeze %dma_wait3A_98 : memref<1x1x2x125xi32, #tpu.memory_space<hbm>> -> memref<2x125xi32, #tpu.memory_space<hbm>>
      tpu.wait_dma2 semaphore(%run_scoped3A_68 : memref<!tpu.dma_semaphore, #tpu.memory_space<semaphore_mem>>) src(%dma_wait3A_99 : memref<2x125xi32, #tpu.memory_space<hbm>>) dst(%dma_wait3A_95 : memref<2x125xi32, #tpu.memory_space<vmem>>)
      tpu.yield
    }) : () -> ()
    %run_scoped3A_6 = arith.constant 3 : i32
    %run_scoped3A_7 = arith.constant 3 : i32
    "tpu.region"() ({
      %run_scoped3A_68 = tpu.sem_alloc : memref<!tpu.dma_semaphore, #tpu.memory_space<semaphore_mem>>
      %dma_start3A_69 = arith.constant 0 : i32
      %dma_start3A_70 = arith.constant 0 : i32
      %dma_start3A_71 = tpu.memref_slice %arg5[%run_scoped3A_7, %dma_start3A_69, %dma_start3A_70] : memref<4x2x125xi32, #tpu.memory_space<vmem>> -> memref<1x2x125xi32, #tpu.memory_space<vmem>>
      %dma_start3A_72 = tpu.memref_squeeze %dma_start3A_71 : memref<1x2x125xi32, #tpu.memory_space<vmem>> -> memref<2x125xi32, #tpu.memory_space<vmem>>
      %dma_start3A_73 = arith.constant 0 : i32
      %dma_start3A_74 = arith.constant 0 : i32
      %dma_start3A_75 = tpu.memref_slice %arg3[%add3A, %run_scoped3A_6, %dma_start3A_73, %dma_start3A_74] : memref<32x80x2x125xi32, #tpu.memory_space<hbm>> -> memref<1x1x2x125xi32, #tpu.memory_space<hbm>>
      %dma_start3A_76 = tpu.memref_squeeze %dma_start3A_75 : memref<1x1x2x125xi32, #tpu.memory_space<hbm>> -> memref<2x125xi32, #tpu.memory_space<hbm>>
      %dma_start3A_77 = arith.constant 0 : i32
      %dma_start3A_78 = arith.constant 0 : i32
      %dma_start3A_79 = tpu.memref_slice %arg5[%run_scoped3A_7, %dma_start3A_77, %dma_start3A_78] : memref<4x2x125xi32, #tpu.memory_space<vmem>> -> memref<1x2x125xi32, #tpu.memory_space<vmem>>
      %dma_start3A_80 = tpu.memref_squeeze %dma_start3A_79 : memref<1x2x125xi32, #tpu.memory_space<vmem>> -> memref<2x125xi32, #tpu.memory_space<vmem>>
      %dma_start3A_81 = arith.constant 0 : i32
      %dma_start3A_82 = arith.constant 0 : i32
      %dma_start3A_83 = tpu.memref_slice %arg3[%add3A, %run_scoped3A_6, %dma_start3A_81, %dma_start3A_82] : memref<32x80x2x125xi32, #tpu.memory_space<hbm>> -> memref<1x1x2x125xi32, #tpu.memory_space<hbm>>
      %dma_start3A_84 = tpu.memref_squeeze %dma_start3A_83 : memref<1x1x2x125xi32, #tpu.memory_space<hbm>> -> memref<2x125xi32, #tpu.memory_space<hbm>>
      tpu.enqueue_dma source(%dma_start3A_84 : memref<2x125xi32, #tpu.memory_space<hbm>>) target(%dma_start3A_80 : memref<2x125xi32, #tpu.memory_space<vmem>>) target_semaphore(%run_scoped3A_68 : memref<!tpu.dma_semaphore, #tpu.memory_space<semaphore_mem>>)
      %dma_wait3A = arith.constant 0 : i32
      %dma_wait3A_85 = arith.constant 0 : i32
      %dma_wait3A_86 = tpu.memref_slice %arg5[%run_scoped3A_7, %dma_wait3A, %dma_wait3A_85] : memref<4x2x125xi32, #tpu.memory_space<vmem>> -> memref<1x2x125xi32, #tpu.memory_space<vmem>>
      %dma_wait3A_87 = tpu.memref_squeeze %dma_wait3A_86 : memref<1x2x125xi32, #tpu.memory_space<vmem>> -> memref<2x125xi32, #tpu.memory_space<vmem>>
      %dma_wait3A_88 = arith.constant 0 : i32
      %dma_wait3A_89 = arith.constant 0 : i32
      %dma_wait3A_90 = tpu.memref_slice %arg3[%add3A, %run_scoped3A_6, %dma_wait3A_88, %dma_wait3A_89] : memref<32x80x2x125xi32, #tpu.memory_space<hbm>> -> memref<1x1x2x125xi32, #tpu.memory_space<hbm>>
      %dma_wait3A_91 = tpu.memref_squeeze %dma_wait3A_90 : memref<1x1x2x125xi32, #tpu.memory_space<hbm>> -> memref<2x125xi32, #tpu.memory_space<hbm>>
      %dma_wait3A_92 = arith.constant 0 : i32
      %dma_wait3A_93 = arith.constant 0 : i32
      %dma_wait3A_94 = tpu.memref_slice %arg5[%run_scoped3A_7, %dma_wait3A_92, %dma_wait3A_93] : memref<4x2x125xi32, #tpu.memory_space<vmem>> -> memref<1x2x125xi32, #tpu.memory_space<vmem>>
      %dma_wait3A_95 = tpu.memref_squeeze %dma_wait3A_94 : memref<1x2x125xi32, #tpu.memory_space<vmem>> -> memref<2x125xi32, #tpu.memory_space<vmem>>
      %dma_wait3A_96 = arith.constant 0 : i32
      %dma_wait3A_97 = arith.constant 0 : i32
      %dma_wait3A_98 = tpu.memref_slice %arg3[%add3A, %run_scoped3A_6, %dma_wait3A_96, %dma_wait3A_97] : memref<32x80x2x125xi32, #tpu.memory_space<hbm>> -> memref<1x1x2x125xi32, #tpu.memory_space<hbm>>
      %dma_wait3A_99 = tpu.memref_squeeze %dma_wait3A_98 : memref<1x1x2x125xi32, #tpu.memory_space<hbm>> -> memref<2x125xi32, #tpu.memory_space<hbm>>
      tpu.wait_dma2 semaphore(%run_scoped3A_68 : memref<!tpu.dma_semaphore, #tpu.memory_space<semaphore_mem>>) src(%dma_wait3A_99 : memref<2x125xi32, #tpu.memory_space<hbm>>) dst(%dma_wait3A_95 : memref<2x125xi32, #tpu.memory_space<vmem>>)
      tpu.yield
    }) : () -> ()
    %scan3A = arith.constant 0 : i32
    %scan3A_8 = arith.constant 0 : i32
    %scan3A_9 = arith.constant 16 : i32
    %scan3A_10 = arith.addi %scan3A_8, %scan3A_9 : i32
    %scan3A_11 = arith.constant 1 : i32
    scf.for %scan3A_68 = %scan3A_8 to %scan3A_10 step %scan3A_11  : i32 {
      %broadcast_in_dim3A = arith.constant 0.000000e+00 : f32
      %broadcast_in_dim3A_69 = vector.broadcast %broadcast_in_dim3A : f32 to vector<16xf32>
      %swap3A = arith.index_cast %scan3A_68 : i32 to index
      %swap3A_70 = arith.constant 0 : index
      %swap3A_71 = tpu.vector_load %arg7[%swap3A, %swap3A_70] {strides = array<i32>} : memref<16x128xf32, #tpu.memory_space<vmem>>, vector<1x16xf32>,
      %swap3A_72 = vector.shape_cast %swap3A_71 : vector<1x16xf32> to vector<16xf32>
      %swap3A_73 = vector.shape_cast %broadcast_in_dim3A_69 : vector<16xf32> to vector<1x16xf32>
      tpu.vector_store %arg7[%swap3A, %swap3A_70], %swap3A_73 {strides = array<i32>} : memref<16x128xf32, #tpu.memory_space<vmem>>, vector<1x16xf32>,
      %broadcast_in_dim3A_74 = arith.constant 0.000000e+00 : f32
      %broadcast_in_dim3A_75 = vector.broadcast %broadcast_in_dim3A_74 : f32 to vector<16xf32>
      %swap3A_76 = arith.index_cast %scan3A_68 : i32 to index
      %swap3A_77 = arith.constant 16 : index
      %swap3A_78 = tpu.vector_load %arg7[%swap3A_76, %swap3A_77] {strides = array<i32>} : memref<16x128xf32, #tpu.memory_space<vmem>>, vector<1x16xf32>,
      %swap3A_79 = vector.shape_cast %swap3A_78 : vector<1x16xf32> to vector<16xf32>
      %swap3A_80 = vector.shape_cast %broadcast_in_dim3A_75 : vector<16xf32> to vector<1x16xf32>
      tpu.vector_store %arg7[%swap3A_76, %swap3A_77], %swap3A_80 {strides = array<i32>} : memref<16x128xf32, #tpu.memory_space<vmem>>, vector<1x16xf32>,
      %broadcast_in_dim3A_81 = arith.constant 0.000000e+00 : f32
      %broadcast_in_dim3A_82 = vector.broadcast %broadcast_in_dim3A_81 : f32 to vector<16xf32>
      %swap3A_83 = arith.index_cast %scan3A_68 : i32 to index
      %swap3A_84 = arith.constant 32 : index
      %swap3A_85 = tpu.vector_load %arg7[%swap3A_83, %swap3A_84] {strides = array<i32>} : memref<16x128xf32, #tpu.memory_space<vmem>>, vector<1x16xf32>,
      %swap3A_86 = vector.shape_cast %swap3A_85 : vector<1x16xf32> to vector<16xf32>
      %swap3A_87 = vector.shape_cast %broadcast_in_dim3A_82 : vector<16xf32> to vector<1x16xf32>
      tpu.vector_store %arg7[%swap3A_83, %swap3A_84], %swap3A_87 {strides = array<i32>} : memref<16x128xf32, #tpu.memory_space<vmem>>, vector<1x16xf32>,
      %broadcast_in_dim3A_88 = arith.constant 0.000000e+00 : f32
      %broadcast_in_dim3A_89 = vector.broadcast %broadcast_in_dim3A_88 : f32 to vector<16xf32>
      %swap3A_90 = arith.index_cast %scan3A_68 : i32 to index
      %swap3A_91 = arith.constant 48 : index
      %swap3A_92 = tpu.vector_load %arg7[%swap3A_90, %swap3A_91] {strides = array<i32>} : memref<16x128xf32, #tpu.memory_space<vmem>>, vector<1x16xf32>,
      %swap3A_93 = vector.shape_cast %swap3A_92 : vector<1x16xf32> to vector<16xf32>
      %swap3A_94 = vector.shape_cast %broadcast_in_dim3A_89 : vector<16xf32> to vector<1x16xf32>
      tpu.vector_store %arg7[%swap3A_90, %swap3A_91], %swap3A_94 {strides = array<i32>} : memref<16x128xf32, #tpu.memory_space<vmem>>, vector<1x16xf32>,
      %broadcast_in_dim3A_95 = arith.constant 0.000000e+00 : f32
      %broadcast_in_dim3A_96 = vector.broadcast %broadcast_in_dim3A_95 : f32 to vector<16xf32>
      %swap3A_97 = arith.index_cast %scan3A_68 : i32 to index
      %swap3A_98 = arith.constant 64 : index
      %swap3A_99 = tpu.vector_load %arg7[%swap3A_97, %swap3A_98] {strides = array<i32>} : memref<16x128xf32, #tpu.memory_space<vmem>>, vector<1x16xf32>,
      %swap3A_100 = vector.shape_cast %swap3A_99 : vector<1x16xf32> to vector<16xf32>
      %swap3A_101 = vector.shape_cast %broadcast_in_dim3A_96 : vector<16xf32> to vector<1x16xf32>
      tpu.vector_store %arg7[%swap3A_97, %swap3A_98], %swap3A_101 {strides = array<i32>} : memref<16x128xf32, #tpu.memory_space<vmem>>, vector<1x16xf32>,
      %broadcast_in_dim3A_102 = arith.constant 0.000000e+00 : f32
      %broadcast_in_dim3A_103 = vector.broadcast %broadcast_in_dim3A_102 : f32 to vector<16xf32>
      %swap3A_104 = arith.index_cast %scan3A_68 : i32 to index
      %swap3A_105 = arith.constant 80 : index
      %swap3A_106 = tpu.vector_load %arg7[%swap3A_104, %swap3A_105] {strides = array<i32>} : memref<16x128xf32, #tpu.memory_space<vmem>>, vector<1x16xf32>,
      %swap3A_107 = vector.shape_cast %swap3A_106 : vector<1x16xf32> to vector<16xf32>
      %swap3A_108 = vector.shape_cast %broadcast_in_dim3A_103 : vector<16xf32> to vector<1x16xf32>
      tpu.vector_store %arg7[%swap3A_104, %swap3A_105], %swap3A_108 {strides = array<i32>} : memref<16x128xf32, #tpu.memory_space<vmem>>, vector<1x16xf32>,
      %broadcast_in_dim3A_109 = arith.constant 0.000000e+00 : f32
      %broadcast_in_dim3A_110 = vector.broadcast %broadcast_in_dim3A_109 : f32 to vector<16xf32>
      %swap3A_111 = arith.index_cast %scan3A_68 : i32 to index
      %swap3A_112 = arith.constant 96 : index
      %swap3A_113 = tpu.vector_load %arg7[%swap3A_111, %swap3A_112] {strides = array<i32>} : memref<16x128xf32, #tpu.memory_space<vmem>>, vector<1x16xf32>,
      %swap3A_114 = vector.shape_cast %swap3A_113 : vector<1x16xf32> to vector<16xf32>
      %swap3A_115 = vector.shape_cast %broadcast_in_dim3A_110 : vector<16xf32> to vector<1x16xf32>
      tpu.vector_store %arg7[%swap3A_111, %swap3A_112], %swap3A_115 {strides = array<i32>} : memref<16x128xf32, #tpu.memory_space<vmem>>, vector<1x16xf32>,
      %broadcast_in_dim3A_116 = arith.constant 0.000000e+00 : f32
      %broadcast_in_dim3A_117 = vector.broadcast %broadcast_in_dim3A_116 : f32 to vector<16xf32>
      %swap3A_118 = arith.index_cast %scan3A_68 : i32 to index
      %swap3A_119 = arith.constant 112 : index
      %swap3A_120 = tpu.vector_load %arg7[%swap3A_118, %swap3A_119] {strides = array<i32>} : memref<16x128xf32, #tpu.memory_space<vmem>>, vector<1x16xf32>,
      %swap3A_121 = vector.shape_cast %swap3A_120 : vector<1x16xf32> to vector<16xf32>
      %swap3A_122 = vector.shape_cast %broadcast_in_dim3A_117 : vector<16xf32> to vector<1x16xf32>
      tpu.vector_store %arg7[%swap3A_118, %swap3A_119], %swap3A_122 {strides = array<i32>} : memref<16x128xf32, #tpu.memory_space<vmem>>, vector<1x16xf32>,
    }
    %scan3A_12 = arith.constant 16 : i32
    %mul3A_13 = arith.constant 624 : i32
    %mul3A_14 = arith.muli %arg1, %mul3A_13 : i32
    %eq3A = arith.constant 15 : i32
    %eq3A_15 = arith.cmpi eq, %arg1, %eq3A : i32
    %jit3A = arith.constant 40 : i32
    %jit3A_16 = arith.constant 39 : i32
    %select_n3A = arith.select %eq3A_15, %jit3A, %jit3A_16 : i32
    %while3A = arith.constant 0 : i32
    %while3A_17 = arith.constant 0 : i32
    %while3A_18 = arith.subi %select_n3A, %while3A_17 : i32
    %while3A_19 = arith.addi %while3A_17, %while3A_18 : i32
    %while3A_20 = arith.constant 1 : i32
    %while3A_21 = arith.divsi %while3A_18, %while3A_20 : i32
    %while3A_22 = arith.muli %while3A_21, %while3A_20 : i32
    %while3A_23 = arith.addi %while3A_17, %while3A_22 : i32
    %while3A_24 = arith.constant 1 : i32
    scf.for %while3A_68 = %while3A_17 to %while3A_23 step %while3A_24  : i32 {
      %mul3A_69 = arith.constant 16 : i32
      %mul3A_70 = arith.muli %while3A_68, %mul3A_69 : i32
      %add3A_71 = arith.addi %mul3A_14, %mul3A_70 : i32
      "tpu.region"() ({
        %run_scoped3A_72 = tpu.sem_alloc : memref<!tpu.dma_semaphore, #tpu.memory_space<semaphore_mem>>
        %dma_start3A_73 = arith.constant 0 : i32
        %dma_start3A_74 = tpu.memref_slice %arg8[%add3A_71, %dma_start3A_73] : memref<10000x128xf32, #tpu.memory_space<vmem_shared>> -> memref<16x128xf32, #tpu.memory_space<vmem_shared>>
        %dma_start3A_75 = arith.constant 0 : i32
        %dma_start3A_76 = tpu.memref_slice %arg8[%add3A_71, %dma_start3A_75] : memref<10000x128xf32, #tpu.memory_space<vmem_shared>> -> memref<16x128xf32, #tpu.memory_space<vmem_shared>>
        tpu.enqueue_dma source(%arg7 : memref<16x128xf32, #tpu.memory_space<vmem>>) target(%dma_start3A_76 : memref<16x128xf32, #tpu.memory_space<vmem_shared>>) target_semaphore(%run_scoped3A_72 : memref<!tpu.dma_semaphore, #tpu.memory_space<semaphore_mem>>)
        %dma_wait3A = arith.constant 0 : i32
        %dma_wait3A_77 = tpu.memref_slice %arg8[%add3A_71, %dma_wait3A] : memref<10000x128xf32, #tpu.memory_space<vmem_shared>> -> memref<16x128xf32, #tpu.memory_space<vmem_shared>>
        %dma_wait3A_78 = arith.constant 0 : i32
        %dma_wait3A_79 = tpu.memref_slice %arg8[%add3A_71, %dma_wait3A_78] : memref<10000x128xf32, #tpu.memory_space<vmem_shared>> -> memref<16x128xf32, #tpu.memory_space<vmem_shared>>
        tpu.wait_dma2 semaphore(%run_scoped3A_72 : memref<!tpu.dma_semaphore, #tpu.memory_space<semaphore_mem>>) src(%arg7 : memref<16x128xf32, #tpu.memory_space<vmem>>) dst(%dma_wait3A_79 : memref<16x128xf32, #tpu.memory_space<vmem_shared>>)
        tpu.yield
      }) : () -> ()
    }
    %while3A_25 = arith.constant 1 : i32
    scf.for %while3A_68 = %while3A_23 to %while3A_19 step %while3A_25  : i32 {
      %mul3A_69 = arith.constant 16 : i32
      %mul3A_70 = arith.muli %while3A_68, %mul3A_69 : i32
      %add3A_71 = arith.addi %mul3A_14, %mul3A_70 : i32
      "tpu.region"() ({
        %run_scoped3A_72 = tpu.sem_alloc : memref<!tpu.dma_semaphore, #tpu.memory_space<semaphore_mem>>
        %dma_start3A_73 = arith.constant 0 : i32
        %dma_start3A_74 = tpu.memref_slice %arg8[%add3A_71, %dma_start3A_73] : memref<10000x128xf32, #tpu.memory_space<vmem_shared>> -> memref<16x128xf32, #tpu.memory_space<vmem_shared>>
        %dma_start3A_75 = arith.constant 0 : i32
        %dma_start3A_76 = tpu.memref_slice %arg8[%add3A_71, %dma_start3A_75] : memref<10000x128xf32, #tpu.memory_space<vmem_shared>> -> memref<16x128xf32, #tpu.memory_space<vmem_shared>>
        tpu.enqueue_dma source(%arg7 : memref<16x128xf32, #tpu.memory_space<vmem>>) target(%dma_start3A_76 : memref<16x128xf32, #tpu.memory_space<vmem_shared>>) target_semaphore(%run_scoped3A_72 : memref<!tpu.dma_semaphore, #tpu.memory_space<semaphore_mem>>)
        %dma_wait3A = arith.constant 0 : i32
        %dma_wait3A_77 = tpu.memref_slice %arg8[%add3A_71, %dma_wait3A] : memref<10000x128xf32, #tpu.memory_space<vmem_shared>> -> memref<16x128xf32, #tpu.memory_space<vmem_shared>>
        %dma_wait3A_78 = arith.constant 0 : i32
        %dma_wait3A_79 = tpu.memref_slice %arg8[%add3A_71, %dma_wait3A_78] : memref<10000x128xf32, #tpu.memory_space<vmem_shared>> -> memref<16x128xf32, #tpu.memory_space<vmem_shared>>
        tpu.wait_dma2 semaphore(%run_scoped3A_72 : memref<!tpu.dma_semaphore, #tpu.memory_space<semaphore_mem>>) src(%arg7 : memref<16x128xf32, #tpu.memory_space<vmem>>) dst(%dma_wait3A_79 : memref<16x128xf32, #tpu.memory_space<vmem_shared>>)
        tpu.yield
      }) : () -> ()
    }
    %barrier3A = arith.constant 0 : index
    tpu.barrier barrier_id(%barrier3A)
    %dma_start3A = arith.constant 0 : i32
    %dma_start3A_26 = arith.constant 0 : i32
    %dma_start3A_27 = arith.constant 0 : i32
    %dma_start3A_28 = arith.constant 0 : i32
    %dma_start3A_29 = arith.constant 0 : i32
    %dma_start3A_30 = tpu.memref_slice %arg6[%dma_start3A_27, %dma_start3A_28, %dma_start3A_29] : memref<2x125x128xf32, #tpu.memory_space<vmem>> -> memref<1x125x128xf32, #tpu.memory_space<vmem>>
    %dma_start3A_31 = tpu.memref_squeeze %dma_start3A_30 : memref<1x125x128xf32, #tpu.memory_space<vmem>> -> memref<125x128xf32, #tpu.memory_space<vmem>>
    %dma_start3A_32 = arith.constant 0 : i32
    %dma_start3A_33 = tpu.memref_slice %arg5[%dma_start3A, %dma_start3A_26, %dma_start3A_32] : memref<4x2x125xi32, #tpu.memory_space<vmem>> -> memref<1x1x125xi32, #tpu.memory_space<vmem>>
    %dma_start3A_34 = tpu.memref_squeeze %dma_start3A_33 : memref<1x1x125xi32, #tpu.memory_space<vmem>> -> memref<125xi32, #tpu.memory_space<vmem>>
    %dma_start3A_35 = arith.constant 0 : i32
    %dma_start3A_36 = arith.constant 0 : i32
    %dma_start3A_37 = tpu.memref_slice %arg2[%dma_start3A_35, %dma_start3A_36] : memref<10000x128xf32, #tpu.memory_space<hbm>> -> memref<10000x128xf32, #tpu.memory_space<hbm>>
    tpu.enqueue_indirect_dma source(%dma_start3A_37 : memref<10000x128xf32, #tpu.memory_space<hbm>>) target(%dma_start3A_31 : memref<125x128xf32, #tpu.memory_space<vmem>>) offsets(%dma_start3A_34 : memref<125xi32, #tpu.memory_space<vmem>>) semaphore(%arg9 : memref<!tpu.dma_semaphore, #tpu.memory_space<semaphore_mem>>)
    %dma_start3A_38 = arith.constant 1 : i32
    %dma_start3A_39 = arith.constant 0 : i32
    %dma_start3A_40 = arith.constant 1 : i32
    %dma_start3A_41 = arith.constant 0 : i32
    %dma_start3A_42 = arith.constant 0 : i32
    %dma_start3A_43 = tpu.memref_slice %arg6[%dma_start3A_40, %dma_start3A_41, %dma_start3A_42] : memref<2x125x128xf32, #tpu.memory_space<vmem>> -> memref<1x125x128xf32, #tpu.memory_space<vmem>>
    %dma_start3A_44 = tpu.memref_squeeze %dma_start3A_43 : memref<1x125x128xf32, #tpu.memory_space<vmem>> -> memref<125x128xf32, #tpu.memory_space<vmem>>
    %dma_start3A_45 = arith.constant 0 : i32
    %dma_start3A_46 = tpu.memref_slice %arg5[%dma_start3A_38, %dma_start3A_39, %dma_start3A_45] : memref<4x2x125xi32, #tpu.memory_space<vmem>> -> memref<1x1x125xi32, #tpu.memory_space<vmem>>
    %dma_start3A_47 = tpu.memref_squeeze %dma_start3A_46 : memref<1x1x125xi32, #tpu.memory_space<vmem>> -> memref<125xi32, #tpu.memory_space<vmem>>
    %dma_start3A_48 = arith.constant 0 : i32
    %dma_start3A_49 = arith.constant 0 : i32
    %dma_start3A_50 = tpu.memref_slice %arg2[%dma_start3A_48, %dma_start3A_49] : memref<10000x128xf32, #tpu.memory_space<hbm>> -> memref<10000x128xf32, #tpu.memory_space<hbm>>
    tpu.enqueue_indirect_dma source(%dma_start3A_50 : memref<10000x128xf32, #tpu.memory_space<hbm>>) target(%dma_start3A_44 : memref<125x128xf32, #tpu.memory_space<vmem>>) offsets(%dma_start3A_47 : memref<125xi32, #tpu.memory_space<vmem>>) semaphore(%arg10 : memref<!tpu.dma_semaphore, #tpu.memory_space<semaphore_mem>>)
    %scan3A_51 = arith.constant 0 : i32
    %scan3A_52 = arith.constant 0 : i32
    %scan3A_53 = arith.constant 40 : i32
    %scan3A_54 = arith.addi %scan3A_52, %scan3A_53 : i32
    %scan3A_55 = arith.constant 1 : i32
    scf.for %scan3A_68 = %scan3A_52 to %scan3A_54 step %scan3A_55  : i32 {
      %mul3A_69 = arith.constant 2 : i32
      %mul3A_70 = arith.muli %mul3A_69, %scan3A_68 : i32
      %add3A_71 = arith.constant 0 : i32
      %add3A_72 = arith.addi %mul3A_70, %add3A_71 : i32
      %jit3A_73 = arith.constant 4 : i32
      %eq3A_74 = arith.constant 0 : i32
      %eq3A_75 = arith.cmpi eq, %jit3A_73, %eq3A_74 : i32
      %jit3A_76 = arith.constant 1 : i32
      %select_n3A_77 = arith.select %eq3A_75, %jit3A_76, %jit3A_73 : i32
      %rem3A = arith.remsi %add3A_72, %select_n3A_77 : i32
      %ne3A = arith.constant 0 : i32
      %ne3A_78 = arith.cmpi ne, %rem3A, %ne3A : i32
      %lt3A = arith.constant 0 : i32
      %lt3A_79 = arith.cmpi slt, %rem3A, %lt3A : i32
      %lt3A_80 = arith.constant 0 : i32
      %lt3A_81 = arith.cmpi slt, %select_n3A_77, %lt3A_80 : i32
      %ne3A_82 = arith.xori %lt3A_79, %lt3A_81 : i1
      %and3A = arith.andi %ne3A_82, %ne3A_78 : i1
      %add3A_83 = arith.addi %rem3A, %select_n3A_77 : i32
      %select_n3A_84 = arith.select %and3A, %add3A_83, %rem3A : i32
      %dma_wait3A = arith.constant 0 : i32
      %dma_wait3A_85 = arith.constant 0 : i32
      %dma_wait3A_86 = arith.constant 0 : i32
      %dma_wait3A_87 = arith.constant 0 : i32
      %dma_wait3A_88 = tpu.memref_slice %arg6[%dma_wait3A_85, %dma_wait3A_86, %dma_wait3A_87] : memref<2x125x128xf32, #tpu.memory_space<vmem>> -> memref<1x125x128xf32, #tpu.memory_space<vmem>>
      %dma_wait3A_89 = tpu.memref_squeeze %dma_wait3A_88 : memref<1x125x128xf32, #tpu.memory_space<vmem>> -> memref<125x128xf32, #tpu.memory_space<vmem>>
      %dma_wait3A_90 = arith.constant 0 : i32
      %dma_wait3A_91 = tpu.memref_slice %arg5[%select_n3A_84, %dma_wait3A, %dma_wait3A_90] : memref<4x2x125xi32, #tpu.memory_space<vmem>> -> memref<1x1x125xi32, #tpu.memory_space<vmem>>
      %dma_wait3A_92 = tpu.memref_squeeze %dma_wait3A_91 : memref<1x1x125xi32, #tpu.memory_space<vmem>> -> memref<125xi32, #tpu.memory_space<vmem>>
      %dma_wait3A_93 = arith.constant 0 : i32
      %dma_wait3A_94 = arith.constant 0 : i32
      %dma_wait3A_95 = tpu.memref_slice %arg2[%dma_wait3A_93, %dma_wait3A_94] : memref<10000x128xf32, #tpu.memory_space<hbm>> -> memref<10000x128xf32, #tpu.memory_space<hbm>>
      tpu.wait_indirect_dma semaphore(%arg9 : memref<!tpu.dma_semaphore, #tpu.memory_space<semaphore_mem>>) src(%dma_wait3A_95 : memref<10000x128xf32, #tpu.memory_space<hbm>>) dst(%dma_wait3A_89 : memref<125x128xf32, #tpu.memory_space<vmem>>)
      %jit3A_96 = arith.constant 4 : i32
      %eq3A_97 = arith.constant 0 : i32
      %eq3A_98 = arith.cmpi eq, %jit3A_96, %eq3A_97 : i32
      %jit3A_99 = arith.constant 1 : i32
      %select_n3A_100 = arith.select %eq3A_98, %jit3A_99, %jit3A_96 : i32
      %rem3A_101 = arith.remsi %add3A_72, %select_n3A_100 : i32
      %ne3A_102 = arith.constant 0 : i32
      %ne3A_103 = arith.cmpi ne, %rem3A_101, %ne3A_102 : i32
      %lt3A_104 = arith.constant 0 : i32
      %lt3A_105 = arith.cmpi slt, %rem3A_101, %lt3A_104 : i32
      %lt3A_106 = arith.constant 0 : i32
      %lt3A_107 = arith.cmpi slt, %select_n3A_100, %lt3A_106 : i32
      %ne3A_108 = arith.xori %lt3A_105, %lt3A_107 : i1
      %and3A_109 = arith.andi %ne3A_108, %ne3A_103 : i1
      %add3A_110 = arith.addi %rem3A_101, %select_n3A_100 : i32
      %select_n3A_111 = arith.select %and3A_109, %add3A_110, %rem3A_101 : i32
      %run_scoped3A_112 = arith.constant 0 : i32
      %run_scoped3A_113 = arith.constant 1 : i32
      "tpu.region"() ({
        %run_scoped3A_190 = tpu.sem_alloc : memref<!tpu.dma_semaphore, #tpu.memory_space<semaphore_mem>>
        %dma_start3A_191 = arith.constant 0 : i32
        %dma_start3A_192 = arith.constant 0 : i32
        %dma_start3A_193 = tpu.memref_slice %arg6[%run_scoped3A_112, %dma_start3A_191, %dma_start3A_192] : memref<2x125x128xf32, #tpu.memory_space<vmem>> -> memref<1x125x128xf32, #tpu.memory_space<vmem>>
        %dma_start3A_194 = tpu.memref_squeeze %dma_start3A_193 : memref<1x125x128xf32, #tpu.memory_space<vmem>> -> memref<125x128xf32, #tpu.memory_space<vmem>>
        %dma_start3A_195 = arith.constant 0 : i32
        %dma_start3A_196 = tpu.memref_slice %arg5[%select_n3A_111, %run_scoped3A_113, %dma_start3A_195] : memref<4x2x125xi32, #tpu.memory_space<vmem>> -> memref<1x1x125xi32, #tpu.memory_space<vmem>>
        %dma_start3A_197 = tpu.memref_squeeze %dma_start3A_196 : memref<1x1x125xi32, #tpu.memory_space<vmem>> -> memref<125xi32, #tpu.memory_space<vmem>>
        %dma_start3A_198 = arith.constant 0 : i32
        %dma_start3A_199 = arith.constant 0 : i32
        %dma_start3A_200 = tpu.memref_slice %arg8[%dma_start3A_198, %dma_start3A_199] : memref<10000x128xf32, #tpu.memory_space<vmem_shared>> -> memref<10000x128xf32, #tpu.memory_space<vmem_shared>>
        tpu.enqueue_indirect_dma source(%dma_start3A_194 : memref<125x128xf32, #tpu.memory_space<vmem>>) target(%dma_start3A_200 : memref<10000x128xf32, #tpu.memory_space<vmem_shared>>) offsets(%dma_start3A_197 : memref<125xi32, #tpu.memory_space<vmem>>) semaphore(%run_scoped3A_190 : memref<!tpu.dma_semaphore, #tpu.memory_space<semaphore_mem>>) {add = true}
        %dma_wait3A_201 = arith.constant 0 : i32
        %dma_wait3A_202 = arith.constant 0 : i32
        %dma_wait3A_203 = tpu.memref_slice %arg6[%run_scoped3A_112, %dma_wait3A_201, %dma_wait3A_202] : memref<2x125x128xf32, #tpu.memory_space<vmem>> -> memref<1x125x128xf32, #tpu.memory_space<vmem>>
        %dma_wait3A_204 = tpu.memref_squeeze %dma_wait3A_203 : memref<1x125x128xf32, #tpu.memory_space<vmem>> -> memref<125x128xf32, #tpu.memory_space<vmem>>
        %dma_wait3A_205 = arith.constant 0 : i32
        %dma_wait3A_206 = tpu.memref_slice %arg5[%select_n3A_111, %run_scoped3A_113, %dma_wait3A_205] : memref<4x2x125xi32, #tpu.memory_space<vmem>> -> memref<1x1x125xi32, #tpu.memory_space<vmem>>
        %dma_wait3A_207 = tpu.memref_squeeze %dma_wait3A_206 : memref<1x1x125xi32, #tpu.memory_space<vmem>> -> memref<125xi32, #tpu.memory_space<vmem>>
        %dma_wait3A_208 = arith.constant 0 : i32
        %dma_wait3A_209 = arith.constant 0 : i32
        %dma_wait3A_210 = tpu.memref_slice %arg8[%dma_wait3A_208, %dma_wait3A_209] : memref<10000x128xf32, #tpu.memory_space<vmem_shared>> -> memref<10000x128xf32, #tpu.memory_space<vmem_shared>>
        tpu.wait_indirect_dma semaphore(%run_scoped3A_190 : memref<!tpu.dma_semaphore, #tpu.memory_space<semaphore_mem>>) src(%dma_wait3A_204 : memref<125x128xf32, #tpu.memory_space<vmem>>) dst(%dma_wait3A_210 : memref<10000x128xf32, #tpu.memory_space<vmem_shared>>)
        tpu.yield
      }) : () -> ()
      %add3A_114 = arith.constant 4 : i32
      %add3A_115 = arith.addi %add3A_72, %add3A_114 : i32
      %lt3A_116 = arith.constant 80 : i32
      %lt3A_117 = arith.cmpi slt, %add3A_115, %lt3A_116 : i32
      %convert_element_type3A = arith.extui %lt3A_117 : i1 to i32
      %cond3A = arith.constant 0 : i32
      %cond3A_118 = arith.cmpi ne, %convert_element_type3A, %cond3A : i32
      scf.if %cond3A_118 {
        %add3A_190 = arith.constant 4 : i32
        %add3A_191 = arith.addi %add3A_72, %add3A_190 : i32
        %jit3A_192 = arith.constant 4 : i32
        %eq3A_193 = arith.constant 0 : i32
        %eq3A_194 = arith.cmpi eq, %jit3A_192, %eq3A_193 : i32
        %jit3A_195 = arith.constant 1 : i32
        %select_n3A_196 = arith.select %eq3A_194, %jit3A_195, %jit3A_192 : i32
        %rem3A_197 = arith.remsi %add3A_72, %select_n3A_196 : i32
        %ne3A_198 = arith.constant 0 : i32
        %ne3A_199 = arith.cmpi ne, %rem3A_197, %ne3A_198 : i32
        %lt3A_200 = arith.constant 0 : i32
        %lt3A_201 = arith.cmpi slt, %rem3A_197, %lt3A_200 : i32
        %lt3A_202 = arith.constant 0 : i32
        %lt3A_203 = arith.cmpi slt, %select_n3A_196, %lt3A_202 : i32
        %ne3A_204 = arith.xori %lt3A_201, %lt3A_203 : i1
        %and3A_205 = arith.andi %ne3A_204, %ne3A_199 : i1
        %add3A_206 = arith.addi %rem3A_197, %select_n3A_196 : i32
        %select_n3A_207 = arith.select %and3A_205, %add3A_206, %rem3A_197 : i32
        %dma_start3A_208 = arith.constant 0 : i32
        %dma_start3A_209 = arith.constant 0 : i32
        %dma_start3A_210 = tpu.memref_slice %arg5[%select_n3A_207, %dma_start3A_208, %dma_start3A_209] : memref<4x2x125xi32, #tpu.memory_space<vmem>> -> memref<1x2x125xi32, #tpu.memory_space<vmem>>
        %dma_start3A_211 = tpu.memref_squeeze %dma_start3A_210 : memref<1x2x125xi32, #tpu.memory_space<vmem>> -> memref<2x125xi32, #tpu.memory_space<vmem>>
        %dma_start3A_212 = arith.constant 0 : i32
        %dma_start3A_213 = arith.constant 0 : i32
        %dma_start3A_214 = tpu.memref_slice %arg3[%add3A, %add3A_191, %dma_start3A_212, %dma_start3A_213] : memref<32x80x2x125xi32, #tpu.memory_space<hbm>> -> memref<1x1x2x125xi32, #tpu.memory_space<hbm>>
        %dma_start3A_215 = tpu.memref_squeeze %dma_start3A_214 : memref<1x1x2x125xi32, #tpu.memory_space<hbm>> -> memref<2x125xi32, #tpu.memory_space<hbm>>
        %dma_start3A_216 = arith.constant 0 : i32
        %dma_start3A_217 = arith.constant 0 : i32
        %dma_start3A_218 = tpu.memref_slice %arg5[%select_n3A_207, %dma_start3A_216, %dma_start3A_217] : memref<4x2x125xi32, #tpu.memory_space<vmem>> -> memref<1x2x125xi32, #tpu.memory_space<vmem>>
        %dma_start3A_219 = tpu.memref_squeeze %dma_start3A_218 : memref<1x2x125xi32, #tpu.memory_space<vmem>> -> memref<2x125xi32, #tpu.memory_space<vmem>>
        %dma_start3A_220 = arith.constant 0 : i32
        %dma_start3A_221 = arith.constant 0 : i32
        %dma_start3A_222 = tpu.memref_slice %arg3[%add3A, %add3A_191, %dma_start3A_220, %dma_start3A_221] : memref<32x80x2x125xi32, #tpu.memory_space<hbm>> -> memref<1x1x2x125xi32, #tpu.memory_space<hbm>>
        %dma_start3A_223 = tpu.memref_squeeze %dma_start3A_222 : memref<1x1x2x125xi32, #tpu.memory_space<hbm>> -> memref<2x125xi32, #tpu.memory_space<hbm>>
        tpu.enqueue_dma source(%dma_start3A_223 : memref<2x125xi32, #tpu.memory_space<hbm>>) target(%dma_start3A_219 : memref<2x125xi32, #tpu.memory_space<vmem>>) target_semaphore(%arg11 : memref<!tpu.dma_semaphore, #tpu.memory_space<semaphore_mem>>)
      } else {
      }
      %add3A_119 = arith.constant 2 : i32
      %add3A_120 = arith.addi %add3A_72, %add3A_119 : i32
      %lt3A_121 = arith.constant 80 : i32
      %lt3A_122 = arith.cmpi slt, %add3A_120, %lt3A_121 : i32
      %convert_element_type3A_123 = arith.extui %lt3A_122 : i1 to i32
      %cond3A_124 = arith.constant 0 : i32
      %cond3A_125 = arith.cmpi ne, %convert_element_type3A_123, %cond3A_124 : i32
      scf.if %cond3A_125 {
        %ge3A = arith.constant 2 : i32
        %ge3A_190 = arith.cmpi sge, %add3A_72, %ge3A : i32
        %convert_element_type3A_191 = arith.extui %ge3A_190 : i1 to i32
        %cond3A_192 = arith.constant 0 : i32
        %cond3A_193 = arith.cmpi ne, %convert_element_type3A_191, %cond3A_192 : i32
        scf.if %cond3A_193 {
          %add3A_224 = arith.constant 2 : i32
          %add3A_225 = arith.addi %add3A_72, %add3A_224 : i32
          %add3A_226 = arith.constant 2 : i32
          %add3A_227 = arith.addi %add3A_72, %add3A_226 : i32
          %jit3A_228 = arith.constant 4 : i32
          %eq3A_229 = arith.constant 0 : i32
          %eq3A_230 = arith.cmpi eq, %jit3A_228, %eq3A_229 : i32
          %jit3A_231 = arith.constant 1 : i32
          %select_n3A_232 = arith.select %eq3A_230, %jit3A_231, %jit3A_228 : i32
          %rem3A_233 = arith.remsi %add3A_227, %select_n3A_232 : i32
          %ne3A_234 = arith.constant 0 : i32
          %ne3A_235 = arith.cmpi ne, %rem3A_233, %ne3A_234 : i32
          %lt3A_236 = arith.constant 0 : i32
          %lt3A_237 = arith.cmpi slt, %rem3A_233, %lt3A_236 : i32
          %lt3A_238 = arith.constant 0 : i32
          %lt3A_239 = arith.cmpi slt, %select_n3A_232, %lt3A_238 : i32
          %ne3A_240 = arith.xori %lt3A_237, %lt3A_239 : i1
          %and3A_241 = arith.andi %ne3A_240, %ne3A_235 : i1
          %add3A_242 = arith.addi %rem3A_233, %select_n3A_232 : i32
          %select_n3A_243 = arith.select %and3A_241, %add3A_242, %rem3A_233 : i32
          %dma_wait3A_244 = arith.constant 0 : i32
          %dma_wait3A_245 = arith.constant 0 : i32
          %dma_wait3A_246 = tpu.memref_slice %arg5[%select_n3A_243, %dma_wait3A_244, %dma_wait3A_245] : memref<4x2x125xi32, #tpu.memory_space<vmem>> -> memref<1x2x125xi32, #tpu.memory_space<vmem>>
          %dma_wait3A_247 = tpu.memref_squeeze %dma_wait3A_246 : memref<1x2x125xi32, #tpu.memory_space<vmem>> -> memref<2x125xi32, #tpu.memory_space<vmem>>
          %dma_wait3A_248 = arith.constant 0 : i32
          %dma_wait3A_249 = arith.constant 0 : i32
          %dma_wait3A_250 = tpu.memref_slice %arg3[%add3A, %add3A_225, %dma_wait3A_248, %dma_wait3A_249] : memref<32x80x2x125xi32, #tpu.memory_space<hbm>> -> memref<1x1x2x125xi32, #tpu.memory_space<hbm>>
          %dma_wait3A_251 = tpu.memref_squeeze %dma_wait3A_250 : memref<1x1x2x125xi32, #tpu.memory_space<hbm>> -> memref<2x125xi32, #tpu.memory_space<hbm>>
          %dma_wait3A_252 = arith.constant 0 : i32
          %dma_wait3A_253 = arith.constant 0 : i32
          %dma_wait3A_254 = tpu.memref_slice %arg5[%select_n3A_243, %dma_wait3A_252, %dma_wait3A_253] : memref<4x2x125xi32, #tpu.memory_space<vmem>> -> memref<1x2x125xi32, #tpu.memory_space<vmem>>
          %dma_wait3A_255 = tpu.memref_squeeze %dma_wait3A_254 : memref<1x2x125xi32, #tpu.memory_space<vmem>> -> memref<2x125xi32, #tpu.memory_space<vmem>>
          %dma_wait3A_256 = arith.constant 0 : i32
          %dma_wait3A_257 = arith.constant 0 : i32
          %dma_wait3A_258 = tpu.memref_slice %arg3[%add3A, %add3A_225, %dma_wait3A_256, %dma_wait3A_257] : memref<32x80x2x125xi32, #tpu.memory_space<hbm>> -> memref<1x1x2x125xi32, #tpu.memory_space<hbm>>
          %dma_wait3A_259 = tpu.memref_squeeze %dma_wait3A_258 : memref<1x1x2x125xi32, #tpu.memory_space<hbm>> -> memref<2x125xi32, #tpu.memory_space<hbm>>
          tpu.wait_dma2 semaphore(%arg11 : memref<!tpu.dma_semaphore, #tpu.memory_space<semaphore_mem>>) src(%dma_wait3A_259 : memref<2x125xi32, #tpu.memory_space<hbm>>) dst(%dma_wait3A_255 : memref<2x125xi32, #tpu.memory_space<vmem>>)
        } else {
        }
        %add3A_194 = arith.constant 2 : i32
        %add3A_195 = arith.addi %add3A_72, %add3A_194 : i32
        %jit3A_196 = arith.constant 4 : i32
        %eq3A_197 = arith.constant 0 : i32
        %eq3A_198 = arith.cmpi eq, %jit3A_196, %eq3A_197 : i32
        %jit3A_199 = arith.constant 1 : i32
        %select_n3A_200 = arith.select %eq3A_198, %jit3A_199, %jit3A_196 : i32
        %rem3A_201 = arith.remsi %add3A_195, %select_n3A_200 : i32
        %ne3A_202 = arith.constant 0 : i32
        %ne3A_203 = arith.cmpi ne, %rem3A_201, %ne3A_202 : i32
        %lt3A_204 = arith.constant 0 : i32
        %lt3A_205 = arith.cmpi slt, %rem3A_201, %lt3A_204 : i32
        %lt3A_206 = arith.constant 0 : i32
        %lt3A_207 = arith.cmpi slt, %select_n3A_200, %lt3A_206 : i32
        %ne3A_208 = arith.xori %lt3A_205, %lt3A_207 : i1
        %and3A_209 = arith.andi %ne3A_208, %ne3A_203 : i1
        %add3A_210 = arith.addi %rem3A_201, %select_n3A_200 : i32
        %select_n3A_211 = arith.select %and3A_209, %add3A_210, %rem3A_201 : i32
        %dma_start3A_212 = arith.constant 0 : i32
        %dma_start3A_213 = arith.constant 0 : i32
        %dma_start3A_214 = arith.constant 0 : i32
        %dma_start3A_215 = arith.constant 0 : i32
        %dma_start3A_216 = tpu.memref_slice %arg6[%dma_start3A_213, %dma_start3A_214, %dma_start3A_215] : memref<2x125x128xf32, #tpu.memory_space<vmem>> -> memref<1x125x128xf32, #tpu.memory_space<vmem>>
        %dma_start3A_217 = tpu.memref_squeeze %dma_start3A_216 : memref<1x125x128xf32, #tpu.memory_space<vmem>> -> memref<125x128xf32, #tpu.memory_space<vmem>>
        %dma_start3A_218 = arith.constant 0 : i32
        %dma_start3A_219 = tpu.memref_slice %arg5[%select_n3A_211, %dma_start3A_212, %dma_start3A_218] : memref<4x2x125xi32, #tpu.memory_space<vmem>> -> memref<1x1x125xi32, #tpu.memory_space<vmem>>
        %dma_start3A_220 = tpu.memref_squeeze %dma_start3A_219 : memref<1x1x125xi32, #tpu.memory_space<vmem>> -> memref<125xi32, #tpu.memory_space<vmem>>
        %dma_start3A_221 = arith.constant 0 : i32
        %dma_start3A_222 = arith.constant 0 : i32
        %dma_start3A_223 = tpu.memref_slice %arg2[%dma_start3A_221, %dma_start3A_222] : memref<10000x128xf32, #tpu.memory_space<hbm>> -> memref<10000x128xf32, #tpu.memory_space<hbm>>
        tpu.enqueue_indirect_dma source(%dma_start3A_223 : memref<10000x128xf32, #tpu.memory_space<hbm>>) target(%dma_start3A_217 : memref<125x128xf32, #tpu.memory_space<vmem>>) offsets(%dma_start3A_220 : memref<125xi32, #tpu.memory_space<vmem>>) semaphore(%arg9 : memref<!tpu.dma_semaphore, #tpu.memory_space<semaphore_mem>>)
      } else {
      }
      %mul3A_126 = arith.constant 2 : i32
      %mul3A_127 = arith.muli %mul3A_126, %scan3A_68 : i32
      %add3A_128 = arith.constant 1 : i32
      %add3A_129 = arith.addi %mul3A_127, %add3A_128 : i32
      %jit3A_130 = arith.constant 4 : i32
      %eq3A_131 = arith.constant 0 : i32
      %eq3A_132 = arith.cmpi eq, %jit3A_130, %eq3A_131 : i32
      %jit3A_133 = arith.constant 1 : i32
      %select_n3A_134 = arith.select %eq3A_132, %jit3A_133, %jit3A_130 : i32
      %rem3A_135 = arith.remsi %add3A_129, %select_n3A_134 : i32
      %ne3A_136 = arith.constant 0 : i32
      %ne3A_137 = arith.cmpi ne, %rem3A_135, %ne3A_136 : i32
      %lt3A_138 = arith.constant 0 : i32
      %lt3A_139 = arith.cmpi slt, %rem3A_135, %lt3A_138 : i32
      %lt3A_140 = arith.constant 0 : i32
      %lt3A_141 = arith.cmpi slt, %select_n3A_134, %lt3A_140 : i32
      %ne3A_142 = arith.xori %lt3A_139, %lt3A_141 : i1
      %and3A_143 = arith.andi %ne3A_142, %ne3A_137 : i1
      %add3A_144 = arith.addi %rem3A_135, %select_n3A_134 : i32
      %select_n3A_145 = arith.select %and3A_143, %add3A_144, %rem3A_135 : i32
      %dma_wait3A_146 = arith.constant 0 : i32
      %dma_wait3A_147 = arith.constant 1 : i32
      %dma_wait3A_148 = arith.constant 0 : i32
      %dma_wait3A_149 = arith.constant 0 : i32
      %dma_wait3A_150 = tpu.memref_slice %arg6[%dma_wait3A_147, %dma_wait3A_148, %dma_wait3A_149] : memref<2x125x128xf32, #tpu.memory_space<vmem>> -> memref<1x125x128xf32, #tpu.memory_space<vmem>>
      %dma_wait3A_151 = tpu.memref_squeeze %dma_wait3A_150 : memref<1x125x128xf32, #tpu.memory_space<vmem>> -> memref<125x128xf32, #tpu.memory_space<vmem>>
      %dma_wait3A_152 = arith.constant 0 : i32
      %dma_wait3A_153 = tpu.memref_slice %arg5[%select_n3A_145, %dma_wait3A_146, %dma_wait3A_152] : memref<4x2x125xi32, #tpu.memory_space<vmem>> -> memref<1x1x125xi32, #tpu.memory_space<vmem>>
      %dma_wait3A_154 = tpu.memref_squeeze %dma_wait3A_153 : memref<1x1x125xi32, #tpu.memory_space<vmem>> -> memref<125xi32, #tpu.memory_space<vmem>>
      %dma_wait3A_155 = arith.constant 0 : i32
      %dma_wait3A_156 = arith.constant 0 : i32
      %dma_wait3A_157 = tpu.memref_slice %arg2[%dma_wait3A_155, %dma_wait3A_156] : memref<10000x128xf32, #tpu.memory_space<hbm>> -> memref<10000x128xf32, #tpu.memory_space<hbm>>
      tpu.wait_indirect_dma semaphore(%arg10 : memref<!tpu.dma_semaphore, #tpu.memory_space<semaphore_mem>>) src(%dma_wait3A_157 : memref<10000x128xf32, #tpu.memory_space<hbm>>) dst(%dma_wait3A_151 : memref<125x128xf32, #tpu.memory_space<vmem>>)
      %jit3A_158 = arith.constant 4 : i32
      %eq3A_159 = arith.constant 0 : i32
      %eq3A_160 = arith.cmpi eq, %jit3A_158, %eq3A_159 : i32
      %jit3A_161 = arith.constant 1 : i32
      %select_n3A_162 = arith.select %eq3A_160, %jit3A_161, %jit3A_158 : i32
      %rem3A_163 = arith.remsi %add3A_129, %select_n3A_162 : i32
      %ne3A_164 = arith.constant 0 : i32
      %ne3A_165 = arith.cmpi ne, %rem3A_163, %ne3A_164 : i32
      %lt3A_166 = arith.constant 0 : i32
      %lt3A_167 = arith.cmpi slt, %rem3A_163, %lt3A_166 : i32
      %lt3A_168 = arith.constant 0 : i32
      %lt3A_169 = arith.cmpi slt, %select_n3A_162, %lt3A_168 : i32
      %ne3A_170 = arith.xori %lt3A_167, %lt3A_169 : i1
      %and3A_171 = arith.andi %ne3A_170, %ne3A_165 : i1
      %add3A_172 = arith.addi %rem3A_163, %select_n3A_162 : i32
      %select_n3A_173 = arith.select %and3A_171, %add3A_172, %rem3A_163 : i32
      %run_scoped3A_174 = arith.constant 1 : i32
      %run_scoped3A_175 = arith.constant 1 : i32
      "tpu.region"() ({
        %run_scoped3A_190 = tpu.sem_alloc : memref<!tpu.dma_semaphore, #tpu.memory_space<semaphore_mem>>
        %dma_start3A_191 = arith.constant 0 : i32
        %dma_start3A_192 = arith.constant 0 : i32
        %dma_start3A_193 = tpu.memref_slice %arg6[%run_scoped3A_174, %dma_start3A_191, %dma_start3A_192] : memref<2x125x128xf32, #tpu.memory_space<vmem>> -> memref<1x125x128xf32, #tpu.memory_space<vmem>>
        %dma_start3A_194 = tpu.memref_squeeze %dma_start3A_193 : memref<1x125x128xf32, #tpu.memory_space<vmem>> -> memref<125x128xf32, #tpu.memory_space<vmem>>
        %dma_start3A_195 = arith.constant 0 : i32
        %dma_start3A_196 = tpu.memref_slice %arg5[%select_n3A_173, %run_scoped3A_175, %dma_start3A_195] : memref<4x2x125xi32, #tpu.memory_space<vmem>> -> memref<1x1x125xi32, #tpu.memory_space<vmem>>
        %dma_start3A_197 = tpu.memref_squeeze %dma_start3A_196 : memref<1x1x125xi32, #tpu.memory_space<vmem>> -> memref<125xi32, #tpu.memory_space<vmem>>
        %dma_start3A_198 = arith.constant 0 : i32
        %dma_start3A_199 = arith.constant 0 : i32
        %dma_start3A_200 = tpu.memref_slice %arg8[%dma_start3A_198, %dma_start3A_199] : memref<10000x128xf32, #tpu.memory_space<vmem_shared>> -> memref<10000x128xf32, #tpu.memory_space<vmem_shared>>
        tpu.enqueue_indirect_dma source(%dma_start3A_194 : memref<125x128xf32, #tpu.memory_space<vmem>>) target(%dma_start3A_200 : memref<10000x128xf32, #tpu.memory_space<vmem_shared>>) offsets(%dma_start3A_197 : memref<125xi32, #tpu.memory_space<vmem>>) semaphore(%run_scoped3A_190 : memref<!tpu.dma_semaphore, #tpu.memory_space<semaphore_mem>>) {add = true}
        %dma_wait3A_201 = arith.constant 0 : i32
        %dma_wait3A_202 = arith.constant 0 : i32
        %dma_wait3A_203 = tpu.memref_slice %arg6[%run_scoped3A_174, %dma_wait3A_201, %dma_wait3A_202] : memref<2x125x128xf32, #tpu.memory_space<vmem>> -> memref<1x125x128xf32, #tpu.memory_space<vmem>>
        %dma_wait3A_204 = tpu.memref_squeeze %dma_wait3A_203 : memref<1x125x128xf32, #tpu.memory_space<vmem>> -> memref<125x128xf32, #tpu.memory_space<vmem>>
        %dma_wait3A_205 = arith.constant 0 : i32
        %dma_wait3A_206 = tpu.memref_slice %arg5[%select_n3A_173, %run_scoped3A_175, %dma_wait3A_205] : memref<4x2x125xi32, #tpu.memory_space<vmem>> -> memref<1x1x125xi32, #tpu.memory_space<vmem>>
        %dma_wait3A_207 = tpu.memref_squeeze %dma_wait3A_206 : memref<1x1x125xi32, #tpu.memory_space<vmem>> -> memref<125xi32, #tpu.memory_space<vmem>>
        %dma_wait3A_208 = arith.constant 0 : i32
        %dma_wait3A_209 = arith.constant 0 : i32
        %dma_wait3A_210 = tpu.memref_slice %arg8[%dma_wait3A_208, %dma_wait3A_209] : memref<10000x128xf32, #tpu.memory_space<vmem_shared>> -> memref<10000x128xf32, #tpu.memory_space<vmem_shared>>
        tpu.wait_indirect_dma semaphore(%run_scoped3A_190 : memref<!tpu.dma_semaphore, #tpu.memory_space<semaphore_mem>>) src(%dma_wait3A_204 : memref<125x128xf32, #tpu.memory_space<vmem>>) dst(%dma_wait3A_210 : memref<10000x128xf32, #tpu.memory_space<vmem_shared>>)
        tpu.yield
      }) : () -> ()
      %add3A_176 = arith.constant 4 : i32
      %add3A_177 = arith.addi %add3A_129, %add3A_176 : i32
      %lt3A_178 = arith.constant 80 : i32
      %lt3A_179 = arith.cmpi slt, %add3A_177, %lt3A_178 : i32
      %convert_element_type3A_180 = arith.extui %lt3A_179 : i1 to i32
      %cond3A_181 = arith.constant 0 : i32
      %cond3A_182 = arith.cmpi ne, %convert_element_type3A_180, %cond3A_181 : i32
      scf.if %cond3A_182 {
        %add3A_190 = arith.constant 4 : i32
        %add3A_191 = arith.addi %add3A_129, %add3A_190 : i32
        %jit3A_192 = arith.constant 4 : i32
        %eq3A_193 = arith.constant 0 : i32
        %eq3A_194 = arith.cmpi eq, %jit3A_192, %eq3A_193 : i32
        %jit3A_195 = arith.constant 1 : i32
        %select_n3A_196 = arith.select %eq3A_194, %jit3A_195, %jit3A_192 : i32
        %rem3A_197 = arith.remsi %add3A_129, %select_n3A_196 : i32
        %ne3A_198 = arith.constant 0 : i32
        %ne3A_199 = arith.cmpi ne, %rem3A_197, %ne3A_198 : i32
        %lt3A_200 = arith.constant 0 : i32
        %lt3A_201 = arith.cmpi slt, %rem3A_197, %lt3A_200 : i32
        %lt3A_202 = arith.constant 0 : i32
        %lt3A_203 = arith.cmpi slt, %select_n3A_196, %lt3A_202 : i32
        %ne3A_204 = arith.xori %lt3A_201, %lt3A_203 : i1
        %and3A_205 = arith.andi %ne3A_204, %ne3A_199 : i1
        %add3A_206 = arith.addi %rem3A_197, %select_n3A_196 : i32
        %select_n3A_207 = arith.select %and3A_205, %add3A_206, %rem3A_197 : i32
        %dma_start3A_208 = arith.constant 0 : i32
        %dma_start3A_209 = arith.constant 0 : i32
        %dma_start3A_210 = tpu.memref_slice %arg5[%select_n3A_207, %dma_start3A_208, %dma_start3A_209] : memref<4x2x125xi32, #tpu.memory_space<vmem>> -> memref<1x2x125xi32, #tpu.memory_space<vmem>>
        %dma_start3A_211 = tpu.memref_squeeze %dma_start3A_210 : memref<1x2x125xi32, #tpu.memory_space<vmem>> -> memref<2x125xi32, #tpu.memory_space<vmem>>
        %dma_start3A_212 = arith.constant 0 : i32
        %dma_start3A_213 = arith.constant 0 : i32
        %dma_start3A_214 = tpu.memref_slice %arg3[%add3A, %add3A_191, %dma_start3A_212, %dma_start3A_213] : memref<32x80x2x125xi32, #tpu.memory_space<hbm>> -> memref<1x1x2x125xi32, #tpu.memory_space<hbm>>
        %dma_start3A_215 = tpu.memref_squeeze %dma_start3A_214 : memref<1x1x2x125xi32, #tpu.memory_space<hbm>> -> memref<2x125xi32, #tpu.memory_space<hbm>>
        %dma_start3A_216 = arith.constant 0 : i32
        %dma_start3A_217 = arith.constant 0 : i32
        %dma_start3A_218 = tpu.memref_slice %arg5[%select_n3A_207, %dma_start3A_216, %dma_start3A_217] : memref<4x2x125xi32, #tpu.memory_space<vmem>> -> memref<1x2x125xi32, #tpu.memory_space<vmem>>
        %dma_start3A_219 = tpu.memref_squeeze %dma_start3A_218 : memref<1x2x125xi32, #tpu.memory_space<vmem>> -> memref<2x125xi32, #tpu.memory_space<vmem>>
        %dma_start3A_220 = arith.constant 0 : i32
        %dma_start3A_221 = arith.constant 0 : i32
        %dma_start3A_222 = tpu.memref_slice %arg3[%add3A, %add3A_191, %dma_start3A_220, %dma_start3A_221] : memref<32x80x2x125xi32, #tpu.memory_space<hbm>> -> memref<1x1x2x125xi32, #tpu.memory_space<hbm>>
        %dma_start3A_223 = tpu.memref_squeeze %dma_start3A_222 : memref<1x1x2x125xi32, #tpu.memory_space<hbm>> -> memref<2x125xi32, #tpu.memory_space<hbm>>
        tpu.enqueue_dma source(%dma_start3A_223 : memref<2x125xi32, #tpu.memory_space<hbm>>) target(%dma_start3A_219 : memref<2x125xi32, #tpu.memory_space<vmem>>) target_semaphore(%arg12 : memref<!tpu.dma_semaphore, #tpu.memory_space<semaphore_mem>>)
      } else {
      }
      %add3A_183 = arith.constant 2 : i32
      %add3A_184 = arith.addi %add3A_129, %add3A_183 : i32
      %lt3A_185 = arith.constant 80 : i32
      %lt3A_186 = arith.cmpi slt, %add3A_184, %lt3A_185 : i32
      %convert_element_type3A_187 = arith.extui %lt3A_186 : i1 to i32
      %cond3A_188 = arith.constant 0 : i32
      %cond3A_189 = arith.cmpi ne, %convert_element_type3A_187, %cond3A_188 : i32
      scf.if %cond3A_189 {
        %ge3A = arith.constant 2 : i32
        %ge3A_190 = arith.cmpi sge, %add3A_129, %ge3A : i32
        %convert_element_type3A_191 = arith.extui %ge3A_190 : i1 to i32
        %cond3A_192 = arith.constant 0 : i32
        %cond3A_193 = arith.cmpi ne, %convert_element_type3A_191, %cond3A_192 : i32
        scf.if %cond3A_193 {
          %add3A_224 = arith.constant 2 : i32
          %add3A_225 = arith.addi %add3A_129, %add3A_224 : i32
          %add3A_226 = arith.constant 2 : i32
          %add3A_227 = arith.addi %add3A_129, %add3A_226 : i32
          %jit3A_228 = arith.constant 4 : i32
          %eq3A_229 = arith.constant 0 : i32
          %eq3A_230 = arith.cmpi eq, %jit3A_228, %eq3A_229 : i32
          %jit3A_231 = arith.constant 1 : i32
          %select_n3A_232 = arith.select %eq3A_230, %jit3A_231, %jit3A_228 : i32
          %rem3A_233 = arith.remsi %add3A_227, %select_n3A_232 : i32
          %ne3A_234 = arith.constant 0 : i32
          %ne3A_235 = arith.cmpi ne, %rem3A_233, %ne3A_234 : i32
          %lt3A_236 = arith.constant 0 : i32
          %lt3A_237 = arith.cmpi slt, %rem3A_233, %lt3A_236 : i32
          %lt3A_238 = arith.constant 0 : i32
          %lt3A_239 = arith.cmpi slt, %select_n3A_232, %lt3A_238 : i32
          %ne3A_240 = arith.xori %lt3A_237, %lt3A_239 : i1
          %and3A_241 = arith.andi %ne3A_240, %ne3A_235 : i1
          %add3A_242 = arith.addi %rem3A_233, %select_n3A_232 : i32
          %select_n3A_243 = arith.select %and3A_241, %add3A_242, %rem3A_233 : i32
          %dma_wait3A_244 = arith.constant 0 : i32
          %dma_wait3A_245 = arith.constant 0 : i32
          %dma_wait3A_246 = tpu.memref_slice %arg5[%select_n3A_243, %dma_wait3A_244, %dma_wait3A_245] : memref<4x2x125xi32, #tpu.memory_space<vmem>> -> memref<1x2x125xi32, #tpu.memory_space<vmem>>
          %dma_wait3A_247 = tpu.memref_squeeze %dma_wait3A_246 : memref<1x2x125xi32, #tpu.memory_space<vmem>> -> memref<2x125xi32, #tpu.memory_space<vmem>>
          %dma_wait3A_248 = arith.constant 0 : i32
          %dma_wait3A_249 = arith.constant 0 : i32
          %dma_wait3A_250 = tpu.memref_slice %arg3[%add3A, %add3A_225, %dma_wait3A_248, %dma_wait3A_249] : memref<32x80x2x125xi32, #tpu.memory_space<hbm>> -> memref<1x1x2x125xi32, #tpu.memory_space<hbm>>
          %dma_wait3A_251 = tpu.memref_squeeze %dma_wait3A_250 : memref<1x1x2x125xi32, #tpu.memory_space<hbm>> -> memref<2x125xi32, #tpu.memory_space<hbm>>
          %dma_wait3A_252 = arith.constant 0 : i32
          %dma_wait3A_253 = arith.constant 0 : i32
          %dma_wait3A_254 = tpu.memref_slice %arg5[%select_n3A_243, %dma_wait3A_252, %dma_wait3A_253] : memref<4x2x125xi32, #tpu.memory_space<vmem>> -> memref<1x2x125xi32, #tpu.memory_space<vmem>>
          %dma_wait3A_255 = tpu.memref_squeeze %dma_wait3A_254 : memref<1x2x125xi32, #tpu.memory_space<vmem>> -> memref<2x125xi32, #tpu.memory_space<vmem>>
          %dma_wait3A_256 = arith.constant 0 : i32
          %dma_wait3A_257 = arith.constant 0 : i32
          %dma_wait3A_258 = tpu.memref_slice %arg3[%add3A, %add3A_225, %dma_wait3A_256, %dma_wait3A_257] : memref<32x80x2x125xi32, #tpu.memory_space<hbm>> -> memref<1x1x2x125xi32, #tpu.memory_space<hbm>>
          %dma_wait3A_259 = tpu.memref_squeeze %dma_wait3A_258 : memref<1x1x2x125xi32, #tpu.memory_space<hbm>> -> memref<2x125xi32, #tpu.memory_space<hbm>>
          tpu.wait_dma2 semaphore(%arg12 : memref<!tpu.dma_semaphore, #tpu.memory_space<semaphore_mem>>) src(%dma_wait3A_259 : memref<2x125xi32, #tpu.memory_space<hbm>>) dst(%dma_wait3A_255 : memref<2x125xi32, #tpu.memory_space<vmem>>)
        } else {
        }
        %add3A_194 = arith.constant 2 : i32
        %add3A_195 = arith.addi %add3A_129, %add3A_194 : i32
        %jit3A_196 = arith.constant 4 : i32
        %eq3A_197 = arith.constant 0 : i32
        %eq3A_198 = arith.cmpi eq, %jit3A_196, %eq3A_197 : i32
        %jit3A_199 = arith.constant 1 : i32
        %select_n3A_200 = arith.select %eq3A_198, %jit3A_199, %jit3A_196 : i32
        %rem3A_201 = arith.remsi %add3A_195, %select_n3A_200 : i32
        %ne3A_202 = arith.constant 0 : i32
        %ne3A_203 = arith.cmpi ne, %rem3A_201, %ne3A_202 : i32
        %lt3A_204 = arith.constant 0 : i32
        %lt3A_205 = arith.cmpi slt, %rem3A_201, %lt3A_204 : i32
        %lt3A_206 = arith.constant 0 : i32
        %lt3A_207 = arith.cmpi slt, %select_n3A_200, %lt3A_206 : i32
        %ne3A_208 = arith.xori %lt3A_205, %lt3A_207 : i1
        %and3A_209 = arith.andi %ne3A_208, %ne3A_203 : i1
        %add3A_210 = arith.addi %rem3A_201, %select_n3A_200 : i32
        %select_n3A_211 = arith.select %and3A_209, %add3A_210, %rem3A_201 : i32
        %dma_start3A_212 = arith.constant 0 : i32
        %dma_start3A_213 = arith.constant 1 : i32
        %dma_start3A_214 = arith.constant 0 : i32
        %dma_start3A_215 = arith.constant 0 : i32
        %dma_start3A_216 = tpu.memref_slice %arg6[%dma_start3A_213, %dma_start3A_214, %dma_start3A_215] : memref<2x125x128xf32, #tpu.memory_space<vmem>> -> memref<1x125x128xf32, #tpu.memory_space<vmem>>
        %dma_start3A_217 = tpu.memref_squeeze %dma_start3A_216 : memref<1x125x128xf32, #tpu.memory_space<vmem>> -> memref<125x128xf32, #tpu.memory_space<vmem>>
        %dma_start3A_218 = arith.constant 0 : i32
        %dma_start3A_219 = tpu.memref_slice %arg5[%select_n3A_211, %dma_start3A_212, %dma_start3A_218] : memref<4x2x125xi32, #tpu.memory_space<vmem>> -> memref<1x1x125xi32, #tpu.memory_space<vmem>>
        %dma_start3A_220 = tpu.memref_squeeze %dma_start3A_219 : memref<1x1x125xi32, #tpu.memory_space<vmem>> -> memref<125xi32, #tpu.memory_space<vmem>>
        %dma_start3A_221 = arith.constant 0 : i32
        %dma_start3A_222 = arith.constant 0 : i32
        %dma_start3A_223 = tpu.memref_slice %arg2[%dma_start3A_221, %dma_start3A_222] : memref<10000x128xf32, #tpu.memory_space<hbm>> -> memref<10000x128xf32, #tpu.memory_space<hbm>>
        tpu.enqueue_indirect_dma source(%dma_start3A_223 : memref<10000x128xf32, #tpu.memory_space<hbm>>) target(%dma_start3A_217 : memref<125x128xf32, #tpu.memory_space<vmem>>) offsets(%dma_start3A_220 : memref<125xi32, #tpu.memory_space<vmem>>) semaphore(%arg10 : memref<!tpu.dma_semaphore, #tpu.memory_space<semaphore_mem>>)
      } else {
      }
    }
    %scan3A_56 = arith.constant 40 : i32
    %barrier3A_57 = arith.constant 0 : index
    tpu.barrier barrier_id(%barrier3A_57)
    %while3A_58 = arith.constant 0 : i32
    %while3A_59 = arith.constant 0 : i32
    %while3A_60 = arith.subi %select_n3A, %while3A_59 : i32
    %while3A_61 = arith.addi %while3A_59, %while3A_60 : i32
    %while3A_62 = arith.constant 1 : i32
    %while3A_63 = arith.divsi %while3A_60, %while3A_62 : i32
    %while3A_64 = arith.muli %while3A_63, %while3A_62 : i32
    %while3A_65 = arith.addi %while3A_59, %while3A_64 : i32
    %while3A_66 = arith.constant 1 : i32
    scf.for %while3A_68 = %while3A_59 to %while3A_65 step %while3A_66  : i32 {
      %mul3A_69 = arith.constant 16 : i32
      %mul3A_70 = arith.muli %while3A_68, %mul3A_69 : i32
      %add3A_71 = arith.addi %mul3A_14, %mul3A_70 : i32
      %mul3A_72 = arith.constant 16 : i32
      %mul3A_73 = arith.muli %while3A_68, %mul3A_72 : i32
      %add3A_74 = arith.addi %mul3A_14, %mul3A_73 : i32
      "tpu.region"() ({
        %run_scoped3A_75 = tpu.sem_alloc : memref<!tpu.dma_semaphore, #tpu.memory_space<semaphore_mem>>
        %dma_start3A_76 = arith.constant 0 : i32
        %dma_start3A_77 = tpu.memref_slice %arg4[%arg0, %add3A_74, %dma_start3A_76] : memref<2x10000x128xf32, #tpu.memory_space<hbm>> -> memref<1x16x128xf32, #tpu.memory_space<hbm>>
        %dma_start3A_78 = tpu.memref_squeeze %dma_start3A_77 : memref<1x16x128xf32, #tpu.memory_space<hbm>> -> memref<16x128xf32, #tpu.memory_space<hbm>>
        %dma_start3A_79 = arith.constant 0 : i32
        %dma_start3A_80 = tpu.memref_slice %arg8[%add3A_71, %dma_start3A_79] : memref<10000x128xf32, #tpu.memory_space<vmem_shared>> -> memref<16x128xf32, #tpu.memory_space<vmem_shared>>
        tpu.enqueue_dma source(%dma_start3A_80 : memref<16x128xf32, #tpu.memory_space<vmem_shared>>) target(%dma_start3A_78 : memref<16x128xf32, #tpu.memory_space<hbm>>) target_semaphore(%run_scoped3A_75 : memref<!tpu.dma_semaphore, #tpu.memory_space<semaphore_mem>>)
        %dma_wait3A = arith.constant 0 : i32
        %dma_wait3A_81 = tpu.memref_slice %arg4[%arg0, %add3A_74, %dma_wait3A] : memref<2x10000x128xf32, #tpu.memory_space<hbm>> -> memref<1x16x128xf32, #tpu.memory_space<hbm>>
        %dma_wait3A_82 = tpu.memref_squeeze %dma_wait3A_81 : memref<1x16x128xf32, #tpu.memory_space<hbm>> -> memref<16x128xf32, #tpu.memory_space<hbm>>
        %dma_wait3A_83 = arith.constant 0 : i32
        %dma_wait3A_84 = tpu.memref_slice %arg8[%add3A_71, %dma_wait3A_83] : memref<10000x128xf32, #tpu.memory_space<vmem_shared>> -> memref<16x128xf32, #tpu.memory_space<vmem_shared>>
        tpu.wait_dma2 semaphore(%run_scoped3A_75 : memref<!tpu.dma_semaphore, #tpu.memory_space<semaphore_mem>>) src(%dma_wait3A_84 : memref<16x128xf32, #tpu.memory_space<vmem_shared>>) dst(%dma_wait3A_82 : memref<16x128xf32, #tpu.memory_space<hbm>>)
        tpu.yield
      }) : () -> ()
    }
    %while3A_67 = arith.constant 1 : i32
    scf.for %while3A_68 = %while3A_65 to %while3A_61 step %while3A_67  : i32 {
      %mul3A_69 = arith.constant 16 : i32
      %mul3A_70 = arith.muli %while3A_68, %mul3A_69 : i32
      %add3A_71 = arith.addi %mul3A_14, %mul3A_70 : i32
      %mul3A_72 = arith.constant 16 : i32
      %mul3A_73 = arith.muli %while3A_68, %mul3A_72 : i32
      %add3A_74 = arith.addi %mul3A_14, %mul3A_73 : i32
      "tpu.region"() ({
        %run_scoped3A_75 = tpu.sem_alloc : memref<!tpu.dma_semaphore, #tpu.memory_space<semaphore_mem>>
        %dma_start3A_76 = arith.constant 0 : i32
        %dma_start3A_77 = tpu.memref_slice %arg4[%arg0, %add3A_74, %dma_start3A_76] : memref<2x10000x128xf32, #tpu.memory_space<hbm>> -> memref<1x16x128xf32, #tpu.memory_space<hbm>>
        %dma_start3A_78 = tpu.memref_squeeze %dma_start3A_77 : memref<1x16x128xf32, #tpu.memory_space<hbm>> -> memref<16x128xf32, #tpu.memory_space<hbm>>
        %dma_start3A_79 = arith.constant 0 : i32
        %dma_start3A_80 = tpu.memref_slice %arg8[%add3A_71, %dma_start3A_79] : memref<10000x128xf32, #tpu.memory_space<vmem_shared>> -> memref<16x128xf32, #tpu.memory_space<vmem_shared>>
        tpu.enqueue_dma source(%dma_start3A_80 : memref<16x128xf32, #tpu.memory_space<vmem_shared>>) target(%dma_start3A_78 : memref<16x128xf32, #tpu.memory_space<hbm>>) target_semaphore(%run_scoped3A_75 : memref<!tpu.dma_semaphore, #tpu.memory_space<semaphore_mem>>)
        %dma_wait3A = arith.constant 0 : i32
        %dma_wait3A_81 = tpu.memref_slice %arg4[%arg0, %add3A_74, %dma_wait3A] : memref<2x10000x128xf32, #tpu.memory_space<hbm>> -> memref<1x16x128xf32, #tpu.memory_space<hbm>>
        %dma_wait3A_82 = tpu.memref_squeeze %dma_wait3A_81 : memref<1x16x128xf32, #tpu.memory_space<hbm>> -> memref<16x128xf32, #tpu.memory_space<hbm>>
        %dma_wait3A_83 = arith.constant 0 : i32
        %dma_wait3A_84 = tpu.memref_slice %arg8[%add3A_71, %dma_wait3A_83] : memref<10000x128xf32, #tpu.memory_space<vmem_shared>> -> memref<16x128xf32, #tpu.memory_space<vmem_shared>>
        tpu.wait_dma2 semaphore(%run_scoped3A_75 : memref<!tpu.dma_semaphore, #tpu.memory_space<semaphore_mem>>) src(%dma_wait3A_84 : memref<16x128xf32, #tpu.memory_space<vmem_shared>>) dst(%dma_wait3A_82 : memref<16x128xf32, #tpu.memory_space<hbm>>)
        tpu.yield
      }) : () -> ()
    }
    return
  }
}

module attributes {stable_mosaic.version = 14 : i64} {
  func.func @_prescale_body(%arg0: i32, %arg1: memref<2000x16xf32, #tpu.memory_space<vmem>>, %arg2: memref<2000x16xf32, #tpu.memory_space<vmem>>, %arg3: memref<2000x128xf32, #tpu.memory_space<vmem>>, %arg4: memref<2000x128xf32, #tpu.memory_space<vmem>>, %arg5: memref<2000x16xf32, #tpu.memory_space<vmem>>) attributes {dimension_semantics = [#tpu.dimension_semantics<arbitrary>], iteration_bounds = array<i64: 5>, scalar_prefetch = 0 : i64, scratch_operands = 0 : i64, tpu.core_type = #tpu.core_type<tc>, window_params = [{transform_indices = @transform_0, window_bounds = array<i64: 2000, 16>}, {transform_indices = @transform_1, window_bounds = array<i64: 2000, 16>}, {transform_indices = @transform_2, window_bounds = array<i64: 2000, 128>}, {transform_indices = @transform_3, window_bounds = array<i64: 2000, 128>}, {transform_indices = @transform_4, window_bounds = array<i64: 2000, 16>}]} {
    %get3A = arith.constant 0 : index
    %get3A_0 = arith.constant 0 : index
    %get3A_1 = vector.load %arg1[%get3A, %get3A_0] : memref<2000x16xf32, #tpu.memory_space<vmem>>, vector<2000x16xf32>
    %slice3A = vector.extract_strided_slice %get3A_1 {offsets = [0, 0], sizes = [2000, 1], strides = [1, 1]} : vector<2000x16xf32> to vector<2000x1xf32>
    %get3A_2 = arith.constant 0 : index
    %get3A_3 = arith.constant 0 : index
    %get3A_4 = vector.load %arg2[%get3A_2, %get3A_3] : memref<2000x16xf32, #tpu.memory_space<vmem>>, vector<2000x16xf32>
    %slice3A_5 = vector.extract_strided_slice %get3A_4 {offsets = [0, 0], sizes = [2000, 1], strides = [1, 1]} : vector<2000x16xf32> to vector<2000x1xf32>
    %add3A = arith.addf %slice3A, %slice3A_5 : vector<2000x1xf32>
    %add3A_6 = arith.constant 1.000000e+00 : f32
    %add3A_7 = vector.broadcast %add3A_6 : f32 to vector<2000x1xf32>
    %add3A_8 = arith.addf %add3A, %add3A_7 : vector<2000x1xf32>
    %rsqrt3A = math.rsqrt %add3A_8 : vector<2000x1xf32>
    %get3A_9 = arith.constant 0 : index
    %get3A_10 = arith.constant 0 : index
    %get3A_11 = vector.load %arg3[%get3A_9, %get3A_10] : memref<2000x128xf32, #tpu.memory_space<vmem>>, vector<2000x128xf32>
    %mul3A = vector.broadcast %rsqrt3A : vector<2000x1xf32> to vector<2000x128xf32>
    %mul3A_12 = arith.mulf %get3A_11, %mul3A : vector<2000x128xf32>
    %swap3A = arith.constant 0 : index
    %swap3A_13 = arith.constant 0 : index
    %swap3A_14 = vector.load %arg4[%swap3A, %swap3A_13] : memref<2000x128xf32, #tpu.memory_space<vmem>>, vector<2000x128xf32>
    tpu.vector_store %arg4[%swap3A, %swap3A_13], %mul3A_12 {strides = array<i32>} : memref<2000x128xf32, #tpu.memory_space<vmem>>, vector<2000x128xf32>,
    %broadcast_in_dim3A = vector.shape_cast %rsqrt3A : vector<2000x1xf32> to vector<2000x1xf32>
    %broadcast_in_dim3A_15 = vector.broadcast %broadcast_in_dim3A : vector<2000x1xf32> to vector<2000x16xf32>
    %swap3A_16 = arith.constant 0 : index
    %swap3A_17 = arith.constant 0 : index
    %swap3A_18 = vector.load %arg5[%swap3A_16, %swap3A_17] : memref<2000x16xf32, #tpu.memory_space<vmem>>, vector<2000x16xf32>
    tpu.vector_store %arg5[%swap3A_16, %swap3A_17], %broadcast_in_dim3A_15 {strides = array<i32>} : memref<2000x16xf32, #tpu.memory_space<vmem>>, vector<2000x16xf32>,
    return
  }
  func.func @transform_0(%arg0: i32) -> (i32, i32) {
    %c0_i32 = arith.constant 0 : i32
    %c0_i32_0 = arith.constant 0 : i32
    return %arg0, %c0_i32 : i32, i32
  }
  func.func @transform_1(%arg0: i32) -> (i32, i32) {
    %c0_i32 = arith.constant 0 : i32
    %c0_i32_0 = arith.constant 0 : i32
    return %arg0, %c0_i32 : i32, i32
  }
  func.func @transform_2(%arg0: i32) -> (i32, i32) {
    %c0_i32 = arith.constant 0 : i32
    %c0_i32_0 = arith.constant 0 : i32
    return %arg0, %c0_i32 : i32, i32
  }
  func.func @transform_3(%arg0: i32) -> (i32, i32) {
    %c0_i32 = arith.constant 0 : i32
    %c0_i32_0 = arith.constant 0 : i32
    return %arg0, %c0_i32 : i32, i32
  }
  func.func @transform_4(%arg0: i32) -> (i32, i32) {
    %c0_i32 = arith.constant 0 : i32
    %c0_i32_0 = arith.constant 0 : i32
    return %arg0, %c0_i32 : i32, i32
  }
}

module attributes {stable_mosaic.version = 14 : i64} {
  func.func @_dense_body(%arg0: i32, %arg1: memref<2000x128xf32, #tpu.memory_space<vmem>>, %arg2: memref<2000x128xf32, #tpu.memory_space<vmem>>, %arg3: memref<2000x128xf32, #tpu.memory_space<vmem>>, %arg4: memref<2000x16xf32, #tpu.memory_space<vmem>>, %arg5: memref<128x256xf32, #tpu.memory_space<vmem>>, %arg6: memref<1x256xf32, #tpu.memory_space<vmem>>, %arg7: memref<256x16xf32, #tpu.memory_space<vmem>>, %arg8: memref<2000x16xf32, #tpu.memory_space<vmem>>, %arg9: memref<2000x128xf32, #tpu.memory_space<vmem>>) attributes {dimension_semantics = [#tpu.dimension_semantics<arbitrary>], iteration_bounds = array<i64: 5>, scalar_prefetch = 0 : i64, scratch_operands = 0 : i64, tpu.core_type = #tpu.core_type<tc>, window_params = [{transform_indices = @transform_0, window_bounds = array<i64: 2000, 128>}, {transform_indices = @transform_1, window_bounds = array<i64: 2000, 128>}, {transform_indices = @transform_2, window_bounds = array<i64: 2000, 128>}, {transform_indices = @transform_3, window_bounds = array<i64: 2000, 16>}, {pipeline_mode = #tpu.pipeline_mode<synchronous>, transform_indices = @transform_4, window_bounds = array<i64: 128, 256>}, {pipeline_mode = #tpu.pipeline_mode<synchronous>, transform_indices = @transform_5, window_bounds = array<i64: 1, 256>}, {pipeline_mode = #tpu.pipeline_mode<synchronous>, transform_indices = @transform_6, window_bounds = array<i64: 256, 16>}, {transform_indices = @transform_7, window_bounds = array<i64: 2000, 16>}, {transform_indices = @transform_8, window_bounds = array<i64: 2000, 128>}]} {
    %get3A = arith.constant 0 : index
    %get3A_0 = arith.constant 0 : index
    %get3A_1 = vector.load %arg4[%get3A, %get3A_0] : memref<2000x16xf32, #tpu.memory_space<vmem>>, vector<2000x16xf32>
    %slice3A = vector.extract_strided_slice %get3A_1 {offsets = [0, 0], sizes = [2000, 1], strides = [1, 1]} : vector<2000x16xf32> to vector<2000x1xf32>
    %get3A_2 = arith.constant 0 : index
    %get3A_3 = arith.constant 0 : index
    %get3A_4 = vector.load %arg1[%get3A_2, %get3A_3] : memref<2000x128xf32, #tpu.memory_space<vmem>>, vector<2000x128xf32>
    %get3A_5 = arith.constant 0 : index
    %get3A_6 = arith.constant 0 : index
    %get3A_7 = vector.load %arg2[%get3A_5, %get3A_6] : memref<2000x128xf32, #tpu.memory_space<vmem>>, vector<2000x128xf32>
    %add3A = arith.addf %get3A_4, %get3A_7 : vector<2000x128xf32>
    %mul3A = vector.broadcast %slice3A : vector<2000x1xf32> to vector<2000x128xf32>
    %mul3A_8 = arith.mulf %mul3A, %add3A : vector<2000x128xf32>
    %mul3A_9 = arith.mulf %slice3A, %slice3A : vector<2000x1xf32>
    %get3A_10 = arith.constant 0 : index
    %get3A_11 = arith.constant 0 : index
    %get3A_12 = vector.load %arg3[%get3A_10, %get3A_11] : memref<2000x128xf32, #tpu.memory_space<vmem>>, vector<2000x128xf32>
    %mul3A_13 = vector.broadcast %mul3A_9 : vector<2000x1xf32> to vector<2000x128xf32>
    %mul3A_14 = arith.mulf %mul3A_13, %get3A_12 : vector<2000x128xf32>
    %add3A_15 = arith.addf %mul3A_8, %mul3A_14 : vector<2000x128xf32>
    %get3A_16 = arith.constant 0 : index
    %get3A_17 = arith.constant 0 : index
    %get3A_18 = vector.load %arg5[%get3A_16, %get3A_17] : memref<128x256xf32, #tpu.memory_space<vmem>>, vector<128x256xf32>
    %dot_general3A = arith.constant dense<0.000000e+00> : vector<2000x256xf32>
    %dot_general3A_19 = tpu.matmul %add3A_15, %get3A_18, %dot_general3A {dimension_numbers = #tpu.dot_dimension_numbers<[1], [0], [0], [1], [0, 0, 1, 1], [], []>, transpose_lhs_hint = false} : vector<2000x128xf32>, vector<128x256xf32>, vector<2000x256xf32> -> vector<2000x256xf32>
    %get3A_20 = arith.constant 0 : index
    %get3A_21 = arith.constant 0 : index
    %get3A_22 = vector.load %arg6[%get3A_20, %get3A_21] : memref<1x256xf32, #tpu.memory_space<vmem>>, vector<1x256xf32>
    %add3A_23 = vector.broadcast %get3A_22 : vector<1x256xf32> to vector<2000x256xf32>
    %add3A_24 = arith.addf %dot_general3A_19, %add3A_23 : vector<2000x256xf32>
    %max3A = arith.constant 0.000000e+00 : f32
    %max3A_25 = vector.broadcast %max3A : f32 to vector<2000x256xf32>
    %max3A_26 = arith.maximumf %add3A_24, %max3A_25 : vector<2000x256xf32>
    %get3A_27 = arith.constant 0 : index
    %get3A_28 = arith.constant 0 : index
    %get3A_29 = vector.load %arg7[%get3A_27, %get3A_28] : memref<256x16xf32, #tpu.memory_space<vmem>>, vector<256x16xf32>
    %dot_general3A_30 = arith.constant dense<0.000000e+00> : vector<2000x16xf32>
    %dot_general3A_31 = tpu.matmul %max3A_26, %get3A_29, %dot_general3A_30 {dimension_numbers = #tpu.dot_dimension_numbers<[1], [0], [0], [1], [0, 0, 1, 1], [], []>, transpose_lhs_hint = false} : vector<2000x256xf32>, vector<256x16xf32>, vector<2000x16xf32> -> vector<2000x16xf32>
    %swap3A = arith.constant 0 : index
    %swap3A_32 = arith.constant 0 : index
    %swap3A_33 = vector.load %arg8[%swap3A, %swap3A_32] : memref<2000x16xf32, #tpu.memory_space<vmem>>, vector<2000x16xf32>
    tpu.vector_store %arg8[%swap3A, %swap3A_32], %dot_general3A_31 {strides = array<i32>} : memref<2000x16xf32, #tpu.memory_space<vmem>>, vector<2000x16xf32>,
    %mul3A_34 = vector.broadcast %slice3A : vector<2000x1xf32> to vector<2000x16xf32>
    %mul3A_35 = arith.mulf %dot_general3A_31, %mul3A_34 : vector<2000x16xf32>
    %jit3A = arith.constant 0 : i32
    %convert_element_type3A = arith.sitofp %jit3A : i32 to f32
    %pad3A = vector.broadcast %convert_element_type3A : f32 to vector<2000x112xf32>
    %pad3A_36 = tpu.concatenate %mul3A_35, %pad3A in 1 : vector<2000x16xf32>, vector<2000x112xf32> -> vector<2000x128xf32>
    %swap3A_37 = arith.constant 0 : index
    %swap3A_38 = arith.constant 0 : index
    %swap3A_39 = vector.load %arg9[%swap3A_37, %swap3A_38] : memref<2000x128xf32, #tpu.memory_space<vmem>>, vector<2000x128xf32>
    tpu.vector_store %arg9[%swap3A_37, %swap3A_38], %pad3A_36 {strides = array<i32>} : memref<2000x128xf32, #tpu.memory_space<vmem>>, vector<2000x128xf32>,
    return
  }
  func.func @transform_0(%arg0: i32) -> (i32, i32) {
    %c0_i32 = arith.constant 0 : i32
    %c0_i32_0 = arith.constant 0 : i32
    return %arg0, %c0_i32 : i32, i32
  }
  func.func @transform_1(%arg0: i32) -> (i32, i32) {
    %c0_i32 = arith.constant 0 : i32
    %c0_i32_0 = arith.constant 0 : i32
    return %arg0, %c0_i32 : i32, i32
  }
  func.func @transform_2(%arg0: i32) -> (i32, i32) {
    %c0_i32 = arith.constant 0 : i32
    %c0_i32_0 = arith.constant 0 : i32
    return %arg0, %c0_i32 : i32, i32
  }
  func.func @transform_3(%arg0: i32) -> (i32, i32) {
    %c0_i32 = arith.constant 0 : i32
    %c0_i32_0 = arith.constant 0 : i32
    return %arg0, %c0_i32 : i32, i32
  }
  func.func @transform_4(%arg0: i32) -> (i32, i32) {
    %c0_i32 = arith.constant 0 : i32
    %c0_i32_0 = arith.constant 0 : i32
    %c0_i32_1 = arith.constant 0 : i32
    return %c0_i32, %c0_i32_0 : i32, i32
  }
  func.func @transform_5(%arg0: i32) -> (i32, i32) {
    %c0_i32 = arith.constant 0 : i32
    %c0_i32_0 = arith.constant 0 : i32
    %c0_i32_1 = arith.constant 0 : i32
    return %c0_i32, %c0_i32_0 : i32, i32
  }
  func.func @transform_6(%arg0: i32) -> (i32, i32) {
    %c0_i32 = arith.constant 0 : i32
    %c0_i32_0 = arith.constant 0 : i32
    %c0_i32_1 = arith.constant 0 : i32
    return %c0_i32, %c0_i32_0 : i32, i32
  }
  func.func @transform_7(%arg0: i32) -> (i32, i32) {
    %c0_i32 = arith.constant 0 : i32
    %c0_i32_0 = arith.constant 0 : i32
    return %arg0, %c0_i32 : i32, i32
  }
  func.func @transform_8(%arg0: i32) -> (i32, i32) {
    %c0_i32 = arith.constant 0 : i32
    %c0_i32_0 = arith.constant 0 : i32
    return %arg0, %c0_i32 : i32, i32
  }
}

module attributes {stable_mosaic.version = 14 : i64} {
  func.func @_out_body(%arg0: i32, %arg1: memref<2000x128xf32, #tpu.memory_space<vmem>>, %arg2: memref<2000x128xf32, #tpu.memory_space<vmem>>, %arg3: memref<2000x16xf32, #tpu.memory_space<vmem>>, %arg4: memref<2000x16xf32, #tpu.memory_space<vmem>>, %arg5: memref<1x16xf32, #tpu.memory_space<vmem>>, %arg6: memref<2000x16xf32, #tpu.memory_space<vmem>>) attributes {dimension_semantics = [#tpu.dimension_semantics<arbitrary>], iteration_bounds = array<i64: 5>, scalar_prefetch = 0 : i64, scratch_operands = 0 : i64, tpu.core_type = #tpu.core_type<tc>, window_params = [{transform_indices = @transform_0, window_bounds = array<i64: 2000, 128>}, {transform_indices = @transform_1, window_bounds = array<i64: 2000, 128>}, {transform_indices = @transform_2, window_bounds = array<i64: 2000, 16>}, {transform_indices = @transform_3, window_bounds = array<i64: 2000, 16>}, {pipeline_mode = #tpu.pipeline_mode<synchronous>, transform_indices = @transform_4, window_bounds = array<i64: 1, 16>}, {transform_indices = @transform_5, window_bounds = array<i64: 2000, 16>}]} {
    %get3A = arith.constant 0 : index
    %get3A_0 = arith.constant 0 : index
    %get3A_1 = vector.load %arg4[%get3A, %get3A_0] : memref<2000x16xf32, #tpu.memory_space<vmem>>, vector<2000x16xf32>
    %slice3A = vector.extract_strided_slice %get3A_1 {offsets = [0, 0], sizes = [2000, 1], strides = [1, 1]} : vector<2000x16xf32> to vector<2000x1xf32>
    %get3A_2 = arith.constant 0 : index
    %get3A_3 = arith.constant 0 : index
    %get3A_4 = vector.load %arg1[%get3A_2, %get3A_3] : memref<2000x128xf32, #tpu.memory_space<vmem>>, vector<2000x128xf32>
    %slice3A_5 = vector.extract_strided_slice %get3A_4 {offsets = [0, 0], sizes = [2000, 16], strides = [1, 1]} : vector<2000x128xf32> to vector<2000x16xf32>
    %get3A_6 = arith.constant 0 : index
    %get3A_7 = arith.constant 0 : index
    %get3A_8 = vector.load %arg2[%get3A_6, %get3A_7] : memref<2000x128xf32, #tpu.memory_space<vmem>>, vector<2000x128xf32>
    %slice3A_9 = vector.extract_strided_slice %get3A_8 {offsets = [0, 0], sizes = [2000, 16], strides = [1, 1]} : vector<2000x128xf32> to vector<2000x16xf32>
    %add3A = arith.addf %slice3A_5, %slice3A_9 : vector<2000x16xf32>
    %mul3A = vector.broadcast %slice3A : vector<2000x1xf32> to vector<2000x16xf32>
    %mul3A_10 = arith.mulf %mul3A, %add3A : vector<2000x16xf32>
    %mul3A_11 = arith.mulf %slice3A, %slice3A : vector<2000x1xf32>
    %get3A_12 = arith.constant 0 : index
    %get3A_13 = arith.constant 0 : index
    %get3A_14 = vector.load %arg3[%get3A_12, %get3A_13] : memref<2000x16xf32, #tpu.memory_space<vmem>>, vector<2000x16xf32>
    %mul3A_15 = vector.broadcast %mul3A_11 : vector<2000x1xf32> to vector<2000x16xf32>
    %mul3A_16 = arith.mulf %mul3A_15, %get3A_14 : vector<2000x16xf32>
    %add3A_17 = arith.addf %mul3A_10, %mul3A_16 : vector<2000x16xf32>
    %get3A_18 = arith.constant 0 : index
    %get3A_19 = arith.constant 0 : index
    %get3A_20 = vector.load %arg5[%get3A_18, %get3A_19] : memref<1x16xf32, #tpu.memory_space<vmem>>, vector<1x16xf32>
    %add3A_21 = vector.broadcast %get3A_20 : vector<1x16xf32> to vector<2000x16xf32>
    %add3A_22 = arith.addf %add3A_17, %add3A_21 : vector<2000x16xf32>
    %iota3A = tpu.iota {dimensions = array<i32: 1>} : vector<2000x16xi32>
    %lt3A = arith.constant 10 : i32
    %lt3A_23 = vector.broadcast %lt3A : i32 to vector<2000x16xi32>
    %lt3A_24 = arith.cmpi slt, %iota3A, %lt3A_23 : vector<2000x16xi32>
    %jit3A = arith.constant -1.000000e+30 : f32
    %broadcast_in_dim3A = vector.broadcast %jit3A : f32 to vector<2000x16xf32>
    %select_n3A = arith.select %lt3A_24, %add3A_22, %broadcast_in_dim3A : vector<2000x16xi1>, vector<2000x16xf32>
    %reduce_max3A = arith.constant dense<0xFF800000> : vector<2000xf32>
    %reduce_max3A_25 = vector.multi_reduction <maximumf>, %select_n3A, %reduce_max3A [1] : vector<2000x16xf32> to vector<2000xf32>
    %broadcast_in_dim3A_26 = vector.shape_cast %reduce_max3A_25 : vector<2000xf32> to vector<2000x1xf32>
    %sub3A = vector.broadcast %broadcast_in_dim3A_26 : vector<2000x1xf32> to vector<2000x16xf32>
    %sub3A_27 = arith.subf %select_n3A, %sub3A : vector<2000x16xf32>
    %exp3A = math.exp %sub3A_27 : vector<2000x16xf32>
    %jit3A_28 = arith.constant 0.000000e+00 : f32
    %broadcast_in_dim3A_29 = vector.broadcast %jit3A_28 : f32 to vector<2000x16xf32>
    %select_n3A_30 = arith.select %lt3A_24, %exp3A, %broadcast_in_dim3A_29 : vector<2000x16xi1>, vector<2000x16xf32>
    %reduce_sum3A = arith.constant dense<0.000000e+00> : vector<2000xf32>
    %reduce_sum3A_31 = vector.multi_reduction <add>, %select_n3A_30, %reduce_sum3A [1] : vector<2000x16xf32> to vector<2000xf32>
    %broadcast_in_dim3A_32 = vector.shape_cast %reduce_sum3A_31 : vector<2000xf32> to vector<2000x1xf32>
    %log3A = math.log %broadcast_in_dim3A_32 : vector<2000x1xf32>
    %sub3A_33 = vector.broadcast %log3A : vector<2000x1xf32> to vector<2000x16xf32>
    %sub3A_34 = arith.subf %sub3A_27, %sub3A_33 : vector<2000x16xf32>
    %swap3A = arith.constant 0 : index
    %swap3A_35 = arith.constant 0 : index
    %swap3A_36 = vector.load %arg6[%swap3A, %swap3A_35] : memref<2000x16xf32, #tpu.memory_space<vmem>>, vector<2000x16xf32>
    tpu.vector_store %arg6[%swap3A, %swap3A_35], %sub3A_34 {strides = array<i32>} : memref<2000x16xf32, #tpu.memory_space<vmem>>, vector<2000x16xf32>,
    return
  }
  func.func @transform_0(%arg0: i32) -> (i32, i32) {
    %c0_i32 = arith.constant 0 : i32
    %c0_i32_0 = arith.constant 0 : i32
    return %arg0, %c0_i32 : i32, i32
  }
  func.func @transform_1(%arg0: i32) -> (i32, i32) {
    %c0_i32 = arith.constant 0 : i32
    %c0_i32_0 = arith.constant 0 : i32
    return %arg0, %c0_i32 : i32, i32
  }
  func.func @transform_2(%arg0: i32) -> (i32, i32) {
    %c0_i32 = arith.constant 0 : i32
    %c0_i32_0 = arith.constant 0 : i32
    return %arg0, %c0_i32 : i32, i32
  }
  func.func @transform_3(%arg0: i32) -> (i32, i32) {
    %c0_i32 = arith.constant 0 : i32
    %c0_i32_0 = arith.constant 0 : i32
    return %arg0, %c0_i32 : i32, i32
  }
  func.func @transform_4(%arg0: i32) -> (i32, i32) {
    %c0_i32 = arith.constant 0 : i32
    %c0_i32_0 = arith.constant 0 : i32
    %c0_i32_1 = arith.constant 0 : i32
    return %c0_i32, %c0_i32_0 : i32, i32
  }
  func.func @transform_5(%arg0: i32) -> (i32, i32) {
    %c0_i32 = arith.constant 0 : i32
    %c0_i32_0 = arith.constant 0 : i32
    return %arg0, %c0_i32 : i32, i32
  }
}

</mosaic_0001>

<sc_bundles>
// kernel: kernel.11.cloned.1.call-start
scs
__scs_entry_jumppad:
0x0: {  	(pc) =	sbr.rel $0x88, $3  }
0x1: {  	(tag) =	ssettag $0x0;
	lr =	simm.s32 $0x1  }
0x2: {  	[smem:$0x3F9B] =	sst lr;
	_ =	strace $0xD0000000  }
0x3: {  	_ = 	snop  }
0x4: {  	_ = 	snop  }
0x5: {  	_ = 	snop  }
0x6: {  	_ = 	snop  }
0x7: {  	_ = 	snop  }
__scs_overlays_trampoline_lowered:
0x8: {  	[smem:$0x3FAA] =	sst s0  }
0x9: {  	[smem:$0x3FAB] =	sst s1  }
0xa: {  	[smem:$0x3FAC] =	sst s2  }
0xb: {  	[smem:$0x3FAD] =	sst s3  }
0xc: {  	[smem:$0x3FAE] =	sst s4  }
0xd: {  	[smem:$0x3FAF] =	sst s5  }
0xe: {  	[smem:$0x3FB0] =	sst s6  }
0xf: {  	[smem:$0x3FB1] =	sst s7  }
0x10: {  	[smem:$0x3FB2] =	sst s8  }
0x11: {  	[smem:$0x3FB3] =	sst s9;
	s0 =	simm.s32 @!p0 $0x0  }
0x12: {  	s1 =	sld [smem:$0x3F99];
	s0 =	simm.s32 @p0 $0x1  }
0x13: {  	[smem:$0x3FB4] =	sst s0;
	s0 =	simm.s32 @!p1 $0x0  }
0x14: {  	s2 =	sld [smem:$0x3F98];
	s0 =	simm.s32 @p1 $0x1  }
0x15: {  	[smem:$0x3FB5] =	sst s0;
	s0 =	simm.s32 @!p2 $0x0  }
0x16: {  	s3 =	sld [smem:$0x3FDB];
	s0 =	simm.s32 @p2 $0x1  }
0x17: {  	s4 =	simm.s32 $0x1BF5;
	[smem:$0x3FB7] =	sst s0  }
0x18: {  	s0 =	sld [smem:$0x3F9A];
	_ =	swait.ge [sflag:s4], $0x0  }
0x19: {  	s7 =	sld [smem:$0x3F9B]  }
0x1a: {  	s8 =	sadd.s32 $0xFFFFE003, lr  }
0x1b: {  	s9 =	sadd.s32 $0xFFFFFEF7, lr;
	s5 =	simm.s32 $0xFFFFFFFF;
	p2 =	slt.u32 s8, $0xFFFFF086  }
0x1c: {  	p1 =	slt.u32 s9, $0xF7A;
	s5 =	simm.s32 @!p2 $0x0  }
0x1d: {  	s5 =	simm.s32 @p1 $0x1;
	p0 =	seq.s32 s7, s2  }
0x1e: {  	s7 =	smul.u32 @!p0 $0xF7A, s2;
	p2 =	seq.s32 @!p0 s5, $0x0  }
0x1f: {  	s9 =	smul.u32 $0xF7A, s1;
	s8 =	simm.s32 @!p0 $0x1BF5;
	p2 =	por !p2, p0  }
0x20: {  	[sflag:s8] =	ssyncset.s32 @!p0 $0xFFFFF086;
	s6 =	sadd.s32 @!p0 s3, s7;
	s7 =	simm.s32 @!p0 $0x108  }
0x21: {  	s3 =	sadd.s32 s3, s9;
	s6 =	sadd.s32 @!p0 $0x88, s6;
	s7 =	simm.s32 @p2 $0x1082  }
0x22: {  	[simem:s7], [sflag:s8] =	dma.local @!p0 [hbm:s6], $0xF7A  }
0x23: {  	s9 =	sor.u32 $0xD0000000, s2;
	s6 =	simm.s32 $0x108;
	_ =	swait.ge @!p0 [sflag:s8], $0x0  }
0x24: {  	s3 =	sadd.s32 $0x88, s3;
	s6 =	simm.s32 @!p1 $0x1082;
	[sflag:s4] =	ssyncset.s32 $0xFFFFF086  }
0x25: {  	[simem:s6], [sflag:s4] =	dma.local [hbm:s3], $0xF7A  }
0x26: {  	[smem:$0x3F9B] =	sst s1;
	(tag) =	ssettag s2;
	_ =	strace s9  }
0x27: {  	s1 =	sld [smem:$0x3FAB]  }
0x28: {  	s2 =	sld [smem:$0x3FAC]  }
0x29: {  	s4 =	sld [smem:$0x3FAE]  }
0x2a: {  	p0 =	seq.s32 s5, $0x0;
	s5 =	sld [smem:$0x3FAF]  }
0x2b: {  	s6 =	sld [smem:$0x3FB0]  }
0x2c: {  	s7 =	sld [smem:$0x3FB1]  }
0x2d: {  	s3 =	simm.s32 $0x108;
	s8 =	sld [smem:$0x3FB2]  }
0x2e: {  	s3 =	simm.s32 @!p0 $0x1082;
	s9 =	sld [smem:$0x3FB3]  }
0x2f: {  	lr =	sadd.s32 s0, s3;
	s0 =	sld [smem:$0x3FAA]  }
0x30: {  	s3 =	sld [smem:$0x3FAD]  }
0x31: {  	[smem:$0x3FB6] =	sst s10  }
0x32: {  	s10 =	sld [smem:$0x3FB4];
	_ =	sdelay $0x3  }
0x33: {  	p0 =	seq.s32 s10, $0x1;
	s10 =	sld [smem:$0x3FB6];
	_ =	sdelay $0x3  }
0x34: {  	[smem:$0x3FB6] =	sst s10  }
0x35: {  	s10 =	sld [smem:$0x3FB5];
	_ =	sdelay $0x3  }
0x36: {  	p1 =	seq.s32 s10, $0x1;
	s10 =	sld [smem:$0x3FB6];
	_ =	sdelay $0x3  }
0x37: {  	[smem:$0x3FB6] =	sst s10  }
0x38: {  	s10 =	sld [smem:$0x3FB7]  }
0x39: {  	_ = 	snop;
	(pc) =	sbr.ind lr, $3  }
0x3a: {  	_ = 	snop  }
0x3b: {  	_ = 	snop  }
0x3c: {  	p2 =	seq.s32 s10, $0x1;
	s10 =	sld [smem:$0x3FB6]  }
0x3d: {  	_ =	shalt  }
0x3e: {  	_ =	shalt  }
0x3f: {  	_ =	shalt  }
0x40: {  	_ =	shalt  }
0x41: {  	_ =	shalt  }
0x42: {  	_ =	shalt  }
0x43: {  	_ =	shalt  }
0x44: {  	_ =	shalt  }
0x45: {  	_ =	shalt  }
0x46: {  	_ =	shalt  }
0x47: {  	_ =	shalt  }
0x48: {  	_ =	shalt  }
0x49: {  	_ =	shalt  }
0x4a: {  	_ =	shalt  }
0x4b: {  	_ =	shalt  }
0x4c: {  	_ =	shalt  }
0x4d: {  	_ =	shalt  }
0x4e: {  	_ =	shalt  }
0x4f: {  	_ =	shalt  }
0x50: {  	_ =	shalt  }
0x51: {  	_ =	shalt  }
0x52: {  	_ =	shalt  }
0x53: {  	_ =	shalt  }
0x54: {  	_ =	shalt  }
0x55: {  	_ =	shalt  }
0x56: {  	_ =	shalt  }
0x57: {  	_ =	shalt  }
0x58: {  	_ =	shalt  }
0x59: {  	_ =	shalt  }
0x5a: {  	_ =	shalt  }
0x5b: {  	_ =	shalt  }
0x5c: {  	_ =	shalt  }
0x5d: {  	_ =	shalt  }
0x5e: {  	_ =	shalt  }
0x5f: {  	_ =	shalt  }
0x60: {  	_ =	shalt  }
0x61: {  	_ =	shalt  }
0x62: {  	_ =	shalt  }
0x63: {  	_ =	shalt  }
0x64: {  	_ =	shalt  }
0x65: {  	_ =	shalt  }
0x66: {  	_ =	shalt  }
0x67: {  	_ =	shalt  }
0x68: {  	_ =	shalt  }
0x69: {  	_ =	shalt  }
0x6a: {  	_ =	shalt  }
0x6b: {  	_ =	shalt  }
0x6c: {  	_ =	shalt  }
0x6d: {  	_ =	shalt  }
0x6e: {  	_ =	shalt  }
0x6f: {  	_ =	shalt  }
0x70: {  	_ =	shalt  }
0x71: {  	_ =	shalt  }
0x72: {  	_ =	shalt  }
0x73: {  	_ =	shalt  }
0x74: {  	_ =	shalt  }
0x75: {  	_ =	shalt  }
0x76: {  	_ =	shalt  }
0x77: {  	_ =	shalt  }
0x78: {  	_ =	shalt  }
0x79: {  	_ =	shalt  }
0x7a: {  	_ =	shalt  }
0x7b: {  	_ =	shalt  }
0x7c: {  	_ =	shalt  }
0x7d: {  	_ =	shalt  }
0x7e: {  	_ =	shalt  }
0x7f: {  	_ =	shalt  }
0x80: {  	_ =	shalt  }
0x81: {  	_ =	shalt  }
0x82: {  	_ =	shalt  }
0x83: {  	_ =	shalt  }
0x84: {  	_ =	shalt  }
0x85: {  	_ =	shalt  }
0x86: {  	_ =	shalt  }
0x87: {  	_ =	shalt  }
.Lfunc_end0:
.L_simem_size_0:
called_computation.1_lowered:
.L_overlay_start_0:
0x88: {  	s2 =	sld [smem:$0x3FD9]  }
0x89: {  	s3 =	sld [smem:$0x3FFE];
	_ =	sdelay $0x1  }
0x8a: {  	s1 =	srdreg.scid  }
0x8b: {  	s0 =	sand.u32 $0x1, s1  }
0x8c: {  	s16 =	sshll.u32 s0, $0xA;
	s2 =	sadd.s32 s3, s2  }
0x8d: {  	s2 =	sadd.s32 s2, s16  }
0x8e: {  	[smem:$0x3FC2] =	sst s2  }
0x8f: {  	_ = 	snop  }
0x90: {  	(tm) =	ssettm $0x1  }
0x91: {  	s17 =	sld [smem:$0x3FFB];
	_ =	sdelay $0x3  }
0x92: {  	_ =	strace s17  }
0x93: {  	s2 =	sld [smem:$0x3FFC];
	_ =	sdelay $0x3  }
0x94: {  	_ =	strace s2  }
0x95: {  	s2 =	sld [smem:$0x3FFD];
	_ =	sdelay $0x3  }
0x96: {  	_ =	strace s2  }
0x97: {  	_ =	strace $0x8FFFFFFF  }
0x98: {  	s18 =	sld [smem:$0x3FDB];
	_ =	sdelay $0x1  }
0x99: {  	s19 =	simm.s32 $_scs_section_size  }
0x9a: {  	s4 =	simm.s32 $_size__tile_overlayer_lowered;
	s5 =	simm.s32 $_tile_overlayer_lowered  }
0x9b: {  	s22 =	simm.s32 $0x1BFF;
	s21 =	sshll.u32 s5, $0x1;
	s2 =	sadd.s32 s19, s18  }
0x9c: {  	s6 =	simm.s32 $0x0;
	s20 =	sshll.u32 s4, $0x1;
	s4 =	sadd.s32 s21, s2  }
0x9d: {  	[timem:s6], [sflag:s22] =	dma.local [hbm:s4], s20  }
0x9e: {  	_ =	swait.ge [sflag:s22], s20  }
0x9f: {  	s3 =	ssub.s32 $0x0, s20;
	[sflag:s22] =	ssyncset.done $0x0  }
0xa0: {  	[sflag:s22] =	ssyncadd.s32 s3;
	_ =	sdelay $0x1  }
0xa1: {  	s23 =	simm.s32 $0x1B8B  }
0xa2: {  	_ =	swait.ge [sflag:s23], $0x1  }
0xa3: {  	[sflag:s23] =	ssyncset.done $0x0  }
0xa4: {  	s25 =	simm.s32 $0x1B8E;
	s24 =	sld [smem:$0x3FFE];
	[sflag:s23] =	ssyncadd.s32 $0xFFFFFFFF  }
0xa5: {  	s26 =	simm.s32 $execute0_lowered;
	[smem:$0x3FD2] =	sst s25  }
0xa6: {  	s4 =	sshll.u32 s26, $0x1;
	_ =	strace $0x80000049;
	[dreg:$0x1] =	wrdreg $0xFFFFFFFF  }
0xa7: {  	s28 =	simm.s32 $_size_execute0_lowered;
	s2 =	sadd.s32 s2, s4;
	[dreg:$0x0] =	wrdreg $0x0  }
0xa8: {  	s4 =	sshll.u32 s28, $0x1;
	[dreg:$0x2] =	wrdreg s2  }
0xa9: {  	[dreg:$0x3] =	wrdreg s4  }
0xaa: {  	[dreg:$0x4] =	wrdreg $0xC0  }
0xab: {  	_ =	task [dreg:s6], $0x5FFFF  }
0xac: {  	[dreg:$0x1] =	wrdreg $0xFFFFFFFF  }
0xad: {  	[dreg:$0x0] =	wrdreg $0x60  }
0xae: {  	[dreg:$0x2] =	wrdreg s24  }
0xaf: {  	[dreg:$0x3] =	wrdreg $0x8C000  }
0xb0: {  	[dreg:$0x4] =	wrdreg $0x9  }
0xb1: {  	_ =	task.clear_ibuf [dreg:s6], $0x5FFFF;
	_ =	strace $0x90000049  }
0xb2: {  	s29 =	simm.s32 $0x9;
	_ =	strace $0x8000004B  }
0xb3: {  	_ =	swait.ge [sflag:s29], $0x1  }
0xb4: {  	[sflag:s29] =	ssyncadd.s32 $0xFFFFFFFF  }
0xb5: {  	_ =	strace $0x9000004B  }
0xb6: {  	_ =	sfence  }
0xb7: {  	s30 =	sld [smem:$0x0];
	_ =	sdelay $0x2  }
0xb8: {  	s31 =	sshll.u32 s1, $0xD;
	s1 =	sshrl.u32 s1, $0x2  }
0xb9: {  	s3 =	sand.u32 $0x4000, s31;
	s1 =	sadd.s32 s1, s30  }
0xba: {  	s0 =	sor.u32 s3, s0;
	s1 =	sshll.u32 s1, $0x11  }
0xbb: {  	s0 =	sor.u32 s1, s0  }
0xbc: {  	s0 =	sadd.s32 $0x8F2B, s0  }
0xbd: {  	[sflag:s0] =	ssyncadd.remote.s32 $0x1  }
0xbe: {  	_ =	sfence.sel $0xFFFF  }
0xbf: {  	[dreg:$0x0] =	wrdreg $0xFFFFFFFF;
	(pc) =	sbr.abs _section_cstart, $3  }
0xc0: {  	[dreg:$0x1] =	wrdreg $0xFFFFFFFF  }
0xc1: {  	_ =	task.clear_ibuf [dreg:s6], $0x2FFFF;
	_ =	strace $0x9FFFFFFF  }
0xc2: {  	(tm) =	ssettm $0x7FFFFFFF  }
0xc3: {  	_ =	shalt  }
tec
execute0_lowered:
.L_overlay_start_1:
0x0: {  	(tag) =	ssettag $0x1  }
0x1: {  	s0 =	rddreg [dreg:$0x0]  }
0x2: {  	s2 =	rddreg [dreg:$0x1]  }
0x3: {  	s1 =	srdreg.scid;
	s9 =	stileid.u32  }
0x4: {  	s3 =	simm.s32 $0x0;
	s15 =	simm.s32 $0x5;
	s16 =	simm.s32 $0x100  }
0x5: {  	s18 =	simm.s32 $0x300;
	s19 =	simm.s32 $0x8400;
	s20 =	simm.s32 $0x7D  }
0x6: {  	s21 =	simm.s32 $0x400;
	s22 =	simm.s32 $0x4400;
	s23 =	simm.s32 $0x1  }
0x7: {  	s24 =	simm.s32 $0x2;
	s25 =	simm.s32 $0x4;
	s28 =	simm.s32 $0x0  }
0x8: {  	s1 =	sand.u32 $0x1, s1;
	s5 =	smul.u32 $0x13800, s9;
	s6 =	sshll.u32 s9, $0x1  }
0x9: {  	[smem:$0x7FF] =	sst s3;
	s13 =	sadd.s32 $0x59E00, s0;
	s10 =	smul.u32 $0xA000, s9  }
0xa: {  	s12 =	smul.u32 $0x4E000, s9;
	p0 =	seq.s32 s9, $0xF;
	s9 =	simm.s32 $0x28  }
0xb: {  	s4 =	smul.u32 $0x138800, s1;
	s6 =	sor.u32 s1, s6;
	_ =	strace $0x8000004A  }
0xc: {  	s7 =	ssub.s32 $0x2, s1;
	s1 =	smul.u32 $0x5000, s1;
	s9 =	simm.s32 @!p0 $0x27  }
0xd: {  	s6 =	smul.u32 $0x5000, s6;
	s29 =	sshrl.u32 s7, $0x1;
	s30 =	sshrl.u32 s12, $0x2  }
0xe: {  	s5 =	sadd.s32 s5, s4;
	s4 =	sadd.s32 $0x1C00, s0;
	s11 =	ssub.s32 s7, s29  }
0xf: {  	s1 =	sadd.s32 s1, s10;
	s10 =	sadd.s32 s30, s2;
	s5 =	sshrl.u32 s5, $0x3  }
0x10: {  	s26 =	sshrl.u32 s6, $0x3;
	s31 =	sor.u32 $0x500, s1;
	s1 =	sor.u32 $0x400, s1  }
0x11: {  	s11 =	smax.u32 s11, $0x1;
	s0 =	sadd.s32 s5, s0;
	s5 =	sadd.s32 s13, s26  }
0x12: {  	s12 =	sshrl.u32 s31, $0x3;
	s1 =	sshrl.u32 s1, $0x3;
	s26 =	simm.s32 $0x3  }
0x13: {  	s6 =	sadd.s32 $0x20, s5;
	s7 =	sadd.s32 $0x40, s5;
	s8 =	sadd.s32 $0x60, s5  }
0x14: {  	v0 =	vimm.f32 $0.0e+00;
	s12 =	sadd.s32 s12, s13;
	s13 =	sadd.s32 s1, s13;
	s14 =	sadd.s32 $0x6DE00, s0  }
.LBB2_1:
0x15: {  	[tilespmem:s3], [sflag:$0x5] =	stream.linear.gather [hbm4b:s5+s3], $0x100, $0x38;
	[tilespmem:$0x1C480] =	vst v63  }
0x16: {  	_ =	swait.ge [sflag:s15], $0x100  }
0x17: {  	[sflag:s15] =	ssyncset.done $0x0  }
0x18: {  	[sflag:s15] =	ssyncadd.s32 $0xFFFFFF00  }
0x19: {  	[tilespmem:s16], [sflag:$0x5] =	stream.linear.gather [hbm4b:s6+s3], $0x100, $0x38;
	[tilespmem:$0x1C480] =	vst v63  }
0x1a: {  	_ =	swait.ge [sflag:s15], $0x100  }
0x1b: {  	[sflag:s15] =	ssyncset.done $0x0  }
0x1c: {  	s0 =	simm.s32 $0x200;
	[sflag:s15] =	ssyncadd.s32 $0xFFFFFF00  }
0x1d: {  	[tilespmem:s0], [sflag:$0x5] =	stream.linear.gather [hbm4b:s7+s3], $0x100, $0x38;
	[tilespmem:$0x1C480] =	vst v63  }
0x1e: {  	_ =	swait.ge [sflag:s15], $0x100  }
0x1f: {  	[sflag:s15] =	ssyncset.done $0x0  }
0x20: {  	[sflag:s15] =	ssyncadd.s32 $0xFFFFFF00  }
0x21: {  	[tilespmem:s18], [sflag:$0x5] =	stream.linear.gather [hbm4b:s8+s3], $0x100, $0x38;
	[tilespmem:$0x1C480] =	vst v63  }
0x22: {  	_ =	swait.ge [sflag:s15], $0x100  }
0x23: {  	[sflag:s15] =	ssyncset.done $0x0  }
0x24: {  	s1 =	simm.s32 $0x200;
	s0 =	simm.s32 $0x0;
	[sflag:s15] =	ssyncadd.s32 $0xFFFFFF00  }
.LBB2_2:
0x25: {  	p0 =	sne.s32 s1, $0x1E00;
	[tilespmem:s0+$0x8470] =	vst v0  }
0x26: {  	[tilespmem:s0+$0x8400] =	vst v0  }
0x27: {  	[tilespmem:s0+$0x8410] =	vst v0  }
.Ltmp0:
0x28: {  	[tilespmem:s0+$0x8420] =	vst v0;
	(pc) =	sbr.rel @p0 .LBB2_2-.Ltmp0, $4  }
0x29: {  	[tilespmem:s0+$0x8430] =	vst v0  }
0x2a: {  	[tilespmem:s0+$0x8440] =	vst v0  }
0x2b: {  	[tilespmem:s0+$0x8450] =	vst v0  }
0x2c: {  	[tilespmem:s0+$0x8460] =	vst v0;
	s0 =	sshra.s32 s1, $0x2;
	s1 =	sadd.s32 $0x200, s1  }
0x2d: {  	[tilespmem:s0+$0x8470] =	vst v0  }
0x2e: {  	[tilespmem:s0+$0x8400] =	vst v0  }
0x2f: {  	[tilespmem:s0+$0x8410] =	vst v0  }
0x30: {  	[tilespmem:s0+$0x8420] =	vst v0  }
0x31: {  	[tilespmem:s0+$0x8430] =	vst v0  }
0x32: {  	[tilespmem:s0+$0x8440] =	vst v0;
	p0 =	sne.s32 s9, $0x1  }
.Ltmp1:
0x33: {  	[tilespmem:s0+$0x8450] =	vst v0;
	(pc) =	sbr.rel @!p0 .LBB2_5-.Ltmp1, $4  }
0x34: {  	[tilespmem:s0+$0x8460] =	vst v0  }
0x35: {  	[spmem:s10] =	stream.linear.scatter [tilespmem:s19], [sflag:$0x5], $0x800, $0x38;
	[tilespmem:$0x1C480] =	vst v63  }
0x36: {  	_ =	swait.ge [sflag:s15], $0x800  }
0x37: {  	s0 =	sadd.s32 $0xFFFFFFFF, s9;
	s1 =	smov.u32 s10;
	[sflag:s15] =	ssyncset.done $0x0  }
.LBB2_4:
0x38: {  	p1 =	sne.s32 s0, $0x1;
	[sflag:s15] =	ssyncadd.s32 $0xFFFFF800;
	s1 =	sadd.s32 $0x800, s1  }
.Ltmp2:
0x39: {  	s0 =	sadd.s32 $0xFFFFFFFF, s0;
	(pc) =	sbr.rel @p1 .LBB2_4-.Ltmp2, $4  }
0x3a: {  	_ = 	snop  }
0x3b: {  	[spmem:s1] =	stream.linear.scatter [tilespmem:s19], [sflag:$0x5], $0x800, $0x38;
	[tilespmem:$0x1C480] =	vst v63  }
0x3c: {  	_ =	swait.ge [sflag:s15], $0x800  }
0x3d: {  	[sflag:s15] =	ssyncset.done $0x0  }
.LBB2_5:
.Ltmp3:
0x3e: {  	[sflag:s15] =	ssyncadd.s32 $0xFFFFF800;
	(pc) =	sbr.rel .LBB2_6-.Ltmp3, $4  }
0x3f: {  	s29 =	simm.s32 $0x0;
	[bflag:$0x0] =	sbarrier.arrive $0xFFFF  }
0x40: {  	[tilespmem:s21], [sflag:$0x1] =	stream.indirect.gather [hbm4b:s4+s20], $0x80, s29, s20, $0xb8;
	[tilespmem:$0x1C480] =	vst v63  }
0x41: {  	s30 =	smov.u32 s13;
	s31 =	smov.u32 s12;
	s0 =	simm.s32 $0x0  }
0x42: {  	[tilespmem:s22], [sflag:$0x2] =	stream.indirect.gather [hbm4b:s4+s20], $0x80, s16, s20, $0xb8;
	[tilespmem:$0x1C480] =	vst v63  }
.LBB2_13:
0x43: {  	s0 =	sadd.s32 $0x1, s0  }
0x44: {  	p1 =	sne.s32 s0, $0x28  }
.Ltmp4:
0x45: {  	_ = 	snop;
	(pc) =	sbr.rel @!p1 .LBB2_14-.Ltmp4, $4  }
0x46: {  	_ = 	snop  }
0x47: {  	s1 =	sadd.s32 $0x300, s29;
	s31 =	sadd.s32 $0x40, s31  }
0x48: {  	s30 =	sadd.s32 $0x40, s30;
	s29 =	sadd.s32 $0x200, s29;
	s1 =	sand.u32 $0x300, s1  }
0x49: {  	[tilespmem:s22], [sflag:$0x2] =	stream.indirect.gather [hbm4b:s4+s20], $0x80, s1, s20, $0xb8;
	[tilespmem:$0x1C480] =	vst v63  }
.LBB2_6:
0x4a: {  	_ =	swait.ge [sflag:s23], $0x3E80  }
0x4b: {  	s1 =	sand.u32 $0x200, s29;
	[sflag:s23] =	ssyncset.done $0x0  }
0x4c: {  	p2 =	seq.s32 s0, $0x0;
	s17 =	sor.u32 $0x80, s1;
	[sflag:s23] =	ssyncadd.s32 $0xFFFFC180  }
0x4d: {  	[spmem:s2] =	stream.indirect.scatter.add.f32 [tilespmem:s21], [sflag:$0x5], $0x80, s17, s20, $0xb8;
	[tilespmem:$0x1C480] =	vst v63  }
.Ltmp5:
0x4e: {  	_ = 	snop;
	(pc) =	sbr.rel @p2 .LBB2_9-.Ltmp5, $4  }
0x4f: {  	_ =	swait.ge [sflag:s15], $0x3E80  }
0x50: {  	p1 =	sgt.u32 s0, $0x25;
	[sflag:s15] =	ssyncset.done $0x0  }
0x51: {  	s17 =	simm.s32 @!p1 $0x0;
	[sflag:s15] =	ssyncadd.s32 $0xFFFFC180  }
0x52: {  	[tilespmem:s1], [sflag:$0x3] =	stream.linear.gather @!p1 [hbm4b:s30+s17], $0x100, $0x38;
	[tilespmem:$0x1C480] =	vst v63  }
0x53: {  	p3 =	seq.s32 s0, $0x27  }
.Ltmp6:
0x54: {  	_ = 	snop;
	(pc) =	sbr.rel @p3 .LBB2_10-.Ltmp6, $1  }
0x55: {  	_ =	sdelay $0x3  }
0x56: {  	_ =	swait.ge [sflag:s26], $0x100  }
0x57: {  	[sflag:s26] =	ssyncset.done $0x0  }
0x58: {  	[sflag:s26] =	ssyncadd.s32 $0xFFFFFF00  }
.LBB2_9:
0x59: {  	s17 =	sxor.u32 $0x200, s1  }
0x5a: {  	[tilespmem:s21], [sflag:$0x1] =	stream.indirect.gather [hbm4b:s4+s20], $0x80, s17, s20, $0xb8;
	[tilespmem:$0x1C480] =	vst v63  }
.LBB2_10:
0x5b: {  	_ =	swait.ge [sflag:s24], $0x3E80  }
0x5c: {  	[sflag:s24] =	ssyncset.done $0x0  }
0x5d: {  	s17 =	sadd.s32 $0x180, s1;
	[sflag:s24] =	ssyncadd.s32 $0xFFFFC180  }
0x5e: {  	[spmem:s2] =	stream.indirect.scatter.add.f32 [tilespmem:s22], [sflag:$0x5], $0x80, s17, s20, $0xb8;
	[tilespmem:$0x1C480] =	vst v63  }
.Ltmp7:
0x5f: {  	_ = 	snop;
	(pc) =	sbr.rel @p2 .LBB2_13-.Ltmp7, $4  }
0x60: {  	_ =	swait.ge [sflag:s15], $0x3E80  }
0x61: {  	[sflag:s15] =	ssyncset.done $0x0  }
0x62: {  	s1 =	sadd.s32 @!p1 $0x100, s1;
	s17 =	simm.s32 @!p1 $0x0;
	[sflag:s15] =	ssyncadd.s32 $0xFFFFC180  }
0x63: {  	[tilespmem:s1], [sflag:$0x4] =	stream.linear.gather @!p1 [hbm4b:s31+s17], $0x100, $0x38;
	[tilespmem:$0x1C480] =	vst v63  }
0x64: {  	p1 =	seq.s32 s0, $0x27  }
.Ltmp8:
0x65: {  	_ = 	snop;
	(pc) =	sbr.rel @p1 .LBB2_14-.Ltmp8, $1  }
0x66: {  	_ =	sdelay $0x3  }
.Ltmp9:
0x67: {  	(pc) =	sbr.rel .LBB2_13-.Ltmp9, $4  }
0x68: {  	_ = 	snop  }
0x69: {  	_ =	swait.ge [sflag:s25], $0x100  }
0x6a: {  	[sflag:s25] =	ssyncset.done $0x0  }
0x6b: {  	[sflag:s25] =	ssyncadd.s32 $0xFFFFFF00  }
.LBB2_14:
.Ltmp10:
0x6c: {  	s0 =	stileid.u32;
	(pc) =	sbr.rel @!p0 .LBB2_16-.Ltmp10, $4  }
0x6d: {  	[bflag:$0x0] =	sbarrier.arrive $0xFFFF;
	s0 =	sshll.u32 s0, $0x6  }
0x6e: {  	s1 =	sshrl.u32 s10, $0x3;
	s29 =	sadd.s32 $0x100, s14;
	s0 =	sor.u32 $0x1C05, s0  }
0x6f: {  	[hbm:s14], [sflag:s0] =	dma.local [spmem:s1], $0x100  }
0x70: {  	s30 =	smov.u32 s10;
	s1 =	sadd.s32 $0xFFFFFFFF, s9;
	_ =	swait.ge [sflag:s15], $0x100  }
.LBB2_15:
0x71: {  	[sflag:s15] =	ssyncset.done $0x0;
	s30 =	sadd.s32 $0x800, s30;
	p0 =	sne.s32 s1, $0x1  }
.Ltmp11:
0x72: {  	s17 =	sshrl.u32 s30, $0x3;
	[sflag:s15] =	ssyncadd.s32 $0xFFFFFF00;
	(pc) =	sbr.rel @p0 .LBB2_15-.Ltmp11, $3  }
0x73: {  	[hbm:s29], [sflag:s0] =	dma.local [spmem:s17], $0x100  }
0x74: {  	s1 =	sadd.s32 $0xFFFFFFFF, s1;
	_ =	sdelay $0x1  }
0x75: {  	s29 =	sadd.s32 $0x100, s29;
	_ =	swait.ge [sflag:s15], $0x100  }
.LBB2_16:
0x76: {  	s28 =	sadd.s32 $0x1, s28  }
0x77: {  	p0 =	sne.s32 s28, s11  }
.Ltmp12:
0x78: {  	_ = 	snop;
	(pc) =	sbr.rel @p0 .LBB2_1-.Ltmp12, $3  }
0x79: {  	_ =	sdelay $0x1  }
0x7a: {  	[sflag:s15] =	ssyncset.done $0x0  }
0x7b: {  	[sflag:s15] =	ssyncadd.s32 $0xFFFFFF00  }
0x7c: {  	_ =	sfence.sel $0x180000  }
0x7d: {  	[bflag:$0x0] =	sbarrier.arrive $0xFFFF  }
0x7e: {  	_ =	strace $0x9000004A  }
0x7f: {  	s0 =	stileid.u32;
	[bflag:$0x2] =	sbarrier.arrive $0xFFFF  }
0x80: {  	p0 =	sne.s32 s0, $0x0;
	s0 =	rddreg [dreg:$0x2]  }
0x81: {  	s0 =	sadd.s32 @!p0 $0x100000, s0  }
0x82: {  	[sflag:s0] =	ssyncadd.tile.s32 @!p0 $0x1;
	_ =	shalt  }
.Lfunc_end2:
_tile_overlayer_lowered:
.L_overlay_start_2:
0x83: {  	(tag) =	ssettag $0x2  }
0x84: {  	s0 =	rddreg [dreg:$0x0];
	s2 =	stileid.u32  }
0x85: {  	s1 =	rddreg [dreg:$0x1];
	p0 =	sne.s32 s2, $0x0  }
0x86: {  	s3 =	rddreg [dreg:$0x2];
	[bflag:$0x3] =	sbarrier.arrive $0xFFFF;
	s2 =	simm.s32 @!p0 $0x1C05  }
0x87: {  	[timem:s3], [sflag:s2] =	dma.local @!p0 [hbm:s0], s1  }
0x88: {  	s0 =	simm.s32 @!p0 $0x5  }
0x89: {  	_ =	swait.ge @!p0 [sflag:s0], s1  }
0x8a: {  	s1 =	ssub.s32 @!p0 $0x0, s1;
	[sflag:s0] =	ssyncset.done @!p0 $0x0  }
0x8b: {  	[sflag:s0] =	ssyncadd.s32 @!p0 s1  }
0x8c: {  	[bflag:$0x3] =	sbarrier.arrive $0xFFFF  }
0x8d: {  	_ =	shalt  }

// kernel: kernel.14.cloned.1.call-start
scs
__scs_entry_jumppad:
0x0: {  	(pc) =	sbr.rel $0x88, $3  }
0x1: {  	(tag) =	ssettag $0x0;
	lr =	simm.s32 $0x1  }
0x2: {  	[smem:$0x3F9B] =	sst lr;
	_ =	strace $0xD0000000  }
0x3: {  	_ = 	snop  }
0x4: {  	_ = 	snop  }
0x5: {  	_ = 	snop  }
0x6: {  	_ = 	snop  }
0x7: {  	_ = 	snop  }
__scs_overlays_trampoline_lowered:
0x8: {  	[smem:$0x3FAA] =	sst s0  }
0x9: {  	[smem:$0x3FAB] =	sst s1  }
0xa: {  	[smem:$0x3FAC] =	sst s2  }
0xb: {  	[smem:$0x3FAD] =	sst s3  }
0xc: {  	[smem:$0x3FAE] =	sst s4  }
0xd: {  	[smem:$0x3FAF] =	sst s5  }
0xe: {  	[smem:$0x3FB0] =	sst s6  }
0xf: {  	[smem:$0x3FB1] =	sst s7  }
0x10: {  	[smem:$0x3FB2] =	sst s8  }
0x11: {  	[smem:$0x3FB3] =	sst s9;
	s0 =	simm.s32 @!p0 $0x0  }
0x12: {  	s1 =	sld [smem:$0x3F99];
	s0 =	simm.s32 @p0 $0x1  }
0x13: {  	[smem:$0x3FB4] =	sst s0;
	s0 =	simm.s32 @!p1 $0x0  }
0x14: {  	s2 =	sld [smem:$0x3F98];
	s0 =	simm.s32 @p1 $0x1  }
0x15: {  	[smem:$0x3FB5] =	sst s0;
	s0 =	simm.s32 @!p2 $0x0  }
0x16: {  	s3 =	sld [smem:$0x3FDB];
	s0 =	simm.s32 @p2 $0x1  }
0x17: {  	s4 =	simm.s32 $0x1BF5;
	[smem:$0x3FB7] =	sst s0  }
0x18: {  	s0 =	sld [smem:$0x3F9A];
	_ =	swait.ge [sflag:s4], $0x0  }
0x19: {  	s7 =	sld [smem:$0x3F9B]  }
0x1a: {  	s8 =	sadd.s32 $0xFFFFE003, lr  }
0x1b: {  	s9 =	sadd.s32 $0xFFFFFEF7, lr;
	s5 =	simm.s32 $0xFFFFFFFF;
	p2 =	slt.u32 s8, $0xFFFFF086  }
0x1c: {  	p1 =	slt.u32 s9, $0xF7A;
	s5 =	simm.s32 @!p2 $0x0  }
0x1d: {  	s5 =	simm.s32 @p1 $0x1;
	p0 =	seq.s32 s7, s2  }
0x1e: {  	s7 =	smul.u32 @!p0 $0xF7A, s2;
	p2 =	seq.s32 @!p0 s5, $0x0  }
0x1f: {  	s9 =	smul.u32 $0xF7A, s1;
	s8 =	simm.s32 @!p0 $0x1BF5;
	p2 =	por !p2, p0  }
0x20: {  	[sflag:s8] =	ssyncset.s32 @!p0 $0xFFFFF086;
	s6 =	sadd.s32 @!p0 s3, s7;
	s7 =	simm.s32 @!p0 $0x108  }
0x21: {  	s3 =	sadd.s32 s3, s9;
	s6 =	sadd.s32 @!p0 $0x88, s6;
	s7 =	simm.s32 @p2 $0x1082  }
0x22: {  	[simem:s7], [sflag:s8] =	dma.local @!p0 [hbm:s6], $0xF7A  }
0x23: {  	s9 =	sor.u32 $0xD0000000, s2;
	s6 =	simm.s32 $0x108;
	_ =	swait.ge @!p0 [sflag:s8], $0x0  }
0x24: {  	s3 =	sadd.s32 $0x88, s3;
	s6 =	simm.s32 @!p1 $0x1082;
	[sflag:s4] =	ssyncset.s32 $0xFFFFF086  }
0x25: {  	[simem:s6], [sflag:s4] =	dma.local [hbm:s3], $0xF7A  }
0x26: {  	[smem:$0x3F9B] =	sst s1;
	(tag) =	ssettag s2;
	_ =	strace s9  }
0x27: {  	s1 =	sld [smem:$0x3FAB]  }
0x28: {  	s2 =	sld [smem:$0x3FAC]  }
0x29: {  	s4 =	sld [smem:$0x3FAE]  }
0x2a: {  	p0 =	seq.s32 s5, $0x0;
	s5 =	sld [smem:$0x3FAF]  }
0x2b: {  	s6 =	sld [smem:$0x3FB0]  }
0x2c: {  	s7 =	sld [smem:$0x3FB1]  }
0x2d: {  	s3 =	simm.s32 $0x108;
	s8 =	sld [smem:$0x3FB2]  }
0x2e: {  	s3 =	simm.s32 @!p0 $0x1082;
	s9 =	sld [smem:$0x3FB3]  }
0x2f: {  	lr =	sadd.s32 s0, s3;
	s0 =	sld [smem:$0x3FAA]  }
0x30: {  	s3 =	sld [smem:$0x3FAD]  }
0x31: {  	[smem:$0x3FB6] =	sst s10  }
0x32: {  	s10 =	sld [smem:$0x3FB4];
	_ =	sdelay $0x3  }
0x33: {  	p0 =	seq.s32 s10, $0x1;
	s10 =	sld [smem:$0x3FB6];
	_ =	sdelay $0x3  }
0x34: {  	[smem:$0x3FB6] =	sst s10  }
0x35: {  	s10 =	sld [smem:$0x3FB5];
	_ =	sdelay $0x3  }
0x36: {  	p1 =	seq.s32 s10, $0x1;
	s10 =	sld [smem:$0x3FB6];
	_ =	sdelay $0x3  }
0x37: {  	[smem:$0x3FB6] =	sst s10  }
0x38: {  	s10 =	sld [smem:$0x3FB7]  }
0x39: {  	_ = 	snop;
	(pc) =	sbr.ind lr, $3  }
0x3a: {  	_ = 	snop  }
0x3b: {  	_ = 	snop  }
0x3c: {  	p2 =	seq.s32 s10, $0x1;
	s10 =	sld [smem:$0x3FB6]  }
0x3d: {  	_ =	shalt  }
0x3e: {  	_ =	shalt  }
0x3f: {  	_ =	shalt  }
0x40: {  	_ =	shalt  }
0x41: {  	_ =	shalt  }
0x42: {  	_ =	shalt  }
0x43: {  	_ =	shalt  }
0x44: {  	_ =	shalt  }
0x45: {  	_ =	shalt  }
0x46: {  	_ =	shalt  }
0x47: {  	_ =	shalt  }
0x48: {  	_ =	shalt  }
0x49: {  	_ =	shalt  }
0x4a: {  	_ =	shalt  }
0x4b: {  	_ =	shalt  }
0x4c: {  	_ =	shalt  }
0x4d: {  	_ =	shalt  }
0x4e: {  	_ =	shalt  }
0x4f: {  	_ =	shalt  }
0x50: {  	_ =	shalt  }
0x51: {  	_ =	shalt  }
0x52: {  	_ =	shalt  }
0x53: {  	_ =	shalt  }
0x54: {  	_ =	shalt  }
0x55: {  	_ =	shalt  }
0x56: {  	_ =	shalt  }
0x57: {  	_ =	shalt  }
0x58: {  	_ =	shalt  }
0x59: {  	_ =	shalt  }
0x5a: {  	_ =	shalt  }
0x5b: {  	_ =	shalt  }
0x5c: {  	_ =	shalt  }
0x5d: {  	_ =	shalt  }
0x5e: {  	_ =	shalt  }
0x5f: {  	_ =	shalt  }
0x60: {  	_ =	shalt  }
0x61: {  	_ =	shalt  }
0x62: {  	_ =	shalt  }
0x63: {  	_ =	shalt  }
0x64: {  	_ =	shalt  }
0x65: {  	_ =	shalt  }
0x66: {  	_ =	shalt  }
0x67: {  	_ =	shalt  }
0x68: {  	_ =	shalt  }
0x69: {  	_ =	shalt  }
0x6a: {  	_ =	shalt  }
0x6b: {  	_ =	shalt  }
0x6c: {  	_ =	shalt  }
0x6d: {  	_ =	shalt  }
0x6e: {  	_ =	shalt  }
0x6f: {  	_ =	shalt  }
0x70: {  	_ =	shalt  }
0x71: {  	_ =	shalt  }
0x72: {  	_ =	shalt  }
0x73: {  	_ =	shalt  }
0x74: {  	_ =	shalt  }
0x75: {  	_ =	shalt  }
0x76: {  	_ =	shalt  }
0x77: {  	_ =	shalt  }
0x78: {  	_ =	shalt  }
0x79: {  	_ =	shalt  }
0x7a: {  	_ =	shalt  }
0x7b: {  	_ =	shalt  }
0x7c: {  	_ =	shalt  }
0x7d: {  	_ =	shalt  }
0x7e: {  	_ =	shalt  }
0x7f: {  	_ =	shalt  }
0x80: {  	_ =	shalt  }
0x81: {  	_ =	shalt  }
0x82: {  	_ =	shalt  }
0x83: {  	_ =	shalt  }
0x84: {  	_ =	shalt  }
0x85: {  	_ =	shalt  }
0x86: {  	_ =	shalt  }
0x87: {  	_ =	shalt  }
.Lfunc_end0:
.L_simem_size_0:
called_computation.2_lowered:
.L_overlay_start_0:
0x88: {  	s2 =	sld [smem:$0x3FD9]  }
0x89: {  	s3 =	sld [smem:$0x3FFE];
	_ =	sdelay $0x1  }
0x8a: {  	s1 =	srdreg.scid  }
0x8b: {  	s0 =	sand.u32 $0x1, s1  }
0x8c: {  	s16 =	sshll.u32 s0, $0xA;
	s2 =	sadd.s32 s3, s2  }
0x8d: {  	s2 =	sadd.s32 s2, s16  }
0x8e: {  	[smem:$0x3FC2] =	sst s2  }
0x8f: {  	_ = 	snop  }
0x90: {  	(tm) =	ssettm $0x1  }
0x91: {  	s17 =	sld [smem:$0x3FFB];
	_ =	sdelay $0x3  }
0x92: {  	_ =	strace s17  }
0x93: {  	s2 =	sld [smem:$0x3FFC];
	_ =	sdelay $0x3  }
0x94: {  	_ =	strace s2  }
0x95: {  	s2 =	sld [smem:$0x3FFD];
	_ =	sdelay $0x3  }
0x96: {  	_ =	strace s2  }
0x97: {  	_ =	strace $0x8FFFFFFF  }
0x98: {  	s18 =	sld [smem:$0x3FDB];
	_ =	sdelay $0x1  }
0x99: {  	s19 =	simm.s32 $_scs_section_size  }
0x9a: {  	s4 =	simm.s32 $_size__tile_overlayer_lowered;
	s5 =	simm.s32 $_tile_overlayer_lowered  }
0x9b: {  	s22 =	simm.s32 $0x1BFF;
	s21 =	sshll.u32 s5, $0x1;
	s2 =	sadd.s32 s19, s18  }
0x9c: {  	s6 =	simm.s32 $0x0;
	s20 =	sshll.u32 s4, $0x1;
	s4 =	sadd.s32 s21, s2  }
0x9d: {  	[timem:s6], [sflag:s22] =	dma.local [hbm:s4], s20  }
0x9e: {  	_ =	swait.ge [sflag:s22], s20  }
0x9f: {  	s3 =	ssub.s32 $0x0, s20;
	[sflag:s22] =	ssyncset.done $0x0  }
0xa0: {  	[sflag:s22] =	ssyncadd.s32 s3;
	_ =	sdelay $0x1  }
0xa1: {  	s23 =	simm.s32 $0x1B8B  }
0xa2: {  	_ =	swait.ge [sflag:s23], $0x1  }
0xa3: {  	[sflag:s23] =	ssyncset.done $0x0  }
0xa4: {  	s25 =	simm.s32 $0x1B8E;
	s24 =	sld [smem:$0x3FFE];
	[sflag:s23] =	ssyncadd.s32 $0xFFFFFFFF  }
0xa5: {  	s26 =	simm.s32 $execute0_lowered;
	[smem:$0x3FD2] =	sst s25  }
0xa6: {  	s4 =	sshll.u32 s26, $0x1;
	_ =	strace $0x8000004C;
	[dreg:$0x1] =	wrdreg $0xFFFFFFFF  }
0xa7: {  	s28 =	simm.s32 $_size_execute0_lowered;
	s2 =	sadd.s32 s2, s4;
	[dreg:$0x0] =	wrdreg $0x0  }
0xa8: {  	s4 =	sshll.u32 s28, $0x1;
	[dreg:$0x2] =	wrdreg s2  }
0xa9: {  	[dreg:$0x3] =	wrdreg s4  }
0xaa: {  	[dreg:$0x4] =	wrdreg $0xC0  }
0xab: {  	_ =	task [dreg:s6], $0x5FFFF  }
0xac: {  	[dreg:$0x1] =	wrdreg $0xFFFFFFFF  }
0xad: {  	[dreg:$0x0] =	wrdreg $0x60  }
0xae: {  	[dreg:$0x2] =	wrdreg s24  }
0xaf: {  	[dreg:$0x3] =	wrdreg $0x8C000  }
0xb0: {  	[dreg:$0x4] =	wrdreg $0x9  }
0xb1: {  	_ =	task.clear_ibuf [dreg:s6], $0x5FFFF;
	_ =	strace $0x9000004C  }
0xb2: {  	s29 =	simm.s32 $0x9;
	_ =	strace $0x8000004E  }
0xb3: {  	_ =	swait.ge [sflag:s29], $0x1  }
0xb4: {  	[sflag:s29] =	ssyncadd.s32 $0xFFFFFFFF  }
0xb5: {  	_ =	strace $0x9000004E  }
0xb6: {  	_ =	sfence  }
0xb7: {  	s30 =	sld [smem:$0x0];
	_ =	sdelay $0x2  }
0xb8: {  	s31 =	sshll.u32 s1, $0xD;
	s1 =	sshrl.u32 s1, $0x2  }
0xb9: {  	s3 =	sand.u32 $0x4000, s31;
	s1 =	sadd.s32 s1, s30  }
0xba: {  	s0 =	sor.u32 s3, s0;
	s1 =	sshll.u32 s1, $0x11  }
0xbb: {  	s0 =	sor.u32 s1, s0  }
0xbc: {  	s0 =	sadd.s32 $0x8F2B, s0  }
0xbd: {  	[sflag:s0] =	ssyncadd.remote.s32 $0x1  }
0xbe: {  	_ =	sfence.sel $0xFFFF  }
0xbf: {  	[dreg:$0x0] =	wrdreg $0xFFFFFFFF;
	(pc) =	sbr.abs _section_cstart, $3  }
0xc0: {  	[dreg:$0x1] =	wrdreg $0xFFFFFFFF  }
0xc1: {  	_ =	task.clear_ibuf [dreg:s6], $0x2FFFF;
	_ =	strace $0x9FFFFFFF  }
0xc2: {  	(tm) =	ssettm $0x7FFFFFFF  }
0xc3: {  	_ =	shalt  }
tec
execute0_lowered:
.L_overlay_start_1:
0x0: {  	(tag) =	ssettag $0x1  }
0x1: {  	s0 =	rddreg [dreg:$0x0]  }
0x2: {  	s2 =	rddreg [dreg:$0x1]  }
0x3: {  	s1 =	srdreg.scid;
	s9 =	stileid.u32  }
0x4: {  	s3 =	simm.s32 $0x0;
	s15 =	simm.s32 $0x5;
	s16 =	simm.s32 $0x100  }
0x5: {  	s18 =	simm.s32 $0x300;
	s19 =	simm.s32 $0x8400;
	s20 =	simm.s32 $0x7D  }
0x6: {  	s21 =	simm.s32 $0x400;
	s22 =	simm.s32 $0x4400;
	s23 =	simm.s32 $0x1  }
0x7: {  	s24 =	simm.s32 $0x2;
	s25 =	simm.s32 $0x4;
	s28 =	simm.s32 $0x0  }
0x8: {  	s1 =	sand.u32 $0x1, s1;
	s5 =	smul.u32 $0x13800, s9;
	s6 =	sshll.u32 s9, $0x1  }
0x9: {  	[smem:$0x7FF] =	sst s3;
	s13 =	sadd.s32 $0x59E00, s0;
	s10 =	smul.u32 $0xA000, s9  }
0xa: {  	s12 =	smul.u32 $0x4E000, s9;
	p0 =	seq.s32 s9, $0xF;
	s9 =	simm.s32 $0x28  }
0xb: {  	s4 =	smul.u32 $0x138800, s1;
	s6 =	sor.u32 s1, s6;
	_ =	strace $0x8000004D  }
0xc: {  	s7 =	ssub.s32 $0x2, s1;
	s1 =	smul.u32 $0x5000, s1;
	s9 =	simm.s32 @!p0 $0x27  }
0xd: {  	s6 =	smul.u32 $0x5000, s6;
	s29 =	sshrl.u32 s7, $0x1;
	s30 =	sshrl.u32 s12, $0x2  }
0xe: {  	s5 =	sadd.s32 s5, s4;
	s4 =	sadd.s32 $0x1C00, s0;
	s11 =	ssub.s32 s7, s29  }
0xf: {  	s1 =	sadd.s32 s1, s10;
	s10 =	sadd.s32 s30, s2;
	s5 =	sshrl.u32 s5, $0x3  }
0x10: {  	s26 =	sshrl.u32 s6, $0x3;
	s31 =	sor.u32 $0x500, s1;
	s1 =	sor.u32 $0x400, s1  }
0x11: {  	s11 =	smax.u32 s11, $0x1;
	s0 =	sadd.s32 s5, s0;
	s5 =	sadd.s32 s13, s26  }
0x12: {  	s12 =	sshrl.u32 s31, $0x3;
	s1 =	sshrl.u32 s1, $0x3;
	s26 =	simm.s32 $0x3  }
0x13: {  	s6 =	sadd.s32 $0x20, s5;
	s7 =	sadd.s32 $0x40, s5;
	s8 =	sadd.s32 $0x60, s5  }
0x14: {  	v0 =	vimm.f32 $0.0e+00;
	s12 =	sadd.s32 s12, s13;
	s13 =	sadd.s32 s1, s13;
	s14 =	sadd.s32 $0x6DE00, s0  }
.LBB2_1:
0x15: {  	[tilespmem:s3], [sflag:$0x5] =	stream.linear.gather [hbm4b:s5+s3], $0x100, $0x38;
	[tilespmem:$0x1C480] =	vst v63  }
0x16: {  	_ =	swait.ge [sflag:s15], $0x100  }
0x17: {  	[sflag:s15] =	ssyncset.done $0x0  }
0x18: {  	[sflag:s15] =	ssyncadd.s32 $0xFFFFFF00  }
0x19: {  	[tilespmem:s16], [sflag:$0x5] =	stream.linear.gather [hbm4b:s6+s3], $0x100, $0x38;
	[tilespmem:$0x1C480] =	vst v63  }
0x1a: {  	_ =	swait.ge [sflag:s15], $0x100  }
0x1b: {  	[sflag:s15] =	ssyncset.done $0x0  }
0x1c: {  	s0 =	simm.s32 $0x200;
	[sflag:s15] =	ssyncadd.s32 $0xFFFFFF00  }
0x1d: {  	[tilespmem:s0], [sflag:$0x5] =	stream.linear.gather [hbm4b:s7+s3], $0x100, $0x38;
	[tilespmem:$0x1C480] =	vst v63  }
0x1e: {  	_ =	swait.ge [sflag:s15], $0x100  }
0x1f: {  	[sflag:s15] =	ssyncset.done $0x0  }
0x20: {  	[sflag:s15] =	ssyncadd.s32 $0xFFFFFF00  }
0x21: {  	[tilespmem:s18], [sflag:$0x5] =	stream.linear.gather [hbm4b:s8+s3], $0x100, $0x38;
	[tilespmem:$0x1C480] =	vst v63  }
0x22: {  	_ =	swait.ge [sflag:s15], $0x100  }
0x23: {  	[sflag:s15] =	ssyncset.done $0x0  }
0x24: {  	s1 =	simm.s32 $0x200;
	s0 =	simm.s32 $0x0;
	[sflag:s15] =	ssyncadd.s32 $0xFFFFFF00  }
.LBB2_2:
0x25: {  	p0 =	sne.s32 s1, $0x1E00;
	[tilespmem:s0+$0x8470] =	vst v0  }
0x26: {  	[tilespmem:s0+$0x8400] =	vst v0  }
0x27: {  	[tilespmem:s0+$0x8410] =	vst v0  }
.Ltmp0:
0x28: {  	[tilespmem:s0+$0x8420] =	vst v0;
	(pc) =	sbr.rel @p0 .LBB2_2-.Ltmp0, $4  }
0x29: {  	[tilespmem:s0+$0x8430] =	vst v0  }
0x2a: {  	[tilespmem:s0+$0x8440] =	vst v0  }
0x2b: {  	[tilespmem:s0+$0x8450] =	vst v0  }
0x2c: {  	[tilespmem:s0+$0x8460] =	vst v0;
	s0 =	sshra.s32 s1, $0x2;
	s1 =	sadd.s32 $0x200, s1  }
0x2d: {  	[tilespmem:s0+$0x8470] =	vst v0  }
0x2e: {  	[tilespmem:s0+$0x8400] =	vst v0  }
0x2f: {  	[tilespmem:s0+$0x8410] =	vst v0  }
0x30: {  	[tilespmem:s0+$0x8420] =	vst v0  }
0x31: {  	[tilespmem:s0+$0x8430] =	vst v0  }
0x32: {  	[tilespmem:s0+$0x8440] =	vst v0;
	p0 =	sne.s32 s9, $0x1  }
.Ltmp1:
0x33: {  	[tilespmem:s0+$0x8450] =	vst v0;
	(pc) =	sbr.rel @!p0 .LBB2_5-.Ltmp1, $4  }
0x34: {  	[tilespmem:s0+$0x8460] =	vst v0  }
0x35: {  	[spmem:s10] =	stream.linear.scatter [tilespmem:s19], [sflag:$0x5], $0x800, $0x38;
	[tilespmem:$0x1C480] =	vst v63  }
0x36: {  	_ =	swait.ge [sflag:s15], $0x800  }
0x37: {  	s0 =	sadd.s32 $0xFFFFFFFF, s9;
	s1 =	smov.u32 s10;
	[sflag:s15] =	ssyncset.done $0x0  }
.LBB2_4:
0x38: {  	p1 =	sne.s32 s0, $0x1;
	[sflag:s15] =	ssyncadd.s32 $0xFFFFF800;
	s1 =	sadd.s32 $0x800, s1  }
.Ltmp2:
0x39: {  	s0 =	sadd.s32 $0xFFFFFFFF, s0;
	(pc) =	sbr.rel @p1 .LBB2_4-.Ltmp2, $4  }
0x3a: {  	_ = 	snop  }
0x3b: {  	[spmem:s1] =	stream.linear.scatter [tilespmem:s19], [sflag:$0x5], $0x800, $0x38;
	[tilespmem:$0x1C480] =	vst v63  }
0x3c: {  	_ =	swait.ge [sflag:s15], $0x800  }
0x3d: {  	[sflag:s15] =	ssyncset.done $0x0  }
.LBB2_5:
.Ltmp3:
0x3e: {  	[sflag:s15] =	ssyncadd.s32 $0xFFFFF800;
	(pc) =	sbr.rel .LBB2_6-.Ltmp3, $4  }
0x3f: {  	s29 =	simm.s32 $0x0;
	[bflag:$0x0] =	sbarrier.arrive $0xFFFF  }
0x40: {  	[tilespmem:s21], [sflag:$0x1] =	stream.indirect.gather [hbm4b:s4+s20], $0x80, s29, s20, $0xb8;
	[tilespmem:$0x1C480] =	vst v63  }
0x41: {  	s30 =	smov.u32 s13;
	s31 =	smov.u32 s12;
	s0 =	simm.s32 $0x0  }
0x42: {  	[tilespmem:s22], [sflag:$0x2] =	stream.indirect.gather [hbm4b:s4+s20], $0x80, s16, s20, $0xb8;
	[tilespmem:$0x1C480] =	vst v63  }
.LBB2_13:
0x43: {  	s0 =	sadd.s32 $0x1, s0  }
0x44: {  	p1 =	sne.s32 s0, $0x28  }
.Ltmp4:
0x45: {  	_ = 	snop;
	(pc) =	sbr.rel @!p1 .LBB2_14-.Ltmp4, $4  }
0x46: {  	_ = 	snop  }
0x47: {  	s1 =	sadd.s32 $0x300, s29;
	s31 =	sadd.s32 $0x40, s31  }
0x48: {  	s30 =	sadd.s32 $0x40, s30;
	s29 =	sadd.s32 $0x200, s29;
	s1 =	sand.u32 $0x300, s1  }
0x49: {  	[tilespmem:s22], [sflag:$0x2] =	stream.indirect.gather [hbm4b:s4+s20], $0x80, s1, s20, $0xb8;
	[tilespmem:$0x1C480] =	vst v63  }
.LBB2_6:
0x4a: {  	_ =	swait.ge [sflag:s23], $0x3E80  }
0x4b: {  	s1 =	sand.u32 $0x200, s29;
	[sflag:s23] =	ssyncset.done $0x0  }
0x4c: {  	p2 =	seq.s32 s0, $0x0;
	s17 =	sor.u32 $0x80, s1;
	[sflag:s23] =	ssyncadd.s32 $0xFFFFC180  }
0x4d: {  	[spmem:s2] =	stream.indirect.scatter.add.f32 [tilespmem:s21], [sflag:$0x5], $0x80, s17, s20, $0xb8;
	[tilespmem:$0x1C480] =	vst v63  }
.Ltmp5:
0x4e: {  	_ = 	snop;
	(pc) =	sbr.rel @p2 .LBB2_9-.Ltmp5, $4  }
0x4f: {  	_ =	swait.ge [sflag:s15], $0x3E80  }
0x50: {  	p1 =	sgt.u32 s0, $0x25;
	[sflag:s15] =	ssyncset.done $0x0  }
0x51: {  	s17 =	simm.s32 @!p1 $0x0;
	[sflag:s15] =	ssyncadd.s32 $0xFFFFC180  }
0x52: {  	[tilespmem:s1], [sflag:$0x3] =	stream.linear.gather @!p1 [hbm4b:s30+s17], $0x100, $0x38;
	[tilespmem:$0x1C480] =	vst v63  }
0x53: {  	p3 =	seq.s32 s0, $0x27  }
.Ltmp6:
0x54: {  	_ = 	snop;
	(pc) =	sbr.rel @p3 .LBB2_10-.Ltmp6, $1  }
0x55: {  	_ =	sdelay $0x3  }
0x56: {  	_ =	swait.ge [sflag:s26], $0x100  }
0x57: {  	[sflag:s26] =	ssyncset.done $0x0  }
0x58: {  	[sflag:s26] =	ssyncadd.s32 $0xFFFFFF00  }
.LBB2_9:
0x59: {  	s17 =	sxor.u32 $0x200, s1  }
0x5a: {  	[tilespmem:s21], [sflag:$0x1] =	stream.indirect.gather [hbm4b:s4+s20], $0x80, s17, s20, $0xb8;
	[tilespmem:$0x1C480] =	vst v63  }
.LBB2_10:
0x5b: {  	_ =	swait.ge [sflag:s24], $0x3E80  }
0x5c: {  	[sflag:s24] =	ssyncset.done $0x0  }
0x5d: {  	s17 =	sadd.s32 $0x180, s1;
	[sflag:s24] =	ssyncadd.s32 $0xFFFFC180  }
0x5e: {  	[spmem:s2] =	stream.indirect.scatter.add.f32 [tilespmem:s22], [sflag:$0x5], $0x80, s17, s20, $0xb8;
	[tilespmem:$0x1C480] =	vst v63  }
.Ltmp7:
0x5f: {  	_ = 	snop;
	(pc) =	sbr.rel @p2 .LBB2_13-.Ltmp7, $4  }
0x60: {  	_ =	swait.ge [sflag:s15], $0x3E80  }
0x61: {  	[sflag:s15] =	ssyncset.done $0x0  }
0x62: {  	s1 =	sadd.s32 @!p1 $0x100, s1;
	s17 =	simm.s32 @!p1 $0x0;
	[sflag:s15] =	ssyncadd.s32 $0xFFFFC180  }
0x63: {  	[tilespmem:s1], [sflag:$0x4] =	stream.linear.gather @!p1 [hbm4b:s31+s17], $0x100, $0x38;
	[tilespmem:$0x1C480] =	vst v63  }
0x64: {  	p1 =	seq.s32 s0, $0x27  }
.Ltmp8:
0x65: {  	_ = 	snop;
	(pc) =	sbr.rel @p1 .LBB2_14-.Ltmp8, $1  }
0x66: {  	_ =	sdelay $0x3  }
.Ltmp9:
0x67: {  	(pc) =	sbr.rel .LBB2_13-.Ltmp9, $4  }
0x68: {  	_ = 	snop  }
0x69: {  	_ =	swait.ge [sflag:s25], $0x100  }
0x6a: {  	[sflag:s25] =	ssyncset.done $0x0  }
0x6b: {  	[sflag:s25] =	ssyncadd.s32 $0xFFFFFF00  }
.LBB2_14:
.Ltmp10:
0x6c: {  	s0 =	stileid.u32;
	(pc) =	sbr.rel @!p0 .LBB2_16-.Ltmp10, $4  }
0x6d: {  	[bflag:$0x0] =	sbarrier.arrive $0xFFFF;
	s0 =	sshll.u32 s0, $0x6  }
0x6e: {  	s1 =	sshrl.u32 s10, $0x3;
	s29 =	sadd.s32 $0x100, s14;
	s0 =	sor.u32 $0x1C05, s0  }
0x6f: {  	[hbm:s14], [sflag:s0] =	dma.local [spmem:s1], $0x100  }
0x70: {  	s30 =	smov.u32 s10;
	s1 =	sadd.s32 $0xFFFFFFFF, s9;
	_ =	swait.ge [sflag:s15], $0x100  }
.LBB2_15:
0x71: {  	[sflag:s15] =	ssyncset.done $0x0;
	s30 =	sadd.s32 $0x800, s30;
	p0 =	sne.s32 s1, $0x1  }
.Ltmp11:
0x72: {  	s17 =	sshrl.u32 s30, $0x3;
	[sflag:s15] =	ssyncadd.s32 $0xFFFFFF00;
	(pc) =	sbr.rel @p0 .LBB2_15-.Ltmp11, $3  }
0x73: {  	[hbm:s29], [sflag:s0] =	dma.local [spmem:s17], $0x100  }
0x74: {  	s1 =	sadd.s32 $0xFFFFFFFF, s1;
	_ =	sdelay $0x1  }
0x75: {  	s29 =	sadd.s32 $0x100, s29;
	_ =	swait.ge [sflag:s15], $0x100  }
.LBB2_16:
0x76: {  	s28 =	sadd.s32 $0x1, s28  }
0x77: {  	p0 =	sne.s32 s28, s11  }
.Ltmp12:
0x78: {  	_ = 	snop;
	(pc) =	sbr.rel @p0 .LBB2_1-.Ltmp12, $3  }
0x79: {  	_ =	sdelay $0x1  }
0x7a: {  	[sflag:s15] =	ssyncset.done $0x0  }
0x7b: {  	[sflag:s15] =	ssyncadd.s32 $0xFFFFFF00  }
0x7c: {  	_ =	sfence.sel $0x180000  }
0x7d: {  	[bflag:$0x0] =	sbarrier.arrive $0xFFFF  }
0x7e: {  	_ =	strace $0x9000004D  }
0x7f: {  	s0 =	stileid.u32;
	[bflag:$0x2] =	sbarrier.arrive $0xFFFF  }
0x80: {  	p0 =	sne.s32 s0, $0x0;
	s0 =	rddreg [dreg:$0x2]  }
0x81: {  	s0 =	sadd.s32 @!p0 $0x100000, s0  }
0x82: {  	[sflag:s0] =	ssyncadd.tile.s32 @!p0 $0x1;
	_ =	shalt  }
.Lfunc_end2:
_tile_overlayer_lowered:
.L_overlay_start_2:
0x83: {  	(tag) =	ssettag $0x2  }
0x84: {  	s0 =	rddreg [dreg:$0x0];
	s2 =	stileid.u32  }
0x85: {  	s1 =	rddreg [dreg:$0x1];
	p0 =	sne.s32 s2, $0x0  }
0x86: {  	s3 =	rddreg [dreg:$0x2];
	[bflag:$0x3] =	sbarrier.arrive $0xFFFF;
	s2 =	simm.s32 @!p0 $0x1C05  }
0x87: {  	[timem:s3], [sflag:s2] =	dma.local @!p0 [hbm:s0], s1  }
0x88: {  	s0 =	simm.s32 @!p0 $0x5  }
0x89: {  	_ =	swait.ge @!p0 [sflag:s0], s1  }
0x8a: {  	s1 =	ssub.s32 @!p0 $0x0, s1;
	[sflag:s0] =	ssyncset.done @!p0 $0x0  }
0x8b: {  	[sflag:s0] =	ssyncadd.s32 @!p0 s1  }
0x8c: {  	[bflag:$0x3] =	sbarrier.arrive $0xFFFF  }
0x8d: {  	_ =	shalt  }

// kernel: kernel.8.cloned.1.call-start
scs
__scs_entry_jumppad:
0x0: {  	(pc) =	sbr.rel $0x88, $3  }
0x1: {  	(tag) =	ssettag $0x0;
	lr =	simm.s32 $0x1  }
0x2: {  	[smem:$0x3F9B] =	sst lr;
	_ =	strace $0xD0000000  }
0x3: {  	_ = 	snop  }
0x4: {  	_ = 	snop  }
0x5: {  	_ = 	snop  }
0x6: {  	_ = 	snop  }
0x7: {  	_ = 	snop  }
__scs_overlays_trampoline_lowered:
0x8: {  	[smem:$0x3FAA] =	sst s0  }
0x9: {  	[smem:$0x3FAB] =	sst s1  }
0xa: {  	[smem:$0x3FAC] =	sst s2  }
0xb: {  	[smem:$0x3FAD] =	sst s3  }
0xc: {  	[smem:$0x3FAE] =	sst s4  }
0xd: {  	[smem:$0x3FAF] =	sst s5  }
0xe: {  	[smem:$0x3FB0] =	sst s6  }
0xf: {  	[smem:$0x3FB1] =	sst s7  }
0x10: {  	[smem:$0x3FB2] =	sst s8  }
0x11: {  	[smem:$0x3FB3] =	sst s9;
	s0 =	simm.s32 @!p0 $0x0  }
0x12: {  	s1 =	sld [smem:$0x3F99];
	s0 =	simm.s32 @p0 $0x1  }
0x13: {  	[smem:$0x3FB4] =	sst s0;
	s0 =	simm.s32 @!p1 $0x0  }
0x14: {  	s2 =	sld [smem:$0x3F98];
	s0 =	simm.s32 @p1 $0x1  }
0x15: {  	[smem:$0x3FB5] =	sst s0;
	s0 =	simm.s32 @!p2 $0x0  }
0x16: {  	s3 =	sld [smem:$0x3FDB];
	s0 =	simm.s32 @p2 $0x1  }
0x17: {  	s4 =	simm.s32 $0x1BF5;
	[smem:$0x3FB7] =	sst s0  }
0x18: {  	s0 =	sld [smem:$0x3F9A];
	_ =	swait.ge [sflag:s4], $0x0  }
0x19: {  	s7 =	sld [smem:$0x3F9B]  }
0x1a: {  	s8 =	sadd.s32 $0xFFFFE003, lr  }
0x1b: {  	s9 =	sadd.s32 $0xFFFFFEF7, lr;
	s5 =	simm.s32 $0xFFFFFFFF;
	p2 =	slt.u32 s8, $0xFFFFF086  }
0x1c: {  	p1 =	slt.u32 s9, $0xF7A;
	s5 =	simm.s32 @!p2 $0x0  }
0x1d: {  	s5 =	simm.s32 @p1 $0x1;
	p0 =	seq.s32 s7, s2  }
0x1e: {  	s7 =	smul.u32 @!p0 $0xF7A, s2;
	p2 =	seq.s32 @!p0 s5, $0x0  }
0x1f: {  	s9 =	smul.u32 $0xF7A, s1;
	s8 =	simm.s32 @!p0 $0x1BF5;
	p2 =	por !p2, p0  }
0x20: {  	[sflag:s8] =	ssyncset.s32 @!p0 $0xFFFFF086;
	s6 =	sadd.s32 @!p0 s3, s7;
	s7 =	simm.s32 @!p0 $0x108  }
0x21: {  	s3 =	sadd.s32 s3, s9;
	s6 =	sadd.s32 @!p0 $0x88, s6;
	s7 =	simm.s32 @p2 $0x1082  }
0x22: {  	[simem:s7], [sflag:s8] =	dma.local @!p0 [hbm:s6], $0xF7A  }
0x23: {  	s9 =	sor.u32 $0xD0000000, s2;
	s6 =	simm.s32 $0x108;
	_ =	swait.ge @!p0 [sflag:s8], $0x0  }
0x24: {  	s3 =	sadd.s32 $0x88, s3;
	s6 =	simm.s32 @!p1 $0x1082;
	[sflag:s4] =	ssyncset.s32 $0xFFFFF086  }
0x25: {  	[simem:s6], [sflag:s4] =	dma.local [hbm:s3], $0xF7A  }
0x26: {  	[smem:$0x3F9B] =	sst s1;
	(tag) =	ssettag s2;
	_ =	strace s9  }
0x27: {  	s1 =	sld [smem:$0x3FAB]  }
0x28: {  	s2 =	sld [smem:$0x3FAC]  }
0x29: {  	s4 =	sld [smem:$0x3FAE]  }
0x2a: {  	p0 =	seq.s32 s5, $0x0;
	s5 =	sld [smem:$0x3FAF]  }
0x2b: {  	s6 =	sld [smem:$0x3FB0]  }
0x2c: {  	s7 =	sld [smem:$0x3FB1]  }
0x2d: {  	s3 =	simm.s32 $0x108;
	s8 =	sld [smem:$0x3FB2]  }
0x2e: {  	s3 =	simm.s32 @!p0 $0x1082;
	s9 =	sld [smem:$0x3FB3]  }
0x2f: {  	lr =	sadd.s32 s0, s3;
	s0 =	sld [smem:$0x3FAA]  }
0x30: {  	s3 =	sld [smem:$0x3FAD]  }
0x31: {  	[smem:$0x3FB6] =	sst s10  }
0x32: {  	s10 =	sld [smem:$0x3FB4];
	_ =	sdelay $0x3  }
0x33: {  	p0 =	seq.s32 s10, $0x1;
	s10 =	sld [smem:$0x3FB6];
	_ =	sdelay $0x3  }
0x34: {  	[smem:$0x3FB6] =	sst s10  }
0x35: {  	s10 =	sld [smem:$0x3FB5];
	_ =	sdelay $0x3  }
0x36: {  	p1 =	seq.s32 s10, $0x1;
	s10 =	sld [smem:$0x3FB6];
	_ =	sdelay $0x3  }
0x37: {  	[smem:$0x3FB6] =	sst s10  }
0x38: {  	s10 =	sld [smem:$0x3FB7]  }
0x39: {  	_ = 	snop;
	(pc) =	sbr.ind lr, $3  }
0x3a: {  	_ = 	snop  }
0x3b: {  	_ = 	snop  }
0x3c: {  	p2 =	seq.s32 s10, $0x1;
	s10 =	sld [smem:$0x3FB6]  }
0x3d: {  	_ =	shalt  }
0x3e: {  	_ =	shalt  }
0x3f: {  	_ =	shalt  }
0x40: {  	_ =	shalt  }
0x41: {  	_ =	shalt  }
0x42: {  	_ =	shalt  }
0x43: {  	_ =	shalt  }
0x44: {  	_ =	shalt  }
0x45: {  	_ =	shalt  }
0x46: {  	_ =	shalt  }
0x47: {  	_ =	shalt  }
0x48: {  	_ =	shalt  }
0x49: {  	_ =	shalt  }
0x4a: {  	_ =	shalt  }
0x4b: {  	_ =	shalt  }
0x4c: {  	_ =	shalt  }
0x4d: {  	_ =	shalt  }
0x4e: {  	_ =	shalt  }
0x4f: {  	_ =	shalt  }
0x50: {  	_ =	shalt  }
0x51: {  	_ =	shalt  }
0x52: {  	_ =	shalt  }
0x53: {  	_ =	shalt  }
0x54: {  	_ =	shalt  }
0x55: {  	_ =	shalt  }
0x56: {  	_ =	shalt  }
0x57: {  	_ =	shalt  }
0x58: {  	_ =	shalt  }
0x59: {  	_ =	shalt  }
0x5a: {  	_ =	shalt  }
0x5b: {  	_ =	shalt  }
0x5c: {  	_ =	shalt  }
0x5d: {  	_ =	shalt  }
0x5e: {  	_ =	shalt  }
0x5f: {  	_ =	shalt  }
0x60: {  	_ =	shalt  }
0x61: {  	_ =	shalt  }
0x62: {  	_ =	shalt  }
0x63: {  	_ =	shalt  }
0x64: {  	_ =	shalt  }
0x65: {  	_ =	shalt  }
0x66: {  	_ =	shalt  }
0x67: {  	_ =	shalt  }
0x68: {  	_ =	shalt  }
0x69: {  	_ =	shalt  }
0x6a: {  	_ =	shalt  }
0x6b: {  	_ =	shalt  }
0x6c: {  	_ =	shalt  }
0x6d: {  	_ =	shalt  }
0x6e: {  	_ =	shalt  }
0x6f: {  	_ =	shalt  }
0x70: {  	_ =	shalt  }
0x71: {  	_ =	shalt  }
0x72: {  	_ =	shalt  }
0x73: {  	_ =	shalt  }
0x74: {  	_ =	shalt  }
0x75: {  	_ =	shalt  }
0x76: {  	_ =	shalt  }
0x77: {  	_ =	shalt  }
0x78: {  	_ =	shalt  }
0x79: {  	_ =	shalt  }
0x7a: {  	_ =	shalt  }
0x7b: {  	_ =	shalt  }
0x7c: {  	_ =	shalt  }
0x7d: {  	_ =	shalt  }
0x7e: {  	_ =	shalt  }
0x7f: {  	_ =	shalt  }
0x80: {  	_ =	shalt  }
0x81: {  	_ =	shalt  }
0x82: {  	_ =	shalt  }
0x83: {  	_ =	shalt  }
0x84: {  	_ =	shalt  }
0x85: {  	_ =	shalt  }
0x86: {  	_ =	shalt  }
0x87: {  	_ =	shalt  }
.Lfunc_end0:
.L_simem_size_0:
called_computation_lowered:
.L_overlay_start_0:
0x88: {  	s2 =	sld [smem:$0x3FD9]  }
0x89: {  	s3 =	sld [smem:$0x3FFE];
	_ =	sdelay $0x1  }
0x8a: {  	s1 =	srdreg.scid  }
0x8b: {  	s0 =	sand.u32 $0x1, s1  }
0x8c: {  	s16 =	sshll.u32 s0, $0xA;
	s2 =	sadd.s32 s3, s2  }
0x8d: {  	s2 =	sadd.s32 s2, s16  }
0x8e: {  	[smem:$0x3FC2] =	sst s2  }
0x8f: {  	_ = 	snop  }
0x90: {  	(tm) =	ssettm $0x1  }
0x91: {  	s17 =	sld [smem:$0x3FFB];
	_ =	sdelay $0x3  }
0x92: {  	_ =	strace s17  }
0x93: {  	s2 =	sld [smem:$0x3FFC];
	_ =	sdelay $0x3  }
0x94: {  	_ =	strace s2  }
0x95: {  	s2 =	sld [smem:$0x3FFD];
	_ =	sdelay $0x3  }
0x96: {  	_ =	strace s2  }
0x97: {  	_ =	strace $0x8FFFFFFF  }
0x98: {  	s18 =	sld [smem:$0x3FDB];
	_ =	sdelay $0x1  }
0x99: {  	s19 =	simm.s32 $_scs_section_size  }
0x9a: {  	s4 =	simm.s32 $_size__tile_overlayer_lowered;
	s5 =	simm.s32 $_tile_overlayer_lowered  }
0x9b: {  	s22 =	simm.s32 $0x1BFF;
	s21 =	sshll.u32 s5, $0x1;
	s2 =	sadd.s32 s19, s18  }
0x9c: {  	s6 =	simm.s32 $0x0;
	s20 =	sshll.u32 s4, $0x1;
	s4 =	sadd.s32 s21, s2  }
0x9d: {  	[timem:s6], [sflag:s22] =	dma.local [hbm:s4], s20  }
0x9e: {  	_ =	swait.ge [sflag:s22], s20  }
0x9f: {  	s3 =	ssub.s32 $0x0, s20;
	[sflag:s22] =	ssyncset.done $0x0  }
0xa0: {  	[sflag:s22] =	ssyncadd.s32 s3;
	_ =	sdelay $0x1  }
0xa1: {  	s23 =	simm.s32 $0x1B8B  }
0xa2: {  	_ =	swait.ge [sflag:s23], $0x1  }
0xa3: {  	[sflag:s23] =	ssyncset.done $0x0  }
0xa4: {  	s25 =	simm.s32 $0x1B8E;
	s24 =	sld [smem:$0x3FFE];
	[sflag:s23] =	ssyncadd.s32 $0xFFFFFFFF  }
0xa5: {  	s26 =	simm.s32 $execute0_lowered;
	[smem:$0x3FD2] =	sst s25  }
0xa6: {  	s4 =	sshll.u32 s26, $0x1;
	_ =	strace $0x80000046;
	[dreg:$0x1] =	wrdreg $0xFFFFFFFF  }
0xa7: {  	s28 =	simm.s32 $_size_execute0_lowered;
	s2 =	sadd.s32 s2, s4;
	[dreg:$0x0] =	wrdreg $0x0  }
0xa8: {  	s4 =	sshll.u32 s28, $0x1;
	[dreg:$0x2] =	wrdreg s2  }
0xa9: {  	[dreg:$0x3] =	wrdreg s4  }
0xaa: {  	[dreg:$0x4] =	wrdreg $0xC0  }
0xab: {  	_ =	task [dreg:s6], $0x5FFFF  }
0xac: {  	[dreg:$0x1] =	wrdreg $0xFFFFFFFF  }
0xad: {  	[dreg:$0x0] =	wrdreg $0x60  }
0xae: {  	[dreg:$0x2] =	wrdreg s24  }
0xaf: {  	[dreg:$0x3] =	wrdreg $0x70000  }
0xb0: {  	[dreg:$0x4] =	wrdreg $0x9  }
0xb1: {  	_ =	task.clear_ibuf [dreg:s6], $0x5FFFF;
	_ =	strace $0x90000046  }
0xb2: {  	s29 =	simm.s32 $0x9;
	_ =	strace $0x80000048  }
0xb3: {  	_ =	swait.ge [sflag:s29], $0x1  }
0xb4: {  	[sflag:s29] =	ssyncadd.s32 $0xFFFFFFFF  }
0xb5: {  	_ =	strace $0x90000048  }
0xb6: {  	_ =	sfence  }
0xb7: {  	s30 =	sld [smem:$0x0];
	_ =	sdelay $0x2  }
0xb8: {  	s31 =	sshll.u32 s1, $0xD;
	s1 =	sshrl.u32 s1, $0x2  }
0xb9: {  	s3 =	sand.u32 $0x4000, s31;
	s1 =	sadd.s32 s1, s30  }
0xba: {  	s0 =	sor.u32 s3, s0;
	s1 =	sshll.u32 s1, $0x11  }
0xbb: {  	s0 =	sor.u32 s1, s0  }
0xbc: {  	s0 =	sadd.s32 $0x8F2B, s0  }
0xbd: {  	[sflag:s0] =	ssyncadd.remote.s32 $0x1  }
0xbe: {  	_ =	sfence.sel $0xFFFF  }
0xbf: {  	[dreg:$0x0] =	wrdreg $0xFFFFFFFF;
	(pc) =	sbr.abs _section_cstart, $3  }
0xc0: {  	[dreg:$0x1] =	wrdreg $0xFFFFFFFF  }
0xc1: {  	_ =	task.clear_ibuf [dreg:s6], $0x2FFFF;
	_ =	strace $0x9FFFFFFF  }
0xc2: {  	(tm) =	ssettm $0x7FFFFFFF  }
0xc3: {  	_ =	shalt  }
tec
execute0_lowered:
.L_overlay_start_1:
0x0: {  	(tag) =	ssettag $0x1  }
0x1: {  	s1 =	srdreg.scid;
	s5 =	rddreg [dreg:$0x0]  }
0x2: {  	s0 =	stileid.u32;
	s2 =	rddreg [dreg:$0x1];
	s3 =	simm.s32 $0x0  }
0x3: {  	s11 =	simm.s32 $0x7D;
	s12 =	simm.s32 $0x2800;
	s13 =	simm.s32 $0x1  }
0x4: {  	s15 =	simm.s32 $0x0;
	s4 =	sand.u32 $0x1, s1;
	s8 =	smul.u32 $0x13800, s0  }
0x5: {  	s28 =	sshll.u32 s0, $0x1;
	[smem:$0x7FF] =	sst s3;
	s9 =	smul.u32 $0x4E000, s0  }
0x6: {  	p0 =	seq.s32 s0, $0xF;
	s14 =	sshll.u32 s0, $0x6;
	s1 =	sor.u32 s4, s28  }
0x7: {  	s7 =	smul.u32 $0x138800, s4;
	s4 =	ssub.s32 $0x2, s4;
	s14 =	sor.u32 $0x1C02, s14  }
0x8: {  	s6 =	smul.u32 $0x500, s1;
	s1 =	rddreg [dreg:$0x2];
	_ =	strace $0x80000047  }
0x9: {  	s29 =	sshrl.u32 s4, $0x1;
	s31 =	sshrl.u32 s9, $0x2;
	s7 =	sadd.s32 s8, s7  }
0xa: {  	s9 =	simm.s32 $0x2;
	s6 =	sadd.s32 s6, s5;
	s7 =	sshrl.u32 s7, $0x3  }
0xb: {  	s30 =	ssub.s32 s4, s29;
	s10 =	sadd.s32 s7, s5;
	s4 =	sadd.s32 $0x1C00, s6  }
0xc: {  	s5 =	simm.s32 $0x28;
	s6 =	sadd.s32 s31, s2;
	s7 =	smax.u32 s30, $0x1  }
0xd: {  	v0 =	vimm.f32 $0.0e+00;
	v1 =	vimm.f32 $1.000000000e+00;
	s5 =	simm.s32 @!p0 $0x27;
	s8 =	sadd.s32 $0xBC00, s10;
	s10 =	simm.s32 $0x6800  }
.LBB2_1:
0xe: {  	[tilespmem:s3], [sflag:$0x2] =	stream.linear.gather [hbm4b:s4+s3], $0x2800, $0x38;
	[tilespmem:$0x9710] =	vst v63  }
0xf: {  	_ =	swait.ge [sflag:s9], $0x2800  }
0x10: {  	[sflag:s9] =	ssyncset.done $0x0  }
0x11: {  	[sflag:s9] =	ssyncadd.s32 $0xFFFFD800  }
0x12: {  	[tilespmem:$0x6800] =	vst v0  }
0x13: {  	[tilespmem:$0x6880] =	vst v0  }
0x14: {  	[tilespmem:$0x6900] =	vst v0  }
0x15: {  	[tilespmem:$0x6980] =	vst v0  }
0x16: {  	[tilespmem:$0x6A00] =	vst v0  }
0x17: {  	[tilespmem:$0x6A80] =	vst v0  }
0x18: {  	[tilespmem:$0x6B00] =	vst v0  }
0x19: {  	[tilespmem:$0x6B80] =	vst v0  }
0x1a: {  	[tilespmem:$0x6C00] =	vst v0  }
0x1b: {  	[tilespmem:$0x6C80] =	vst v0  }
0x1c: {  	[tilespmem:$0x6D00] =	vst v0  }
0x1d: {  	[tilespmem:$0x6D80] =	vst v0  }
0x1e: {  	[tilespmem:$0x6E00] =	vst v0  }
0x1f: {  	[tilespmem:$0x6E80] =	vst v0  }
0x20: {  	[tilespmem:$0x6F00] =	vst v0  }
0x21: {  	s16 =	simm.s32 $0x200;
	s17 =	simm.s32 $0x0;
	[tilespmem:$0x6F80] =	vst v0  }
.LBB2_2:
0x22: {  	p0 =	sne.s32 s16, $0xF800;
	[tilespmem:s17+$0x2800] =	vst v1;
	s17 =	smov.u32 s16;
	s16 =	sadd.s32 $0x200, s16  }
.Ltmp0:
0x23: {  	(pc) =	sbr.rel @p0 .LBB2_2-.Ltmp0, $2  }
0x24: {  	_ =	sdelay $0x2  }
0x25: {  	s17 =	sshra.s32 s17, $0x2  }
0x26: {  	p0 =	sne.s32 s5, $0x1  }
.Ltmp1:
0x27: {  	_ = 	snop;
	(pc) =	sbr.rel @!p0 .LBB2_5-.Ltmp1, $4  }
0x28: {  	[tilespmem:s17+$0x2800] =	vst v1  }
0x29: {  	[spmem:s6] =	stream.linear.scatter [tilespmem:s10], [sflag:$0x2], $0x800, $0x38;
	[tilespmem:$0x9710] =	vst v63  }
0x2a: {  	_ =	swait.ge [sflag:s9], $0x800  }
0x2b: {  	s16 =	sadd.s32 $0xFFFFFFFF, s5;
	s17 =	smov.u32 s6;
	[sflag:s9] =	ssyncset.done $0x0  }
.LBB2_4:
0x2c: {  	p1 =	sne.s32 s16, $0x1;
	[sflag:s9] =	ssyncadd.s32 $0xFFFFF800;
	s17 =	sadd.s32 $0x800, s17  }
.Ltmp2:
0x2d: {  	s16 =	sadd.s32 $0xFFFFFFFF, s16;
	(pc) =	sbr.rel @p1 .LBB2_4-.Ltmp2, $4  }
0x2e: {  	_ = 	snop  }
0x2f: {  	[spmem:s17] =	stream.linear.scatter [tilespmem:s10], [sflag:$0x2], $0x800, $0x38;
	[tilespmem:$0x9710] =	vst v63  }
0x30: {  	_ =	swait.ge [sflag:s9], $0x800  }
0x31: {  	[sflag:s9] =	ssyncset.done $0x0  }
.LBB2_5:
0x32: {  	[sflag:s9] =	ssyncadd.s32 $0xFFFFF800  }
0x33: {  	s16 =	simm.s32 $0x0;
	[bflag:$0x0] =	sbarrier.arrive $0xFFFF  }
0x34: {  	[spmem:s2] =	stream.indirect.scatter.add.f32 [tilespmem:s12], [sflag:$0x1], $0x10, s16, s11, $0xb8;
	[tilespmem:$0x9710] =	vst v63  }
0x35: {  	s22 =	simm.s32 $0x80  }
0x36: {  	[spmem:s2] =	stream.indirect.scatter.add.f32 [tilespmem:s12], [sflag:$0x1], $0x10, s22, s11, $0xb8;
	[tilespmem:$0x9710] =	vst v63  }
0x37: {  	s23 =	simm.s32 $0x100  }
0x38: {  	[spmem:s2] =	stream.indirect.scatter.add.f32 [tilespmem:s12], [sflag:$0x1], $0x10, s23, s11, $0xb8;
	[tilespmem:$0x9710] =	vst v63  }
0x39: {  	s24 =	simm.s32 $0x180  }
0x3a: {  	[spmem:s2] =	stream.indirect.scatter.add.f32 [tilespmem:s12], [sflag:$0x1], $0x10, s24, s11, $0xb8;
	[tilespmem:$0x9710] =	vst v63  }
0x3b: {  	s25 =	simm.s32 $0x200  }
0x3c: {  	[spmem:s2] =	stream.indirect.scatter.add.f32 [tilespmem:s12], [sflag:$0x1], $0x10, s25, s11, $0xb8;
	[tilespmem:$0x9710] =	vst v63  }
0x3d: {  	s26 =	simm.s32 $0x280  }
0x3e: {  	[spmem:s2] =	stream.indirect.scatter.add.f32 [tilespmem:s12], [sflag:$0x1], $0x10, s26, s11, $0xb8;
	[tilespmem:$0x9710] =	vst v63  }
0x3f: {  	s28 =	simm.s32 $0x300  }
0x40: {  	[spmem:s2] =	stream.indirect.scatter.add.f32 [tilespmem:s12], [sflag:$0x1], $0x10, s28, s11, $0xb8;
	[tilespmem:$0x9710] =	vst v63  }
0x41: {  	s29 =	simm.s32 $0x380  }
0x42: {  	[spmem:s2] =	stream.indirect.scatter.add.f32 [tilespmem:s12], [sflag:$0x1], $0x10, s29, s11, $0xb8;
	[tilespmem:$0x9710] =	vst v63  }
0x43: {  	s30 =	simm.s32 $0x400  }
0x44: {  	[spmem:s2] =	stream.indirect.scatter.add.f32 [tilespmem:s12], [sflag:$0x1], $0x10, s30, s11, $0xb8;
	[tilespmem:$0x9710] =	vst v63  }
0x45: {  	s31 =	simm.s32 $0x480  }
0x46: {  	[spmem:s2] =	stream.indirect.scatter.add.f32 [tilespmem:s12], [sflag:$0x1], $0x10, s31, s11, $0xb8;
	[tilespmem:$0x9710] =	vst v63  }
0x47: {  	_ =	swait.ge [sflag:s13], $0x7D0  }
0x48: {  	[sflag:s13] =	ssyncset.done $0x0  }
0x49: {  	[sflag:s13] =	ssyncadd.s32 $0xFFFFF830  }
0x4a: {  	_ =	swait.ge [sflag:s13], $0x7D0  }
0x4b: {  	[sflag:s13] =	ssyncset.done $0x0  }
0x4c: {  	[sflag:s13] =	ssyncadd.s32 $0xFFFFF830  }
0x4d: {  	_ =	swait.ge [sflag:s13], $0x7D0  }
0x4e: {  	[sflag:s13] =	ssyncset.done $0x0  }
0x4f: {  	[sflag:s13] =	ssyncadd.s32 $0xFFFFF830  }
0x50: {  	_ =	swait.ge [sflag:s13], $0x7D0  }
0x51: {  	[sflag:s13] =	ssyncset.done $0x0  }
0x52: {  	[sflag:s13] =	ssyncadd.s32 $0xFFFFF830  }
0x53: {  	_ =	swait.ge [sflag:s13], $0x7D0  }
0x54: {  	[sflag:s13] =	ssyncset.done $0x0  }
0x55: {  	[sflag:s13] =	ssyncadd.s32 $0xFFFFF830  }
0x56: {  	_ =	swait.ge [sflag:s13], $0x7D0  }
0x57: {  	[sflag:s13] =	ssyncset.done $0x0  }
0x58: {  	[sflag:s13] =	ssyncadd.s32 $0xFFFFF830  }
0x59: {  	_ =	swait.ge [sflag:s13], $0x7D0  }
0x5a: {  	[sflag:s13] =	ssyncset.done $0x0  }
0x5b: {  	[sflag:s13] =	ssyncadd.s32 $0xFFFFF830  }
0x5c: {  	_ =	swait.ge [sflag:s13], $0x7D0  }
0x5d: {  	[sflag:s13] =	ssyncset.done $0x0  }
0x5e: {  	[sflag:s13] =	ssyncadd.s32 $0xFFFFF830  }
0x5f: {  	_ =	swait.ge [sflag:s13], $0x7D0  }
0x60: {  	[sflag:s13] =	ssyncset.done $0x0  }
0x61: {  	[sflag:s13] =	ssyncadd.s32 $0xFFFFF830  }
0x62: {  	_ =	swait.ge [sflag:s13], $0x7D0  }
0x63: {  	s18 =	simm.s32 $0x2800;
	s16 =	simm.s32 $0x1400;
	[sflag:s13] =	ssyncset.done $0x0  }
.LBB2_6:
0x64: {  	s19 =	sshra.s32 s16, $0x2  }
0x65: {  	[sflag:s13] =	ssyncadd.s32 $0xFFFFF830;
	s16 =	smov.u32 s18;
	s17 =	sadd.s32 $0x1400, s18  }
0x66: {  	[spmem:s2] =	stream.indirect.scatter.add.f32 [tilespmem:s12], [sflag:$0x1], $0x10, s19, s11, $0xb8;
	[tilespmem:$0x9710] =	vst v63  }
0x67: {  	p1 =	sne.s32 s18, $0x8C00;
	s18 =	sadd.s32 $0x80, s19  }
0x68: {  	[spmem:s2] =	stream.indirect.scatter.add.f32 [tilespmem:s12], [sflag:$0x1], $0x10, s18, s11, $0xb8;
	[tilespmem:$0x9710] =	vst v63  }
0x69: {  	s18 =	sadd.s32 $0x100, s19  }
0x6a: {  	[spmem:s2] =	stream.indirect.scatter.add.f32 [tilespmem:s12], [sflag:$0x1], $0x10, s18, s11, $0xb8;
	[tilespmem:$0x9710] =	vst v63  }
0x6b: {  	s18 =	sadd.s32 $0x180, s19  }
0x6c: {  	[spmem:s2] =	stream.indirect.scatter.add.f32 [tilespmem:s12], [sflag:$0x1], $0x10, s18, s11, $0xb8;
	[tilespmem:$0x9710] =	vst v63  }
0x6d: {  	s18 =	sadd.s32 $0x200, s19  }
0x6e: {  	[spmem:s2] =	stream.indirect.scatter.add.f32 [tilespmem:s12], [sflag:$0x1], $0x10, s18, s11, $0xb8;
	[tilespmem:$0x9710] =	vst v63  }
0x6f: {  	s18 =	sadd.s32 $0x280, s19  }
0x70: {  	[spmem:s2] =	stream.indirect.scatter.add.f32 [tilespmem:s12], [sflag:$0x1], $0x10, s18, s11, $0xb8;
	[tilespmem:$0x9710] =	vst v63  }
0x71: {  	s18 =	sadd.s32 $0x300, s19  }
0x72: {  	[spmem:s2] =	stream.indirect.scatter.add.f32 [tilespmem:s12], [sflag:$0x1], $0x10, s18, s11, $0xb8;
	[tilespmem:$0x9710] =	vst v63  }
0x73: {  	s18 =	sadd.s32 $0x380, s19  }
0x74: {  	[spmem:s2] =	stream.indirect.scatter.add.f32 [tilespmem:s12], [sflag:$0x1], $0x10, s18, s11, $0xb8;
	[tilespmem:$0x9710] =	vst v63  }
0x75: {  	s18 =	sadd.s32 $0x400, s19  }
0x76: {  	[spmem:s2] =	stream.indirect.scatter.add.f32 [tilespmem:s12], [sflag:$0x1], $0x10, s18, s11, $0xb8;
	[tilespmem:$0x9710] =	vst v63  }
0x77: {  	s18 =	sadd.s32 $0x480, s19  }
0x78: {  	[spmem:s2] =	stream.indirect.scatter.add.f32 [tilespmem:s12], [sflag:$0x1], $0x10, s18, s11, $0xb8;
	[tilespmem:$0x9710] =	vst v63  }
0x79: {  	_ =	swait.ge [sflag:s13], $0x7D0  }
0x7a: {  	[sflag:s13] =	ssyncset.done $0x0  }
0x7b: {  	[sflag:s13] =	ssyncadd.s32 $0xFFFFF830  }
0x7c: {  	_ =	swait.ge [sflag:s13], $0x7D0  }
0x7d: {  	[sflag:s13] =	ssyncset.done $0x0  }
0x7e: {  	[sflag:s13] =	ssyncadd.s32 $0xFFFFF830  }
0x7f: {  	_ =	swait.ge [sflag:s13], $0x7D0  }
0x80: {  	[sflag:s13] =	ssyncset.done $0x0  }
0x81: {  	[sflag:s13] =	ssyncadd.s32 $0xFFFFF830  }
0x82: {  	_ =	swait.ge [sflag:s13], $0x7D0  }
0x83: {  	[sflag:s13] =	ssyncset.done $0x0  }
0x84: {  	[sflag:s13] =	ssyncadd.s32 $0xFFFFF830  }
0x85: {  	_ =	swait.ge [sflag:s13], $0x7D0  }
0x86: {  	[sflag:s13] =	ssyncset.done $0x0  }
0x87: {  	[sflag:s13] =	ssyncadd.s32 $0xFFFFF830  }
0x88: {  	_ =	swait.ge [sflag:s13], $0x7D0  }
0x89: {  	[sflag:s13] =	ssyncset.done $0x0  }
0x8a: {  	[sflag:s13] =	ssyncadd.s32 $0xFFFFF830  }
0x8b: {  	_ =	swait.ge [sflag:s13], $0x7D0  }
0x8c: {  	[sflag:s13] =	ssyncset.done $0x0  }
0x8d: {  	[sflag:s13] =	ssyncadd.s32 $0xFFFFF830  }
0x8e: {  	_ =	swait.ge [sflag:s13], $0x7D0  }
0x8f: {  	[sflag:s13] =	ssyncset.done $0x0  }
0x90: {  	[sflag:s13] =	ssyncadd.s32 $0xFFFFF830  }
.Ltmp3:
0x91: {  	_ =	swait.ge [sflag:s13], $0x7D0;
	(pc) =	sbr.rel @p1 .LBB2_6-.Ltmp3, $4  }
0x92: {  	[sflag:s13] =	ssyncset.done $0x0  }
0x93: {  	[sflag:s13] =	ssyncadd.s32 $0xFFFFF830  }
0x94: {  	_ =	swait.ge [sflag:s13], $0x7D0  }
0x95: {  	s18 =	smov.u32 s17;
	[sflag:s13] =	ssyncset.done $0x0  }
0x96: {  	s16 =	sshra.s32 s16, $0x2;
	[sflag:s13] =	ssyncadd.s32 $0xFFFFF830  }
0x97: {  	[spmem:s2] =	stream.indirect.scatter.add.f32 [tilespmem:s12], [sflag:$0x1], $0x10, s16, s11, $0xb8;
	[tilespmem:$0x9710] =	vst v63  }
0x98: {  	s17 =	sadd.s32 $0x80, s16  }
0x99: {  	[spmem:s2] =	stream.indirect.scatter.add.f32 [tilespmem:s12], [sflag:$0x1], $0x10, s17, s11, $0xb8;
	[tilespmem:$0x9710] =	vst v63  }
0x9a: {  	s23 =	sadd.s32 $0x100, s16  }
0x9b: {  	[spmem:s2] =	stream.indirect.scatter.add.f32 [tilespmem:s12], [sflag:$0x1], $0x10, s23, s11, $0xb8;
	[tilespmem:$0x9710] =	vst v63  }
0x9c: {  	s24 =	sadd.s32 $0x180, s16  }
0x9d: {  	[spmem:s2] =	stream.indirect.scatter.add.f32 [tilespmem:s12], [sflag:$0x1], $0x10, s24, s11, $0xb8;
	[tilespmem:$0x9710] =	vst v63  }
0x9e: {  	s25 =	sadd.s32 $0x200, s16  }
0x9f: {  	[spmem:s2] =	stream.indirect.scatter.add.f32 [tilespmem:s12], [sflag:$0x1], $0x10, s25, s11, $0xb8;
	[tilespmem:$0x9710] =	vst v63  }
0xa0: {  	s26 =	sadd.s32 $0x280, s16  }
0xa1: {  	[spmem:s2] =	stream.indirect.scatter.add.f32 [tilespmem:s12], [sflag:$0x1], $0x10, s26, s11, $0xb8;
	[tilespmem:$0x9710] =	vst v63  }
0xa2: {  	s28 =	sadd.s32 $0x300, s16  }
0xa3: {  	[spmem:s2] =	stream.indirect.scatter.add.f32 [tilespmem:s12], [sflag:$0x1], $0x10, s28, s11, $0xb8;
	[tilespmem:$0x9710] =	vst v63  }
0xa4: {  	s29 =	sadd.s32 $0x380, s16  }
0xa5: {  	[spmem:s2] =	stream.indirect.scatter.add.f32 [tilespmem:s12], [sflag:$0x1], $0x10, s29, s11, $0xb8;
	[tilespmem:$0x9710] =	vst v63  }
0xa6: {  	s30 =	sadd.s32 $0x400, s16  }
0xa7: {  	[spmem:s2] =	stream.indirect.scatter.add.f32 [tilespmem:s12], [sflag:$0x1], $0x10, s30, s11, $0xb8;
	[tilespmem:$0x9710] =	vst v63  }
0xa8: {  	s16 =	sadd.s32 $0x480, s16  }
0xa9: {  	[spmem:s2] =	stream.indirect.scatter.add.f32 [tilespmem:s12], [sflag:$0x1], $0x10, s16, s11, $0xb8;
	[tilespmem:$0x9710] =	vst v63  }
0xaa: {  	_ =	swait.ge [sflag:s13], $0x7D0  }
0xab: {  	[sflag:s13] =	ssyncset.done $0x0  }
0xac: {  	[sflag:s13] =	ssyncadd.s32 $0xFFFFF830  }
0xad: {  	_ =	swait.ge [sflag:s13], $0x7D0  }
0xae: {  	[sflag:s13] =	ssyncset.done $0x0  }
0xaf: {  	[sflag:s13] =	ssyncadd.s32 $0xFFFFF830  }
0xb0: {  	_ =	swait.ge [sflag:s13], $0x7D0  }
0xb1: {  	[sflag:s13] =	ssyncset.done $0x0  }
0xb2: {  	[sflag:s13] =	ssyncadd.s32 $0xFFFFF830  }
0xb3: {  	_ =	swait.ge [sflag:s13], $0x7D0  }
0xb4: {  	[sflag:s13] =	ssyncset.done $0x0  }
0xb5: {  	[sflag:s13] =	ssyncadd.s32 $0xFFFFF830  }
0xb6: {  	_ =	swait.ge [sflag:s13], $0x7D0  }
0xb7: {  	[sflag:s13] =	ssyncset.done $0x0  }
0xb8: {  	[sflag:s13] =	ssyncadd.s32 $0xFFFFF830  }
0xb9: {  	_ =	swait.ge [sflag:s13], $0x7D0  }
0xba: {  	[sflag:s13] =	ssyncset.done $0x0  }
0xbb: {  	[sflag:s13] =	ssyncadd.s32 $0xFFFFF830  }
0xbc: {  	_ =	swait.ge [sflag:s13], $0x7D0  }
0xbd: {  	[sflag:s13] =	ssyncset.done $0x0  }
0xbe: {  	[sflag:s13] =	ssyncadd.s32 $0xFFFFF830  }
0xbf: {  	_ =	swait.ge [sflag:s13], $0x7D0  }
0xc0: {  	[sflag:s13] =	ssyncset.done $0x0  }
0xc1: {  	[sflag:s13] =	ssyncadd.s32 $0xFFFFF830  }
0xc2: {  	_ =	swait.ge [sflag:s13], $0x7D0  }
0xc3: {  	[sflag:s13] =	ssyncset.done $0x0  }
0xc4: {  	[sflag:s13] =	ssyncadd.s32 $0xFFFFF830  }
0xc5: {  	_ =	swait.ge [sflag:s13], $0x7D0  }
0xc6: {  	[sflag:s13] =	ssyncset.done $0x0  }
.Ltmp4:
0xc7: {  	[sflag:s13] =	ssyncadd.s32 $0xFFFFF830;
	(pc) =	sbr.rel @!p0 .LBB2_9-.Ltmp4, $4  }
0xc8: {  	s31 =	sshrl.u32 s6, $0x3;
	[bflag:$0x0] =	sbarrier.arrive $0xFFFF  }
0xc9: {  	[hbm:s8], [sflag:s14] =	dma.local [spmem:s31], $0x100  }
0xca: {  	s18 =	smov.u32 s8;
	_ =	swait.ge [sflag:s9], $0x100  }
0xcb: {  	s17 =	sadd.s32 $0x800, s6;
	s16 =	sadd.s32 $0xFFFFFFFF, s5;
	[sflag:s9] =	ssyncset.done $0x0  }
.LBB2_8:
0xcc: {  	s19 =	sshrl.u32 s17, $0x3  }
0xcd: {  	[sflag:s9] =	ssyncadd.s32 $0xFFFFFF00;
	s18 =	sadd.s32 $0x100, s18;
	p0 =	sne.s32 s16, $0x1  }
0xce: {  	[hbm:s18], [sflag:s14] =	dma.local [spmem:s19], $0x100  }
.Ltmp5:
0xcf: {  	_ = 	snop;
	(pc) =	sbr.rel @p0 .LBB2_8-.Ltmp5, $4  }
0xd0: {  	_ = 	snop  }
0xd1: {  	s16 =	sadd.s32 $0xFFFFFFFF, s16  }
0xd2: {  	_ =	swait.ge [sflag:s9], $0x100  }
0xd3: {  	s17 =	sadd.s32 $0x800, s17;
	[sflag:s9] =	ssyncset.done $0x0  }
.LBB2_9:
0xd4: {  	s15 =	sadd.s32 $0x1, s15  }
0xd5: {  	p0 =	sne.s32 s15, s7  }
.Ltmp6:
0xd6: {  	_ = 	snop;
	(pc) =	sbr.rel @p0 .LBB2_1-.Ltmp6, $2  }
0xd7: {  	_ =	sdelay $0x2  }
0xd8: {  	[sflag:s9] =	ssyncadd.s32 $0xFFFFFF00  }
0xd9: {  	_ =	sfence.sel $0x180000  }
0xda: {  	[bflag:$0x0] =	sbarrier.arrive $0xFFFF  }
0xdb: {  	p0 =	sne.s32 s0, $0x0;
	_ =	strace $0x90000047  }
0xdc: {  	s0 =	sadd.s32 @!p0 $0x100000, s1;
	[bflag:$0x2] =	sbarrier.arrive $0xFFFF  }
0xdd: {  	[sflag:s0] =	ssyncadd.tile.s32 @!p0 $0x1;
	_ =	shalt  }
.Lfunc_end2:
_tile_overlayer_lowered:
.L_overlay_start_2:
0xde: {  	(tag) =	ssettag $0x2  }
0xdf: {  	s0 =	rddreg [dreg:$0x0];
	s2 =	stileid.u32  }
0xe0: {  	s1 =	rddreg [dreg:$0x1];
	p0 =	sne.s32 s2, $0x0  }
0xe1: {  	s3 =	rddreg [dreg:$0x2];
	[bflag:$0x3] =	sbarrier.arrive $0xFFFF;
	s2 =	simm.s32 @!p0 $0x1C02  }
0xe2: {  	[timem:s3], [sflag:s2] =	dma.local @!p0 [hbm:s0], s1  }
0xe3: {  	s0 =	simm.s32 @!p0 $0x2  }
0xe4: {  	_ =	swait.ge @!p0 [sflag:s0], s1  }
0xe5: {  	s1 =	ssub.s32 @!p0 $0x0, s1;
	[sflag:s0] =	ssyncset.done @!p0 $0x0  }
0xe6: {  	[sflag:s0] =	ssyncadd.s32 @!p0 s1  }
0xe7: {  	[bflag:$0x3] =	sbarrier.arrive $0xFFFF  }
0xe8: {  	_ =	shalt  }

</sc_bundles>
